<compile_context>
chip_gen: v7x
topology: tpu7x:2x2x1
jax: 0.10.2.dev20260603
libtpu: 0.0.44.dev20260713+nightly
codegen_flags: <defaults>
</compile_context>

<pallas_src>
import functools

import jax
import jax.numpy as jnp
from jax import lax
from jax.experimental import pallas as pl
from jax.experimental.pallas import tpu as pltpu
from jax.experimental.pallas import tpu_sc as plsc

N = 10000
NPAD = 10240
E = 320000
D_IN = 128
D_H = 256
DHALF = 128

NCORES = 2
NTILES = 16
NWORKERS = NCORES * NTILES
CHUNK = 128
CHUNKS_PER_TILE = 160
GROUP = 16
EPT = CHUNKS_PER_TILE * CHUNK
EPAD = NTILES * EPT
ROWS_PER_TILE = NPAD // NTILES
EPW = E // NWORKERS

BLK = 1024
RB = BLK // 128


def _sc_mesh():
    return plsc.VectorSubcoreMesh(core_axis_name="c", subcore_axis_name="s")


def _deg_partials(dst):

    @functools.partial(
        pl.kernel,
        out_type=jax.ShapeDtypeStruct((NWORKERS, NPAD), jnp.float32),
        mesh=_sc_mesh(),
        compiler_params=pltpu.CompilerParams(needs_layout_passes=False),
        scratch_types=[
            pltpu.VMEM((EPW,), jnp.int32),
            pltpu.VMEM((NPAD,), jnp.float32),
            pltpu.SemaphoreType.DMA,
        ],
    )
    def deg_kernel(dst_hbm, out_hbm, dst_v, part_v, sem):
        c = lax.axis_index("c")
        s = lax.axis_index("s")
        wid = s * NCORES + c
        pltpu.async_copy(dst_hbm.at[pl.ds(wid * EPW, EPW)], dst_v, sem).wait()

        zeros = jnp.zeros((16,), jnp.float32)

        @pl.loop(0, NPAD, step=16)
        def _(i):
            part_v[pl.ds(i, 16)] = zeros

        ones = jnp.ones((16,), jnp.float32)

        @pl.loop(0, EPW, step=16)
        def _(i):
            idx = dst_v[pl.ds(i, 16)]
            plsc.addupdate_scatter(part_v, [idx], ones)

        pltpu.async_copy(part_v, out_hbm.at[wid], sem).wait()

    return deg_kernel(dst)


def _aggregate(g, srcp, dstp):

    @functools.partial(
        pl.kernel,
        out_type=jax.ShapeDtypeStruct((NCORES, NPAD, DHALF), jnp.float32),
        mesh=_sc_mesh(),
        scratch_types=[
            pltpu.VMEM((2, GROUP, CHUNK), jnp.int32),
            pltpu.VMEM((2, GROUP, CHUNK), jnp.int32),
            pltpu.VMEM((2, CHUNK, DHALF), jnp.float32),
            pltpu.VMEM_SHARED((NPAD, DHALF), jnp.float32),
            pltpu.SemaphoreType.DMA,
            pltpu.SemaphoreType.DMA,
            pltpu.SemaphoreType.DMA,
        ],
    )
    def agg_kernel(g_hbm, src_hbm, dst_hbm, out_hbm, src_v, dst_v, rows_v,
                   acc_sh, gsem0, gsem1, isem):
        c = lax.axis_index("c")
        s = lax.axis_index("s")
        gsem = (gsem0, gsem1)
        gplane = g_hbm.at[c]
        NG = CHUNKS_PER_TILE // GROUP

        init = pltpu.async_copy(
            g_hbm.at[c, pl.ds(s * ROWS_PER_TILE, ROWS_PER_TILE)],
            acc_sh.at[pl.ds(s * ROWS_PER_TILE, ROWS_PER_TILE)],
            isem,
        )
        pltpu.sync_copy(src_hbm.at[s, pl.ds(0, GROUP)], src_v.at[0])
        pltpu.sync_copy(dst_hbm.at[s, pl.ds(0, GROUP)], dst_v.at[0])
        init.wait()
        plsc.subcore_barrier()
        pltpu.async_copy(src_hbm.at[s, pl.ds(GROUP, GROUP)], src_v.at[1],
                         isem)
        pltpu.async_copy(dst_hbm.at[s, pl.ds(GROUP, GROUP)], dst_v.at[1],
                         isem)

        pltpu.async_copy(gplane.at[src_v.at[0, 0]], rows_v.at[0], gsem0)
        pltpu.async_copy(gplane.at[src_v.at[0, 1]], rows_v.at[1], gsem1)

        @pl.loop(0, CHUNKS_PER_TILE, step=2)
        def _(j0):
            for b in range(2):
                j = j0 + b
                g = j >> 4
                r = j & (GROUP - 1)
                gb = g & 1
                pltpu.make_async_copy(gplane.at[src_v.at[gb, r]],
                                      rows_v.at[b], gsem[b]).wait()
                pltpu.sync_copy(rows_v.at[b], acc_sh.at[dst_v.at[gb, r]],
                                add=True)

                @pl.when(jnp.logical_and(r == 1, g < NG - 1))
                def _():
                    nb = (g + 1) & 1
                    off = (g + 1) * GROUP
                    pltpu.async_copy(src_hbm.at[s, pl.ds(off, GROUP)],
                                     src_v.at[nb], isem)
                    pltpu.async_copy(dst_hbm.at[s, pl.ds(off, GROUP)],
                                     dst_v.at[nb], isem)

                @pl.when(jnp.logical_and(r == GROUP - 2, g < NG - 1))
                def _():
                    pltpu.make_async_copy(src_hbm.at[s, pl.ds(0, GROUP)],
                                          src_v.at[0], isem).wait()
                    pltpu.make_async_copy(dst_hbm.at[s, pl.ds(0, GROUP)],
                                          dst_v.at[0], isem).wait()

                @pl.when(j + 2 < CHUNKS_PER_TILE)
                def _():
                    j2 = j + 2
                    g2 = j2 >> 4
                    pltpu.async_copy(
                        gplane.at[src_v.at[g2 & 1, j2 & (GROUP - 1)]],
                        rows_v.at[b], gsem[b])

        plsc.subcore_barrier()
        pltpu.async_copy(
            acc_sh.at[pl.ds(s * ROWS_PER_TILE, ROWS_PER_TILE)],
            out_hbm.at[c, pl.ds(s * ROWS_PER_TILE, ROWS_PER_TILE)],
            isem,
        ).wait()

    return agg_kernel(g, srcp, dstp)


def _dis_block(deg_ref):
    degsum = jnp.sum(deg_ref[...], axis=0) + 1.0
    return lax.rsqrt(degsum)[..., None]


def _rowmm(a3, w):
    return lax.dot_general(a3, w, (((2,), (0,)), ((), ())),
                           preferred_element_type=jnp.float32)


def _mm1_raw(xp3, W1):

    def body(x_ref, w_ref, out_ref):
        out_ref[...] = _rowmm(x_ref[...], w_ref[...])

    return pl.pallas_call(
        body,
        grid=(NPAD // BLK,),
        in_specs=[
            pl.BlockSpec((RB, 128, D_IN), lambda i: (i, 0, 0)),
            pl.BlockSpec((D_IN, D_H), lambda i: (0, 0)),
        ],
        out_specs=pl.BlockSpec((RB, 128, D_H), lambda i: (i, 0, 0)),
        out_shape=jax.ShapeDtypeStruct((NPAD // 128, 128, D_H), jnp.float32),
    )(xp3, W1)


def _scale_split(h3, deg3):

    def body(h_ref, deg_ref, out_ref):
        dis = _dis_block(deg_ref)
        g = h_ref[...] * dis
        out_ref[0] = g[..., :DHALF]
        out_ref[1] = g[..., DHALF:]

    return pl.pallas_call(
        body,
        grid=(NPAD // BLK,),
        in_specs=[
            pl.BlockSpec((RB, 128, D_H), lambda i: (i, 0, 0)),
            pl.BlockSpec((NWORKERS, RB, 128), lambda i: (0, i, 0)),
        ],
        out_specs=pl.BlockSpec((2, RB, 128, DHALF), lambda i: (0, i, 0, 0)),
        out_shape=jax.ShapeDtypeStruct((2, NPAD // 128, 128, DHALF),
                                       jnp.float32),
    )(h3, deg3)


def _mid_layer(acc13, deg3, W2, b1r):

    def body(acc_ref, deg_ref, w_ref, b_ref, out_ref):
        dis = _dis_block(deg_ref)
        acc = jnp.concatenate([acc_ref[0], acc_ref[1]], axis=-1)
        h1 = jnp.maximum(acc * dis + b_ref[...], 0.0)
        g2 = _rowmm(h1 * dis, w_ref[...])
        out_ref[0] = g2[..., :DHALF]
        out_ref[1] = g2[..., DHALF:]

    return pl.pallas_call(
        body,
        grid=(NPAD // BLK,),
        in_specs=[
            pl.BlockSpec((2, RB, 128, DHALF), lambda i: (0, i, 0, 0)),
            pl.BlockSpec((NWORKERS, RB, 128), lambda i: (0, i, 0)),
            pl.BlockSpec((D_H, D_H), lambda i: (0, 0)),
            pl.BlockSpec((1, 1, D_H), lambda i: (0, 0, 0)),
        ],
        out_specs=pl.BlockSpec((2, RB, 128, DHALF), lambda i: (0, i, 0, 0)),
        out_shape=jax.ShapeDtypeStruct((2, NPAD // 128, 128, DHALF),
                                       jnp.float32),
    )(acc13, deg3, W2, b1r)


def _final_layer(acc23, deg3, b2r):

    def body(acc_ref, deg_ref, b_ref, out_ref):
        dis = _dis_block(deg_ref)
        acc = jnp.concatenate([acc_ref[0], acc_ref[1]], axis=-1)
        out_ref[...] = acc * dis + b_ref[...]

    return pl.pallas_call(
        body,
        grid=(NPAD // BLK,),
        in_specs=[
            pl.BlockSpec((2, RB, 128, DHALF), lambda i: (0, i, 0, 0)),
            pl.BlockSpec((NWORKERS, RB, 128), lambda i: (0, i, 0)),
            pl.BlockSpec((1, 1, D_H), lambda i: (0, 0, 0)),
        ],
        out_specs=pl.BlockSpec((RB, 128, D_H), lambda i: (i, 0, 0)),
        out_shape=jax.ShapeDtypeStruct((NPAD // 128, 128, D_H), jnp.float32),
    )(acc23, deg3, b2r)


def kernel(x, edge_index, W1, b1, W2, b2):
    src = edge_index[0]
    dst = edge_index[1]
    pad = jnp.full((EPAD - E,), N, dtype=jnp.int32)
    srcp = jnp.concatenate([src, pad]).reshape(NTILES, CHUNKS_PER_TILE, CHUNK)
    dstp = jnp.concatenate([dst, pad]).reshape(NTILES, CHUNKS_PER_TILE, CHUNK)
    xp3 = jnp.pad(x, ((0, NPAD - N), (0, 0))).reshape(NPAD // 128, 128, D_IN)

    deg3 = _deg_partials(dst).reshape(NWORKERS, NPAD // 128, 128)
    g1 = _scale_split(_mm1_raw(xp3, W1), deg3)
    acc1 = _aggregate(g1.reshape(2, NPAD, DHALF), srcp, dstp)
    g2 = _mid_layer(acc1.reshape(2, NPAD // 128, 128, DHALF), deg3, W2,
                    b1.reshape(1, 1, D_H))
    acc2 = _aggregate(g2.reshape(2, NPAD, DHALF), srcp, dstp)
    out = _final_layer(acc2.reshape(2, NPAD // 128, 128, DHALF), deg3,
                       b2.reshape(1, 1, D_H))
    return out.reshape(NPAD, D_H)[:N]

# --- scband reference (transcript-rebuilt; emitter-appended) ---
"""Pipeline reference for scband-gcn-73478300500624 (READ-ONLY COPY).

The authoritative reference and input builder live on the scoring server;
editing this copy changes nothing except your own understanding.
"""

import jax, jax.numpy as jnp
import numpy as np

N = 10000
E = 320000
D_IN = 128
D_H = 256


def setup_inputs(seed: int = 0) -> dict:
    key = jax.random.key(seed)
    k1, k2, k3, k4, k5, k6 = jax.random.split(key, 6)
    x = jax.random.normal(k1, (N, D_IN), dtype=jnp.float32)
    edge_index = jax.random.randint(k2, (2, E), 0, N, dtype=jnp.int32)
    # GCNConv weights (glorot-ish init) and zero biases, as in PyG defaults
    W1 = jax.random.normal(k3, (D_IN, D_H), dtype=jnp.float32) * (1.0 / np.sqrt(D_IN))
    b1 = jnp.zeros((D_H,), dtype=jnp.float32)
    W2 = jax.random.normal(k4, (D_H, D_H), dtype=jnp.float32) * (1.0 / np.sqrt(D_H))
    b2 = jnp.zeros((D_H,), dtype=jnp.float32)
    return {"x": x, "edge_index": edge_index, "W1": W1, "b1": b1, "W2": W2, "b2": b2}


def gcn_conv(x, edge_index, W, b):
    # Faithful GCNConv: add self-loops, symmetric normalization D^-1/2 (A+I) D^-1/2,
    # linear transform, scatter-add aggregation, bias.
    n = x.shape[0]
    src = edge_index[0]
    dst = edge_index[1]
    loop = jnp.arange(n, dtype=src.dtype)
    src = jnp.concatenate([src, loop])
    dst = jnp.concatenate([dst, loop])
    ew = jnp.ones(src.shape[0], dtype=x.dtype)
    deg = jax.ops.segment_sum(ew, dst, num_segments=n)
    deg_inv_sqrt = jnp.where(deg > 0, jax.lax.rsqrt(jnp.maximum(deg, 1e-12)), 0.0)
    norm = deg_inv_sqrt[src] * deg_inv_sqrt[dst]
    h = x @ W
    msg = jnp.take(h, src, axis=0) * norm[:, None]
    out = jax.ops.segment_sum(msg, dst, num_segments=n)
    return out + b


def reference(x, edge_index, W1, b1, W2, b2):
    h = jax.nn.relu(gcn_conv(x, edge_index, W1, b1))
    # F.dropout(training=self.training) is identity in eval mode
    out = gcn_conv(h, edge_index, W2, b2)
    return out

if __name__ == "__main__":
    import jax
    _d = setup_inputs()
    print(jax.jit(kernel)(*tuple(_d.values())))

</pallas_src>

<mosaic_0001>
#map = affine_map<(d0, d1) -> (0, 0, 0)>
module attributes {stable_mosaic.version = 14 : i64} {
  func.func @agg_kernel(%arg0: i32, %arg1: i32, %arg2: memref<2x10240x128xf32, #tpu.memory_space<hbm>>, %arg3: memref<16x160x128xi32, #tpu.memory_space<hbm>>, %arg4: memref<16x160x128xi32, #tpu.memory_space<hbm>>, %arg5: memref<2x10240x128xf32, #tpu.memory_space<hbm>>, %arg6: memref<2x16x128xi32, #tpu.memory_space<vmem>>, %arg7: memref<2x16x128xi32, #tpu.memory_space<vmem>>, %arg8: memref<2x128x128xf32, #tpu.memory_space<vmem>>, %arg9: memref<10240x128xf32, #tpu.memory_space<vmem_shared>>, %arg10: memref<!tpu.dma_semaphore, #tpu.memory_space<semaphore_mem>>, %arg11: memref<!tpu.dma_semaphore, #tpu.memory_space<semaphore_mem>>, %arg12: memref<!tpu.dma_semaphore, #tpu.memory_space<semaphore_mem>>) attributes {dimension_semantics = [#tpu.dimension_semantics<core_parallel>, #tpu.dimension_semantics<subcore_parallel>], iteration_bounds = array<i64: 2, 16>, scalar_prefetch = 0 : i64, scratch_operands = 7 : i64, tpu.core_type = #tpu.core_type<sc_vector_subcore>, window_params = [{transform_indices = #map}, {transform_indices = #map}, {transform_indices = #map}, {transform_indices = #map}]} {
    %mul3A = arith.constant 640 : i32
    %mul3A_0 = arith.muli %arg1, %mul3A : i32
    %mul3A_1 = arith.constant 640 : i32
    %mul3A_2 = arith.muli %arg1, %mul3A_1 : i32
    %dma_start3A = arith.constant 0 : i32
    %dma_start3A_3 = tpu.memref_slice %arg9[%mul3A_2, %dma_start3A] : memref<10240x128xf32, #tpu.memory_space<vmem_shared>> -> memref<640x128xf32, #tpu.memory_space<vmem_shared>>
    %dma_start3A_4 = arith.constant 0 : i32
    %dma_start3A_5 = tpu.memref_slice %arg2[%arg0, %mul3A_0, %dma_start3A_4] : memref<2x10240x128xf32, #tpu.memory_space<hbm>> -> memref<1x640x128xf32, #tpu.memory_space<hbm>>
    %dma_start3A_6 = tpu.memref_squeeze %dma_start3A_5 : memref<1x640x128xf32, #tpu.memory_space<hbm>> -> memref<640x128xf32, #tpu.memory_space<hbm>>
    tpu.enqueue_dma source(%dma_start3A_6 : memref<640x128xf32, #tpu.memory_space<hbm>>) target(%dma_start3A_3 : memref<640x128xf32, #tpu.memory_space<vmem_shared>>) target_semaphore(%arg12 : memref<!tpu.dma_semaphore, #tpu.memory_space<semaphore_mem>>)
    %run_scoped3A = arith.constant 0 : i32
    "tpu.region"() ({
      %run_scoped3A_99 = tpu.sem_alloc : memref<!tpu.dma_semaphore, #tpu.memory_space<semaphore_mem>>
      %dma_start3A_100 = arith.constant 0 : i32
      %dma_start3A_101 = arith.constant 0 : i32
      %dma_start3A_102 = tpu.memref_slice %arg6[%run_scoped3A, %dma_start3A_100, %dma_start3A_101] : memref<2x16x128xi32, #tpu.memory_space<vmem>> -> memref<1x16x128xi32, #tpu.memory_space<vmem>>
      %dma_start3A_103 = tpu.memref_squeeze %dma_start3A_102 : memref<1x16x128xi32, #tpu.memory_space<vmem>> -> memref<16x128xi32, #tpu.memory_space<vmem>>
      %dma_start3A_104 = arith.constant 0 : i32
      %dma_start3A_105 = arith.constant 0 : i32
      %dma_start3A_106 = tpu.memref_slice %arg3[%arg1, %dma_start3A_104, %dma_start3A_105] : memref<16x160x128xi32, #tpu.memory_space<hbm>> -> memref<1x16x128xi32, #tpu.memory_space<hbm>>
      %dma_start3A_107 = tpu.memref_squeeze %dma_start3A_106 : memref<1x16x128xi32, #tpu.memory_space<hbm>> -> memref<16x128xi32, #tpu.memory_space<hbm>>
      %dma_start3A_108 = arith.constant 0 : i32
      %dma_start3A_109 = arith.constant 0 : i32
      %dma_start3A_110 = tpu.memref_slice %arg6[%run_scoped3A, %dma_start3A_108, %dma_start3A_109] : memref<2x16x128xi32, #tpu.memory_space<vmem>> -> memref<1x16x128xi32, #tpu.memory_space<vmem>>
      %dma_start3A_111 = tpu.memref_squeeze %dma_start3A_110 : memref<1x16x128xi32, #tpu.memory_space<vmem>> -> memref<16x128xi32, #tpu.memory_space<vmem>>
      %dma_start3A_112 = arith.constant 0 : i32
      %dma_start3A_113 = arith.constant 0 : i32
      %dma_start3A_114 = tpu.memref_slice %arg3[%arg1, %dma_start3A_112, %dma_start3A_113] : memref<16x160x128xi32, #tpu.memory_space<hbm>> -> memref<1x16x128xi32, #tpu.memory_space<hbm>>
      %dma_start3A_115 = tpu.memref_squeeze %dma_start3A_114 : memref<1x16x128xi32, #tpu.memory_space<hbm>> -> memref<16x128xi32, #tpu.memory_space<hbm>>
      tpu.enqueue_dma source(%dma_start3A_115 : memref<16x128xi32, #tpu.memory_space<hbm>>) target(%dma_start3A_111 : memref<16x128xi32, #tpu.memory_space<vmem>>) target_semaphore(%run_scoped3A_99 : memref<!tpu.dma_semaphore, #tpu.memory_space<semaphore_mem>>)
      %dma_wait3A_116 = arith.constant 0 : i32
      %dma_wait3A_117 = arith.constant 0 : i32
      %dma_wait3A_118 = tpu.memref_slice %arg6[%run_scoped3A, %dma_wait3A_116, %dma_wait3A_117] : memref<2x16x128xi32, #tpu.memory_space<vmem>> -> memref<1x16x128xi32, #tpu.memory_space<vmem>>
      %dma_wait3A_119 = tpu.memref_squeeze %dma_wait3A_118 : memref<1x16x128xi32, #tpu.memory_space<vmem>> -> memref<16x128xi32, #tpu.memory_space<vmem>>
      %dma_wait3A_120 = arith.constant 0 : i32
      %dma_wait3A_121 = arith.constant 0 : i32
      %dma_wait3A_122 = tpu.memref_slice %arg3[%arg1, %dma_wait3A_120, %dma_wait3A_121] : memref<16x160x128xi32, #tpu.memory_space<hbm>> -> memref<1x16x128xi32, #tpu.memory_space<hbm>>
      %dma_wait3A_123 = tpu.memref_squeeze %dma_wait3A_122 : memref<1x16x128xi32, #tpu.memory_space<hbm>> -> memref<16x128xi32, #tpu.memory_space<hbm>>
      %dma_wait3A_124 = arith.constant 0 : i32
      %dma_wait3A_125 = arith.constant 0 : i32
      %dma_wait3A_126 = tpu.memref_slice %arg6[%run_scoped3A, %dma_wait3A_124, %dma_wait3A_125] : memref<2x16x128xi32, #tpu.memory_space<vmem>> -> memref<1x16x128xi32, #tpu.memory_space<vmem>>
      %dma_wait3A_127 = tpu.memref_squeeze %dma_wait3A_126 : memref<1x16x128xi32, #tpu.memory_space<vmem>> -> memref<16x128xi32, #tpu.memory_space<vmem>>
      %dma_wait3A_128 = arith.constant 0 : i32
      %dma_wait3A_129 = arith.constant 0 : i32
      %dma_wait3A_130 = tpu.memref_slice %arg3[%arg1, %dma_wait3A_128, %dma_wait3A_129] : memref<16x160x128xi32, #tpu.memory_space<hbm>> -> memref<1x16x128xi32, #tpu.memory_space<hbm>>
      %dma_wait3A_131 = tpu.memref_squeeze %dma_wait3A_130 : memref<1x16x128xi32, #tpu.memory_space<hbm>> -> memref<16x128xi32, #tpu.memory_space<hbm>>
      tpu.wait_dma2 semaphore(%run_scoped3A_99 : memref<!tpu.dma_semaphore, #tpu.memory_space<semaphore_mem>>) src(%dma_wait3A_131 : memref<16x128xi32, #tpu.memory_space<hbm>>) dst(%dma_wait3A_127 : memref<16x128xi32, #tpu.memory_space<vmem>>)
      tpu.yield
    }) : () -> ()
    %run_scoped3A_7 = arith.constant 0 : i32
    "tpu.region"() ({
      %run_scoped3A_99 = tpu.sem_alloc : memref<!tpu.dma_semaphore, #tpu.memory_space<semaphore_mem>>
      %dma_start3A_100 = arith.constant 0 : i32
      %dma_start3A_101 = arith.constant 0 : i32
      %dma_start3A_102 = tpu.memref_slice %arg7[%run_scoped3A_7, %dma_start3A_100, %dma_start3A_101] : memref<2x16x128xi32, #tpu.memory_space<vmem>> -> memref<1x16x128xi32, #tpu.memory_space<vmem>>
      %dma_start3A_103 = tpu.memref_squeeze %dma_start3A_102 : memref<1x16x128xi32, #tpu.memory_space<vmem>> -> memref<16x128xi32, #tpu.memory_space<vmem>>
      %dma_start3A_104 = arith.constant 0 : i32
      %dma_start3A_105 = arith.constant 0 : i32
      %dma_start3A_106 = tpu.memref_slice %arg4[%arg1, %dma_start3A_104, %dma_start3A_105] : memref<16x160x128xi32, #tpu.memory_space<hbm>> -> memref<1x16x128xi32, #tpu.memory_space<hbm>>
      %dma_start3A_107 = tpu.memref_squeeze %dma_start3A_106 : memref<1x16x128xi32, #tpu.memory_space<hbm>> -> memref<16x128xi32, #tpu.memory_space<hbm>>
      %dma_start3A_108 = arith.constant 0 : i32
      %dma_start3A_109 = arith.constant 0 : i32
      %dma_start3A_110 = tpu.memref_slice %arg7[%run_scoped3A_7, %dma_start3A_108, %dma_start3A_109] : memref<2x16x128xi32, #tpu.memory_space<vmem>> -> memref<1x16x128xi32, #tpu.memory_space<vmem>>
      %dma_start3A_111 = tpu.memref_squeeze %dma_start3A_110 : memref<1x16x128xi32, #tpu.memory_space<vmem>> -> memref<16x128xi32, #tpu.memory_space<vmem>>
      %dma_start3A_112 = arith.constant 0 : i32
      %dma_start3A_113 = arith.constant 0 : i32
      %dma_start3A_114 = tpu.memref_slice %arg4[%arg1, %dma_start3A_112, %dma_start3A_113] : memref<16x160x128xi32, #tpu.memory_space<hbm>> -> memref<1x16x128xi32, #tpu.memory_space<hbm>>
      %dma_start3A_115 = tpu.memref_squeeze %dma_start3A_114 : memref<1x16x128xi32, #tpu.memory_space<hbm>> -> memref<16x128xi32, #tpu.memory_space<hbm>>
      tpu.enqueue_dma source(%dma_start3A_115 : memref<16x128xi32, #tpu.memory_space<hbm>>) target(%dma_start3A_111 : memref<16x128xi32, #tpu.memory_space<vmem>>) target_semaphore(%run_scoped3A_99 : memref<!tpu.dma_semaphore, #tpu.memory_space<semaphore_mem>>)
      %dma_wait3A_116 = arith.constant 0 : i32
      %dma_wait3A_117 = arith.constant 0 : i32
      %dma_wait3A_118 = tpu.memref_slice %arg7[%run_scoped3A_7, %dma_wait3A_116, %dma_wait3A_117] : memref<2x16x128xi32, #tpu.memory_space<vmem>> -> memref<1x16x128xi32, #tpu.memory_space<vmem>>
      %dma_wait3A_119 = tpu.memref_squeeze %dma_wait3A_118 : memref<1x16x128xi32, #tpu.memory_space<vmem>> -> memref<16x128xi32, #tpu.memory_space<vmem>>
      %dma_wait3A_120 = arith.constant 0 : i32
      %dma_wait3A_121 = arith.constant 0 : i32
      %dma_wait3A_122 = tpu.memref_slice %arg4[%arg1, %dma_wait3A_120, %dma_wait3A_121] : memref<16x160x128xi32, #tpu.memory_space<hbm>> -> memref<1x16x128xi32, #tpu.memory_space<hbm>>
      %dma_wait3A_123 = tpu.memref_squeeze %dma_wait3A_122 : memref<1x16x128xi32, #tpu.memory_space<hbm>> -> memref<16x128xi32, #tpu.memory_space<hbm>>
      %dma_wait3A_124 = arith.constant 0 : i32
      %dma_wait3A_125 = arith.constant 0 : i32
      %dma_wait3A_126 = tpu.memref_slice %arg7[%run_scoped3A_7, %dma_wait3A_124, %dma_wait3A_125] : memref<2x16x128xi32, #tpu.memory_space<vmem>> -> memref<1x16x128xi32, #tpu.memory_space<vmem>>
      %dma_wait3A_127 = tpu.memref_squeeze %dma_wait3A_126 : memref<1x16x128xi32, #tpu.memory_space<vmem>> -> memref<16x128xi32, #tpu.memory_space<vmem>>
      %dma_wait3A_128 = arith.constant 0 : i32
      %dma_wait3A_129 = arith.constant 0 : i32
      %dma_wait3A_130 = tpu.memref_slice %arg4[%arg1, %dma_wait3A_128, %dma_wait3A_129] : memref<16x160x128xi32, #tpu.memory_space<hbm>> -> memref<1x16x128xi32, #tpu.memory_space<hbm>>
      %dma_wait3A_131 = tpu.memref_squeeze %dma_wait3A_130 : memref<1x16x128xi32, #tpu.memory_space<hbm>> -> memref<16x128xi32, #tpu.memory_space<hbm>>
      tpu.wait_dma2 semaphore(%run_scoped3A_99 : memref<!tpu.dma_semaphore, #tpu.memory_space<semaphore_mem>>) src(%dma_wait3A_131 : memref<16x128xi32, #tpu.memory_space<hbm>>) dst(%dma_wait3A_127 : memref<16x128xi32, #tpu.memory_space<vmem>>)
      tpu.yield
    }) : () -> ()
    %dma_wait3A = arith.constant 0 : i32
    %dma_wait3A_8 = tpu.memref_slice %arg9[%mul3A_2, %dma_wait3A] : memref<10240x128xf32, #tpu.memory_space<vmem_shared>> -> memref<640x128xf32, #tpu.memory_space<vmem_shared>>
    %dma_wait3A_9 = arith.constant 0 : i32
    %dma_wait3A_10 = tpu.memref_slice %arg2[%arg0, %mul3A_0, %dma_wait3A_9] : memref<2x10240x128xf32, #tpu.memory_space<hbm>> -> memref<1x640x128xf32, #tpu.memory_space<hbm>>
    %dma_wait3A_11 = tpu.memref_squeeze %dma_wait3A_10 : memref<1x640x128xf32, #tpu.memory_space<hbm>> -> memref<640x128xf32, #tpu.memory_space<hbm>>
    tpu.wait_dma2 semaphore(%arg12 : memref<!tpu.dma_semaphore, #tpu.memory_space<semaphore_mem>>) src(%dma_wait3A_11 : memref<640x128xf32, #tpu.memory_space<hbm>>) dst(%dma_wait3A_8 : memref<640x128xf32, #tpu.memory_space<vmem_shared>>)
    %barrier3A = arith.constant 0 : index
    tpu.barrier barrier_id(%barrier3A)
    %dma_start3A_12 = arith.constant 1 : i32
    %dma_start3A_13 = arith.constant 0 : i32
    %dma_start3A_14 = arith.constant 0 : i32
    %dma_start3A_15 = tpu.memref_slice %arg6[%dma_start3A_12, %dma_start3A_13, %dma_start3A_14] : memref<2x16x128xi32, #tpu.memory_space<vmem>> -> memref<1x16x128xi32, #tpu.memory_space<vmem>>
    %dma_start3A_16 = tpu.memref_squeeze %dma_start3A_15 : memref<1x16x128xi32, #tpu.memory_space<vmem>> -> memref<16x128xi32, #tpu.memory_space<vmem>>
    %dma_start3A_17 = arith.constant 16 : i32
    %dma_start3A_18 = arith.constant 0 : i32
    %dma_start3A_19 = tpu.memref_slice %arg3[%arg1, %dma_start3A_17, %dma_start3A_18] : memref<16x160x128xi32, #tpu.memory_space<hbm>> -> memref<1x16x128xi32, #tpu.memory_space<hbm>>
    %dma_start3A_20 = tpu.memref_squeeze %dma_start3A_19 : memref<1x16x128xi32, #tpu.memory_space<hbm>> -> memref<16x128xi32, #tpu.memory_space<hbm>>
    %dma_start3A_21 = arith.constant 0 : i32
    %dma_start3A_22 = arith.constant 0 : i32
    %dma_start3A_23 = tpu.memref_slice %arg6[%dma_start3A_12, %dma_start3A_21, %dma_start3A_22] : memref<2x16x128xi32, #tpu.memory_space<vmem>> -> memref<1x16x128xi32, #tpu.memory_space<vmem>>
    %dma_start3A_24 = tpu.memref_squeeze %dma_start3A_23 : memref<1x16x128xi32, #tpu.memory_space<vmem>> -> memref<16x128xi32, #tpu.memory_space<vmem>>
    %dma_start3A_25 = arith.constant 16 : i32
    %dma_start3A_26 = arith.constant 0 : i32
    %dma_start3A_27 = tpu.memref_slice %arg3[%arg1, %dma_start3A_25, %dma_start3A_26] : memref<16x160x128xi32, #tpu.memory_space<hbm>> -> memref<1x16x128xi32, #tpu.memory_space<hbm>>
    %dma_start3A_28 = tpu.memref_squeeze %dma_start3A_27 : memref<1x16x128xi32, #tpu.memory_space<hbm>> -> memref<16x128xi32, #tpu.memory_space<hbm>>
    tpu.enqueue_dma source(%dma_start3A_28 : memref<16x128xi32, #tpu.memory_space<hbm>>) target(%dma_start3A_24 : memref<16x128xi32, #tpu.memory_space<vmem>>) target_semaphore(%arg12 : memref<!tpu.dma_semaphore, #tpu.memory_space<semaphore_mem>>)
    %dma_start3A_29 = arith.constant 1 : i32
    %dma_start3A_30 = arith.constant 0 : i32
    %dma_start3A_31 = arith.constant 0 : i32
    %dma_start3A_32 = tpu.memref_slice %arg7[%dma_start3A_29, %dma_start3A_30, %dma_start3A_31] : memref<2x16x128xi32, #tpu.memory_space<vmem>> -> memref<1x16x128xi32, #tpu.memory_space<vmem>>
    %dma_start3A_33 = tpu.memref_squeeze %dma_start3A_32 : memref<1x16x128xi32, #tpu.memory_space<vmem>> -> memref<16x128xi32, #tpu.memory_space<vmem>>
    %dma_start3A_34 = arith.constant 16 : i32
    %dma_start3A_35 = arith.constant 0 : i32
    %dma_start3A_36 = tpu.memref_slice %arg4[%arg1, %dma_start3A_34, %dma_start3A_35] : memref<16x160x128xi32, #tpu.memory_space<hbm>> -> memref<1x16x128xi32, #tpu.memory_space<hbm>>
    %dma_start3A_37 = tpu.memref_squeeze %dma_start3A_36 : memref<1x16x128xi32, #tpu.memory_space<hbm>> -> memref<16x128xi32, #tpu.memory_space<hbm>>
    %dma_start3A_38 = arith.constant 0 : i32
    %dma_start3A_39 = arith.constant 0 : i32
    %dma_start3A_40 = tpu.memref_slice %arg7[%dma_start3A_29, %dma_start3A_38, %dma_start3A_39] : memref<2x16x128xi32, #tpu.memory_space<vmem>> -> memref<1x16x128xi32, #tpu.memory_space<vmem>>
    %dma_start3A_41 = tpu.memref_squeeze %dma_start3A_40 : memref<1x16x128xi32, #tpu.memory_space<vmem>> -> memref<16x128xi32, #tpu.memory_space<vmem>>
    %dma_start3A_42 = arith.constant 16 : i32
    %dma_start3A_43 = arith.constant 0 : i32
    %dma_start3A_44 = tpu.memref_slice %arg4[%arg1, %dma_start3A_42, %dma_start3A_43] : memref<16x160x128xi32, #tpu.memory_space<hbm>> -> memref<1x16x128xi32, #tpu.memory_space<hbm>>
    %dma_start3A_45 = tpu.memref_squeeze %dma_start3A_44 : memref<1x16x128xi32, #tpu.memory_space<hbm>> -> memref<16x128xi32, #tpu.memory_space<hbm>>
    tpu.enqueue_dma source(%dma_start3A_45 : memref<16x128xi32, #tpu.memory_space<hbm>>) target(%dma_start3A_41 : memref<16x128xi32, #tpu.memory_space<vmem>>) target_semaphore(%arg12 : memref<!tpu.dma_semaphore, #tpu.memory_space<semaphore_mem>>)
    %dma_start3A_46 = arith.constant 0 : i32
    %dma_start3A_47 = arith.constant 0 : i32
    %dma_start3A_48 = arith.constant 0 : i32
    %dma_start3A_49 = arith.constant 0 : i32
    %dma_start3A_50 = arith.constant 0 : i32
    %dma_start3A_51 = tpu.memref_slice %arg8[%dma_start3A_48, %dma_start3A_49, %dma_start3A_50] : memref<2x128x128xf32, #tpu.memory_space<vmem>> -> memref<1x128x128xf32, #tpu.memory_space<vmem>>
    %dma_start3A_52 = tpu.memref_squeeze %dma_start3A_51 : memref<1x128x128xf32, #tpu.memory_space<vmem>> -> memref<128x128xf32, #tpu.memory_space<vmem>>
    %dma_start3A_53 = arith.constant 0 : i32
    %dma_start3A_54 = tpu.memref_slice %arg6[%dma_start3A_46, %dma_start3A_47, %dma_start3A_53] : memref<2x16x128xi32, #tpu.memory_space<vmem>> -> memref<1x1x128xi32, #tpu.memory_space<vmem>>
    %dma_start3A_55 = tpu.memref_squeeze %dma_start3A_54 : memref<1x1x128xi32, #tpu.memory_space<vmem>> -> memref<128xi32, #tpu.memory_space<vmem>>
    %dma_start3A_56 = arith.constant 0 : i32
    %dma_start3A_57 = arith.constant 0 : i32
    %dma_start3A_58 = tpu.memref_slice %arg2[%arg0, %dma_start3A_56, %dma_start3A_57] : memref<2x10240x128xf32, #tpu.memory_space<hbm>> -> memref<1x10240x128xf32, #tpu.memory_space<hbm>>
    %dma_start3A_59 = tpu.memref_squeeze %dma_start3A_58 : memref<1x10240x128xf32, #tpu.memory_space<hbm>> -> memref<10240x128xf32, #tpu.memory_space<hbm>>
    %dma_start3A_60 = arith.constant 0 : i32
    %dma_start3A_61 = arith.constant 0 : i32
    %dma_start3A_62 = tpu.memref_slice %dma_start3A_59[%dma_start3A_60, %dma_start3A_61] : memref<10240x128xf32, #tpu.memory_space<hbm>> -> memref<10240x128xf32, #tpu.memory_space<hbm>>
    tpu.enqueue_indirect_dma source(%dma_start3A_62 : memref<10240x128xf32, #tpu.memory_space<hbm>>) target(%dma_start3A_52 : memref<128x128xf32, #tpu.memory_space<vmem>>) offsets(%dma_start3A_55 : memref<128xi32, #tpu.memory_space<vmem>>) semaphore(%arg10 : memref<!tpu.dma_semaphore, #tpu.memory_space<semaphore_mem>>)
    %dma_start3A_63 = arith.constant 0 : i32
    %dma_start3A_64 = arith.constant 1 : i32
    %dma_start3A_65 = arith.constant 1 : i32
    %dma_start3A_66 = arith.constant 0 : i32
    %dma_start3A_67 = arith.constant 0 : i32
    %dma_start3A_68 = tpu.memref_slice %arg8[%dma_start3A_65, %dma_start3A_66, %dma_start3A_67] : memref<2x128x128xf32, #tpu.memory_space<vmem>> -> memref<1x128x128xf32, #tpu.memory_space<vmem>>
    %dma_start3A_69 = tpu.memref_squeeze %dma_start3A_68 : memref<1x128x128xf32, #tpu.memory_space<vmem>> -> memref<128x128xf32, #tpu.memory_space<vmem>>
    %dma_start3A_70 = arith.constant 0 : i32
    %dma_start3A_71 = tpu.memref_slice %arg6[%dma_start3A_63, %dma_start3A_64, %dma_start3A_70] : memref<2x16x128xi32, #tpu.memory_space<vmem>> -> memref<1x1x128xi32, #tpu.memory_space<vmem>>
    %dma_start3A_72 = tpu.memref_squeeze %dma_start3A_71 : memref<1x1x128xi32, #tpu.memory_space<vmem>> -> memref<128xi32, #tpu.memory_space<vmem>>
    %dma_start3A_73 = arith.constant 0 : i32
    %dma_start3A_74 = arith.constant 0 : i32
    %dma_start3A_75 = tpu.memref_slice %arg2[%arg0, %dma_start3A_73, %dma_start3A_74] : memref<2x10240x128xf32, #tpu.memory_space<hbm>> -> memref<1x10240x128xf32, #tpu.memory_space<hbm>>
    %dma_start3A_76 = tpu.memref_squeeze %dma_start3A_75 : memref<1x10240x128xf32, #tpu.memory_space<hbm>> -> memref<10240x128xf32, #tpu.memory_space<hbm>>
    %dma_start3A_77 = arith.constant 0 : i32
    %dma_start3A_78 = arith.constant 0 : i32
    %dma_start3A_79 = tpu.memref_slice %dma_start3A_76[%dma_start3A_77, %dma_start3A_78] : memref<10240x128xf32, #tpu.memory_space<hbm>> -> memref<10240x128xf32, #tpu.memory_space<hbm>>
    tpu.enqueue_indirect_dma source(%dma_start3A_79 : memref<10240x128xf32, #tpu.memory_space<hbm>>) target(%dma_start3A_69 : memref<128x128xf32, #tpu.memory_space<vmem>>) offsets(%dma_start3A_72 : memref<128xi32, #tpu.memory_space<vmem>>) semaphore(%arg11 : memref<!tpu.dma_semaphore, #tpu.memory_space<semaphore_mem>>)
    %scan3A = arith.constant 0 : i32
    %scan3A_80 = arith.constant 80 : i32
    %scan3A_81 = arith.addi %scan3A, %scan3A_80 : i32
    %scan3A_82 = arith.constant 1 : i32
    scf.for %scan3A_99 = %scan3A to %scan3A_81 step %scan3A_82  : i32 {
      %mul3A_100 = arith.constant 2 : i32
      %mul3A_101 = arith.muli %scan3A_99, %mul3A_100 : i32
      %add3A = arith.constant 0 : i32
      %add3A_102 = arith.addi %add3A, %mul3A_101 : i32
      %add3A_103 = arith.constant 0 : i32
      %add3A_104 = arith.addi %add3A_102, %add3A_103 : i32
      %shift_right_arithmetic3A = arith.constant 4 : i32
      %shift_right_arithmetic3A_105 = arith.shrsi %add3A_104, %shift_right_arithmetic3A : i32
      %and3A = arith.constant 15 : i32
      %and3A_106 = arith.andi %add3A_104, %and3A : i32
      %and3A_107 = arith.constant 1 : i32
      %and3A_108 = arith.andi %shift_right_arithmetic3A_105, %and3A_107 : i32
      %dma_wait3A_109 = arith.constant 0 : i32
      %dma_wait3A_110 = arith.constant 0 : i32
      %dma_wait3A_111 = arith.constant 0 : i32
      %dma_wait3A_112 = tpu.memref_slice %arg8[%dma_wait3A_109, %dma_wait3A_110, %dma_wait3A_111] : memref<2x128x128xf32, #tpu.memory_space<vmem>> -> memref<1x128x128xf32, #tpu.memory_space<vmem>>
      %dma_wait3A_113 = tpu.memref_squeeze %dma_wait3A_112 : memref<1x128x128xf32, #tpu.memory_space<vmem>> -> memref<128x128xf32, #tpu.memory_space<vmem>>
      %dma_wait3A_114 = arith.constant 0 : i32
      %dma_wait3A_115 = tpu.memref_slice %arg6[%and3A_108, %and3A_106, %dma_wait3A_114] : memref<2x16x128xi32, #tpu.memory_space<vmem>> -> memref<1x1x128xi32, #tpu.memory_space<vmem>>
      %dma_wait3A_116 = tpu.memref_squeeze %dma_wait3A_115 : memref<1x1x128xi32, #tpu.memory_space<vmem>> -> memref<128xi32, #tpu.memory_space<vmem>>
      %dma_wait3A_117 = arith.constant 0 : i32
      %dma_wait3A_118 = arith.constant 0 : i32
      %dma_wait3A_119 = tpu.memref_slice %arg2[%arg0, %dma_wait3A_117, %dma_wait3A_118] : memref<2x10240x128xf32, #tpu.memory_space<hbm>> -> memref<1x10240x128xf32, #tpu.memory_space<hbm>>
      %dma_wait3A_120 = tpu.memref_squeeze %dma_wait3A_119 : memref<1x10240x128xf32, #tpu.memory_space<hbm>> -> memref<10240x128xf32, #tpu.memory_space<hbm>>
      %dma_wait3A_121 = arith.constant 0 : i32
      %dma_wait3A_122 = arith.constant 0 : i32
      %dma_wait3A_123 = tpu.memref_slice %dma_wait3A_120[%dma_wait3A_121, %dma_wait3A_122] : memref<10240x128xf32, #tpu.memory_space<hbm>> -> memref<10240x128xf32, #tpu.memory_space<hbm>>
      tpu.wait_indirect_dma semaphore(%arg10 : memref<!tpu.dma_semaphore, #tpu.memory_space<semaphore_mem>>) src(%dma_wait3A_123 : memref<10240x128xf32, #tpu.memory_space<hbm>>) dst(%dma_wait3A_113 : memref<128x128xf32, #tpu.memory_space<vmem>>)
      %run_scoped3A_124 = arith.constant 0 : i32
      "tpu.region"() ({
        %run_scoped3A_191 = tpu.sem_alloc : memref<!tpu.dma_semaphore, #tpu.memory_space<semaphore_mem>>
        %dma_start3A_192 = arith.constant 0 : i32
        %dma_start3A_193 = arith.constant 0 : i32
        %dma_start3A_194 = tpu.memref_slice %arg8[%run_scoped3A_124, %dma_start3A_192, %dma_start3A_193] : memref<2x128x128xf32, #tpu.memory_space<vmem>> -> memref<1x128x128xf32, #tpu.memory_space<vmem>>
        %dma_start3A_195 = tpu.memref_squeeze %dma_start3A_194 : memref<1x128x128xf32, #tpu.memory_space<vmem>> -> memref<128x128xf32, #tpu.memory_space<vmem>>
        %dma_start3A_196 = arith.constant 0 : i32
        %dma_start3A_197 = tpu.memref_slice %arg7[%and3A_108, %and3A_106, %dma_start3A_196] : memref<2x16x128xi32, #tpu.memory_space<vmem>> -> memref<1x1x128xi32, #tpu.memory_space<vmem>>
        %dma_start3A_198 = tpu.memref_squeeze %dma_start3A_197 : memref<1x1x128xi32, #tpu.memory_space<vmem>> -> memref<128xi32, #tpu.memory_space<vmem>>
        %dma_start3A_199 = arith.constant 0 : i32
        %dma_start3A_200 = arith.constant 0 : i32
        %dma_start3A_201 = tpu.memref_slice %arg9[%dma_start3A_199, %dma_start3A_200] : memref<10240x128xf32, #tpu.memory_space<vmem_shared>> -> memref<10240x128xf32, #tpu.memory_space<vmem_shared>>
        tpu.enqueue_indirect_dma source(%dma_start3A_195 : memref<128x128xf32, #tpu.memory_space<vmem>>) target(%dma_start3A_201 : memref<10240x128xf32, #tpu.memory_space<vmem_shared>>) offsets(%dma_start3A_198 : memref<128xi32, #tpu.memory_space<vmem>>) semaphore(%run_scoped3A_191 : memref<!tpu.dma_semaphore, #tpu.memory_space<semaphore_mem>>) {add = true}
        %dma_wait3A_202 = arith.constant 0 : i32
        %dma_wait3A_203 = arith.constant 0 : i32
        %dma_wait3A_204 = tpu.memref_slice %arg8[%run_scoped3A_124, %dma_wait3A_202, %dma_wait3A_203] : memref<2x128x128xf32, #tpu.memory_space<vmem>> -> memref<1x128x128xf32, #tpu.memory_space<vmem>>
        %dma_wait3A_205 = tpu.memref_squeeze %dma_wait3A_204 : memref<1x128x128xf32, #tpu.memory_space<vmem>> -> memref<128x128xf32, #tpu.memory_space<vmem>>
        %dma_wait3A_206 = arith.constant 0 : i32
        %dma_wait3A_207 = tpu.memref_slice %arg7[%and3A_108, %and3A_106, %dma_wait3A_206] : memref<2x16x128xi32, #tpu.memory_space<vmem>> -> memref<1x1x128xi32, #tpu.memory_space<vmem>>
        %dma_wait3A_208 = tpu.memref_squeeze %dma_wait3A_207 : memref<1x1x128xi32, #tpu.memory_space<vmem>> -> memref<128xi32, #tpu.memory_space<vmem>>
        %dma_wait3A_209 = arith.constant 0 : i32
        %dma_wait3A_210 = arith.constant 0 : i32
        %dma_wait3A_211 = tpu.memref_slice %arg9[%dma_wait3A_209, %dma_wait3A_210] : memref<10240x128xf32, #tpu.memory_space<vmem_shared>> -> memref<10240x128xf32, #tpu.memory_space<vmem_shared>>
        tpu.wait_indirect_dma semaphore(%run_scoped3A_191 : memref<!tpu.dma_semaphore, #tpu.memory_space<semaphore_mem>>) src(%dma_wait3A_205 : memref<128x128xf32, #tpu.memory_space<vmem>>) dst(%dma_wait3A_211 : memref<10240x128xf32, #tpu.memory_space<vmem_shared>>)
        tpu.yield
      }) : () -> ()
      %eq3A = arith.constant 1 : i32
      %eq3A_125 = arith.cmpi eq, %and3A_106, %eq3A : i32
      %lt3A = arith.constant 9 : i32
      %lt3A_126 = arith.cmpi slt, %shift_right_arithmetic3A_105, %lt3A : i32
      %and3A_127 = arith.andi %eq3A_125, %lt3A_126 : i1
      %convert_element_type3A = arith.extui %and3A_127 : i1 to i32
      %cond3A = arith.constant 0 : i32
      %cond3A_128 = arith.cmpi ne, %convert_element_type3A, %cond3A : i32
      scf.if %cond3A_128 {
        %add3A_191 = arith.constant 1 : i32
        %add3A_192 = arith.addi %shift_right_arithmetic3A_105, %add3A_191 : i32
        %and3A_193 = arith.constant 1 : i32
        %and3A_194 = arith.andi %add3A_192, %and3A_193 : i32
        %add3A_195 = arith.constant 1 : i32
        %add3A_196 = arith.addi %shift_right_arithmetic3A_105, %add3A_195 : i32
        %mul3A_197 = arith.constant 16 : i32
        %mul3A_198 = arith.muli %add3A_196, %mul3A_197 : i32
        %dma_start3A_199 = arith.constant 0 : i32
        %dma_start3A_200 = arith.constant 0 : i32
        %dma_start3A_201 = tpu.memref_slice %arg6[%and3A_194, %dma_start3A_199, %dma_start3A_200] : memref<2x16x128xi32, #tpu.memory_space<vmem>> -> memref<1x16x128xi32, #tpu.memory_space<vmem>>
        %dma_start3A_202 = tpu.memref_squeeze %dma_start3A_201 : memref<1x16x128xi32, #tpu.memory_space<vmem>> -> memref<16x128xi32, #tpu.memory_space<vmem>>
        %dma_start3A_203 = arith.constant 0 : i32
        %dma_start3A_204 = tpu.memref_slice %arg3[%arg1, %mul3A_198, %dma_start3A_203] : memref<16x160x128xi32, #tpu.memory_space<hbm>> -> memref<1x16x128xi32, #tpu.memory_space<hbm>>
        %dma_start3A_205 = tpu.memref_squeeze %dma_start3A_204 : memref<1x16x128xi32, #tpu.memory_space<hbm>> -> memref<16x128xi32, #tpu.memory_space<hbm>>
        %dma_start3A_206 = arith.constant 0 : i32
        %dma_start3A_207 = arith.constant 0 : i32
        %dma_start3A_208 = tpu.memref_slice %arg6[%and3A_194, %dma_start3A_206, %dma_start3A_207] : memref<2x16x128xi32, #tpu.memory_space<vmem>> -> memref<1x16x128xi32, #tpu.memory_space<vmem>>
        %dma_start3A_209 = tpu.memref_squeeze %dma_start3A_208 : memref<1x16x128xi32, #tpu.memory_space<vmem>> -> memref<16x128xi32, #tpu.memory_space<vmem>>
        %dma_start3A_210 = arith.constant 0 : i32
        %dma_start3A_211 = tpu.memref_slice %arg3[%arg1, %mul3A_198, %dma_start3A_210] : memref<16x160x128xi32, #tpu.memory_space<hbm>> -> memref<1x16x128xi32, #tpu.memory_space<hbm>>
        %dma_start3A_212 = tpu.memref_squeeze %dma_start3A_211 : memref<1x16x128xi32, #tpu.memory_space<hbm>> -> memref<16x128xi32, #tpu.memory_space<hbm>>
        tpu.enqueue_dma source(%dma_start3A_212 : memref<16x128xi32, #tpu.memory_space<hbm>>) target(%dma_start3A_209 : memref<16x128xi32, #tpu.memory_space<vmem>>) target_semaphore(%arg12 : memref<!tpu.dma_semaphore, #tpu.memory_space<semaphore_mem>>)
        %dma_start3A_213 = arith.constant 0 : i32
        %dma_start3A_214 = arith.constant 0 : i32
        %dma_start3A_215 = tpu.memref_slice %arg7[%and3A_194, %dma_start3A_213, %dma_start3A_214] : memref<2x16x128xi32, #tpu.memory_space<vmem>> -> memref<1x16x128xi32, #tpu.memory_space<vmem>>
        %dma_start3A_216 = tpu.memref_squeeze %dma_start3A_215 : memref<1x16x128xi32, #tpu.memory_space<vmem>> -> memref<16x128xi32, #tpu.memory_space<vmem>>
        %dma_start3A_217 = arith.constant 0 : i32
        %dma_start3A_218 = tpu.memref_slice %arg4[%arg1, %mul3A_198, %dma_start3A_217] : memref<16x160x128xi32, #tpu.memory_space<hbm>> -> memref<1x16x128xi32, #tpu.memory_space<hbm>>
        %dma_start3A_219 = tpu.memref_squeeze %dma_start3A_218 : memref<1x16x128xi32, #tpu.memory_space<hbm>> -> memref<16x128xi32, #tpu.memory_space<hbm>>
        %dma_start3A_220 = arith.constant 0 : i32
        %dma_start3A_221 = arith.constant 0 : i32
        %dma_start3A_222 = tpu.memref_slice %arg7[%and3A_194, %dma_start3A_220, %dma_start3A_221] : memref<2x16x128xi32, #tpu.memory_space<vmem>> -> memref<1x16x128xi32, #tpu.memory_space<vmem>>
        %dma_start3A_223 = tpu.memref_squeeze %dma_start3A_222 : memref<1x16x128xi32, #tpu.memory_space<vmem>> -> memref<16x128xi32, #tpu.memory_space<vmem>>
        %dma_start3A_224 = arith.constant 0 : i32
        %dma_start3A_225 = tpu.memref_slice %arg4[%arg1, %mul3A_198, %dma_start3A_224] : memref<16x160x128xi32, #tpu.memory_space<hbm>> -> memref<1x16x128xi32, #tpu.memory_space<hbm>>
        %dma_start3A_226 = tpu.memref_squeeze %dma_start3A_225 : memref<1x16x128xi32, #tpu.memory_space<hbm>> -> memref<16x128xi32, #tpu.memory_space<hbm>>
        tpu.enqueue_dma source(%dma_start3A_226 : memref<16x128xi32, #tpu.memory_space<hbm>>) target(%dma_start3A_223 : memref<16x128xi32, #tpu.memory_space<vmem>>) target_semaphore(%arg12 : memref<!tpu.dma_semaphore, #tpu.memory_space<semaphore_mem>>)
      } else {
      }
      %eq3A_129 = arith.constant 14 : i32
      %eq3A_130 = arith.cmpi eq, %and3A_106, %eq3A_129 : i32
      %lt3A_131 = arith.constant 9 : i32
      %lt3A_132 = arith.cmpi slt, %shift_right_arithmetic3A_105, %lt3A_131 : i32
      %and3A_133 = arith.andi %eq3A_130, %lt3A_132 : i1
      %convert_element_type3A_134 = arith.extui %and3A_133 : i1 to i32
      %cond3A_135 = arith.constant 0 : i32
      %cond3A_136 = arith.cmpi ne, %convert_element_type3A_134, %cond3A_135 : i32
      scf.if %cond3A_136 {
        %dma_wait3A_191 = arith.constant 0 : i32
        %dma_wait3A_192 = arith.constant 0 : i32
        %dma_wait3A_193 = arith.constant 0 : i32
        %dma_wait3A_194 = tpu.memref_slice %arg6[%dma_wait3A_191, %dma_wait3A_192, %dma_wait3A_193] : memref<2x16x128xi32, #tpu.memory_space<vmem>> -> memref<1x16x128xi32, #tpu.memory_space<vmem>>
        %dma_wait3A_195 = tpu.memref_squeeze %dma_wait3A_194 : memref<1x16x128xi32, #tpu.memory_space<vmem>> -> memref<16x128xi32, #tpu.memory_space<vmem>>
        %dma_wait3A_196 = arith.constant 0 : i32
        %dma_wait3A_197 = arith.constant 0 : i32
        %dma_wait3A_198 = tpu.memref_slice %arg3[%arg1, %dma_wait3A_196, %dma_wait3A_197] : memref<16x160x128xi32, #tpu.memory_space<hbm>> -> memref<1x16x128xi32, #tpu.memory_space<hbm>>
        %dma_wait3A_199 = tpu.memref_squeeze %dma_wait3A_198 : memref<1x16x128xi32, #tpu.memory_space<hbm>> -> memref<16x128xi32, #tpu.memory_space<hbm>>
        %dma_wait3A_200 = arith.constant 0 : i32
        %dma_wait3A_201 = arith.constant 0 : i32
        %dma_wait3A_202 = tpu.memref_slice %arg6[%dma_wait3A_191, %dma_wait3A_200, %dma_wait3A_201] : memref<2x16x128xi32, #tpu.memory_space<vmem>> -> memref<1x16x128xi32, #tpu.memory_space<vmem>>
        %dma_wait3A_203 = tpu.memref_squeeze %dma_wait3A_202 : memref<1x16x128xi32, #tpu.memory_space<vmem>> -> memref<16x128xi32, #tpu.memory_space<vmem>>
        %dma_wait3A_204 = arith.constant 0 : i32
        %dma_wait3A_205 = arith.constant 0 : i32
        %dma_wait3A_206 = tpu.memref_slice %arg3[%arg1, %dma_wait3A_204, %dma_wait3A_205] : memref<16x160x128xi32, #tpu.memory_space<hbm>> -> memref<1x16x128xi32, #tpu.memory_space<hbm>>
        %dma_wait3A_207 = tpu.memref_squeeze %dma_wait3A_206 : memref<1x16x128xi32, #tpu.memory_space<hbm>> -> memref<16x128xi32, #tpu.memory_space<hbm>>
        tpu.wait_dma2 semaphore(%arg12 : memref<!tpu.dma_semaphore, #tpu.memory_space<semaphore_mem>>) src(%dma_wait3A_207 : memref<16x128xi32, #tpu.memory_space<hbm>>) dst(%dma_wait3A_203 : memref<16x128xi32, #tpu.memory_space<vmem>>)
        %dma_wait3A_208 = arith.constant 0 : i32
        %dma_wait3A_209 = arith.constant 0 : i32
        %dma_wait3A_210 = arith.constant 0 : i32
        %dma_wait3A_211 = tpu.memref_slice %arg7[%dma_wait3A_208, %dma_wait3A_209, %dma_wait3A_210] : memref<2x16x128xi32, #tpu.memory_space<vmem>> -> memref<1x16x128xi32, #tpu.memory_space<vmem>>
        %dma_wait3A_212 = tpu.memref_squeeze %dma_wait3A_211 : memref<1x16x128xi32, #tpu.memory_space<vmem>> -> memref<16x128xi32, #tpu.memory_space<vmem>>
        %dma_wait3A_213 = arith.constant 0 : i32
        %dma_wait3A_214 = arith.constant 0 : i32
        %dma_wait3A_215 = tpu.memref_slice %arg4[%arg1, %dma_wait3A_213, %dma_wait3A_214] : memref<16x160x128xi32, #tpu.memory_space<hbm>> -> memref<1x16x128xi32, #tpu.memory_space<hbm>>
        %dma_wait3A_216 = tpu.memref_squeeze %dma_wait3A_215 : memref<1x16x128xi32, #tpu.memory_space<hbm>> -> memref<16x128xi32, #tpu.memory_space<hbm>>
        %dma_wait3A_217 = arith.constant 0 : i32
        %dma_wait3A_218 = arith.constant 0 : i32
        %dma_wait3A_219 = tpu.memref_slice %arg7[%dma_wait3A_208, %dma_wait3A_217, %dma_wait3A_218] : memref<2x16x128xi32, #tpu.memory_space<vmem>> -> memref<1x16x128xi32, #tpu.memory_space<vmem>>
        %dma_wait3A_220 = tpu.memref_squeeze %dma_wait3A_219 : memref<1x16x128xi32, #tpu.memory_space<vmem>> -> memref<16x128xi32, #tpu.memory_space<vmem>>
        %dma_wait3A_221 = arith.constant 0 : i32
        %dma_wait3A_222 = arith.constant 0 : i32
        %dma_wait3A_223 = tpu.memref_slice %arg4[%arg1, %dma_wait3A_221, %dma_wait3A_222] : memref<16x160x128xi32, #tpu.memory_space<hbm>> -> memref<1x16x128xi32, #tpu.memory_space<hbm>>
        %dma_wait3A_224 = tpu.memref_squeeze %dma_wait3A_223 : memref<1x16x128xi32, #tpu.memory_space<hbm>> -> memref<16x128xi32, #tpu.memory_space<hbm>>
        tpu.wait_dma2 semaphore(%arg12 : memref<!tpu.dma_semaphore, #tpu.memory_space<semaphore_mem>>) src(%dma_wait3A_224 : memref<16x128xi32, #tpu.memory_space<hbm>>) dst(%dma_wait3A_220 : memref<16x128xi32, #tpu.memory_space<vmem>>)
      } else {
      }
      %add3A_137 = arith.constant 2 : i32
      %add3A_138 = arith.addi %add3A_104, %add3A_137 : i32
      %lt3A_139 = arith.constant 160 : i32
      %lt3A_140 = arith.cmpi slt, %add3A_138, %lt3A_139 : i32
      %convert_element_type3A_141 = arith.extui %lt3A_140 : i1 to i32
      %cond3A_142 = arith.constant 0 : i32
      %cond3A_143 = arith.cmpi ne, %convert_element_type3A_141, %cond3A_142 : i32
      scf.if %cond3A_143 {
        %add3A_191 = arith.constant 2 : i32
        %add3A_192 = arith.addi %add3A_104, %add3A_191 : i32
        %shift_right_arithmetic3A_193 = arith.constant 4 : i32
        %shift_right_arithmetic3A_194 = arith.shrsi %add3A_192, %shift_right_arithmetic3A_193 : i32
        %and3A_195 = arith.constant 1 : i32
        %and3A_196 = arith.andi %shift_right_arithmetic3A_194, %and3A_195 : i32
        %and3A_197 = arith.constant 15 : i32
        %and3A_198 = arith.andi %add3A_192, %and3A_197 : i32
        %dma_start3A_199 = arith.constant 0 : i32
        %dma_start3A_200 = arith.constant 0 : i32
        %dma_start3A_201 = arith.constant 0 : i32
        %dma_start3A_202 = tpu.memref_slice %arg8[%dma_start3A_199, %dma_start3A_200, %dma_start3A_201] : memref<2x128x128xf32, #tpu.memory_space<vmem>> -> memref<1x128x128xf32, #tpu.memory_space<vmem>>
        %dma_start3A_203 = tpu.memref_squeeze %dma_start3A_202 : memref<1x128x128xf32, #tpu.memory_space<vmem>> -> memref<128x128xf32, #tpu.memory_space<vmem>>
        %dma_start3A_204 = arith.constant 0 : i32
        %dma_start3A_205 = tpu.memref_slice %arg6[%and3A_196, %and3A_198, %dma_start3A_204] : memref<2x16x128xi32, #tpu.memory_space<vmem>> -> memref<1x1x128xi32, #tpu.memory_space<vmem>>
        %dma_start3A_206 = tpu.memref_squeeze %dma_start3A_205 : memref<1x1x128xi32, #tpu.memory_space<vmem>> -> memref<128xi32, #tpu.memory_space<vmem>>
        %dma_start3A_207 = arith.constant 0 : i32
        %dma_start3A_208 = arith.constant 0 : i32
        %dma_start3A_209 = tpu.memref_slice %arg2[%arg0, %dma_start3A_207, %dma_start3A_208] : memref<2x10240x128xf32, #tpu.memory_space<hbm>> -> memref<1x10240x128xf32, #tpu.memory_space<hbm>>
        %dma_start3A_210 = tpu.memref_squeeze %dma_start3A_209 : memref<1x10240x128xf32, #tpu.memory_space<hbm>> -> memref<10240x128xf32, #tpu.memory_space<hbm>>
        %dma_start3A_211 = arith.constant 0 : i32
        %dma_start3A_212 = arith.constant 0 : i32
        %dma_start3A_213 = tpu.memref_slice %dma_start3A_210[%dma_start3A_211, %dma_start3A_212] : memref<10240x128xf32, #tpu.memory_space<hbm>> -> memref<10240x128xf32, #tpu.memory_space<hbm>>
        tpu.enqueue_indirect_dma source(%dma_start3A_213 : memref<10240x128xf32, #tpu.memory_space<hbm>>) target(%dma_start3A_203 : memref<128x128xf32, #tpu.memory_space<vmem>>) offsets(%dma_start3A_206 : memref<128xi32, #tpu.memory_space<vmem>>) semaphore(%arg10 : memref<!tpu.dma_semaphore, #tpu.memory_space<semaphore_mem>>)
      } else {
      }
      %add3A_144 = arith.constant 1 : i32
      %add3A_145 = arith.addi %add3A_102, %add3A_144 : i32
      %shift_right_arithmetic3A_146 = arith.constant 4 : i32
      %shift_right_arithmetic3A_147 = arith.shrsi %add3A_145, %shift_right_arithmetic3A_146 : i32
      %and3A_148 = arith.constant 15 : i32
      %and3A_149 = arith.andi %add3A_145, %and3A_148 : i32
      %and3A_150 = arith.constant 1 : i32
      %and3A_151 = arith.andi %shift_right_arithmetic3A_147, %and3A_150 : i32
      %dma_wait3A_152 = arith.constant 1 : i32
      %dma_wait3A_153 = arith.constant 0 : i32
      %dma_wait3A_154 = arith.constant 0 : i32
      %dma_wait3A_155 = tpu.memref_slice %arg8[%dma_wait3A_152, %dma_wait3A_153, %dma_wait3A_154] : memref<2x128x128xf32, #tpu.memory_space<vmem>> -> memref<1x128x128xf32, #tpu.memory_space<vmem>>
      %dma_wait3A_156 = tpu.memref_squeeze %dma_wait3A_155 : memref<1x128x128xf32, #tpu.memory_space<vmem>> -> memref<128x128xf32, #tpu.memory_space<vmem>>
      %dma_wait3A_157 = arith.constant 0 : i32
      %dma_wait3A_158 = tpu.memref_slice %arg6[%and3A_151, %and3A_149, %dma_wait3A_157] : memref<2x16x128xi32, #tpu.memory_space<vmem>> -> memref<1x1x128xi32, #tpu.memory_space<vmem>>
      %dma_wait3A_159 = tpu.memref_squeeze %dma_wait3A_158 : memref<1x1x128xi32, #tpu.memory_space<vmem>> -> memref<128xi32, #tpu.memory_space<vmem>>
      %dma_wait3A_160 = arith.constant 0 : i32
      %dma_wait3A_161 = arith.constant 0 : i32
      %dma_wait3A_162 = tpu.memref_slice %arg2[%arg0, %dma_wait3A_160, %dma_wait3A_161] : memref<2x10240x128xf32, #tpu.memory_space<hbm>> -> memref<1x10240x128xf32, #tpu.memory_space<hbm>>
      %dma_wait3A_163 = tpu.memref_squeeze %dma_wait3A_162 : memref<1x10240x128xf32, #tpu.memory_space<hbm>> -> memref<10240x128xf32, #tpu.memory_space<hbm>>
      %dma_wait3A_164 = arith.constant 0 : i32
      %dma_wait3A_165 = arith.constant 0 : i32
      %dma_wait3A_166 = tpu.memref_slice %dma_wait3A_163[%dma_wait3A_164, %dma_wait3A_165] : memref<10240x128xf32, #tpu.memory_space<hbm>> -> memref<10240x128xf32, #tpu.memory_space<hbm>>
      tpu.wait_indirect_dma semaphore(%arg11 : memref<!tpu.dma_semaphore, #tpu.memory_space<semaphore_mem>>) src(%dma_wait3A_166 : memref<10240x128xf32, #tpu.memory_space<hbm>>) dst(%dma_wait3A_156 : memref<128x128xf32, #tpu.memory_space<vmem>>)
      %run_scoped3A_167 = arith.constant 1 : i32
      "tpu.region"() ({
        %run_scoped3A_191 = tpu.sem_alloc : memref<!tpu.dma_semaphore, #tpu.memory_space<semaphore_mem>>
        %dma_start3A_192 = arith.constant 0 : i32
        %dma_start3A_193 = arith.constant 0 : i32
        %dma_start3A_194 = tpu.memref_slice %arg8[%run_scoped3A_167, %dma_start3A_192, %dma_start3A_193] : memref<2x128x128xf32, #tpu.memory_space<vmem>> -> memref<1x128x128xf32, #tpu.memory_space<vmem>>
        %dma_start3A_195 = tpu.memref_squeeze %dma_start3A_194 : memref<1x128x128xf32, #tpu.memory_space<vmem>> -> memref<128x128xf32, #tpu.memory_space<vmem>>
        %dma_start3A_196 = arith.constant 0 : i32
        %dma_start3A_197 = tpu.memref_slice %arg7[%and3A_151, %and3A_149, %dma_start3A_196] : memref<2x16x128xi32, #tpu.memory_space<vmem>> -> memref<1x1x128xi32, #tpu.memory_space<vmem>>
        %dma_start3A_198 = tpu.memref_squeeze %dma_start3A_197 : memref<1x1x128xi32, #tpu.memory_space<vmem>> -> memref<128xi32, #tpu.memory_space<vmem>>
        %dma_start3A_199 = arith.constant 0 : i32
        %dma_start3A_200 = arith.constant 0 : i32
        %dma_start3A_201 = tpu.memref_slice %arg9[%dma_start3A_199, %dma_start3A_200] : memref<10240x128xf32, #tpu.memory_space<vmem_shared>> -> memref<10240x128xf32, #tpu.memory_space<vmem_shared>>
        tpu.enqueue_indirect_dma source(%dma_start3A_195 : memref<128x128xf32, #tpu.memory_space<vmem>>) target(%dma_start3A_201 : memref<10240x128xf32, #tpu.memory_space<vmem_shared>>) offsets(%dma_start3A_198 : memref<128xi32, #tpu.memory_space<vmem>>) semaphore(%run_scoped3A_191 : memref<!tpu.dma_semaphore, #tpu.memory_space<semaphore_mem>>) {add = true}
        %dma_wait3A_202 = arith.constant 0 : i32
        %dma_wait3A_203 = arith.constant 0 : i32
        %dma_wait3A_204 = tpu.memref_slice %arg8[%run_scoped3A_167, %dma_wait3A_202, %dma_wait3A_203] : memref<2x128x128xf32, #tpu.memory_space<vmem>> -> memref<1x128x128xf32, #tpu.memory_space<vmem>>
        %dma_wait3A_205 = tpu.memref_squeeze %dma_wait3A_204 : memref<1x128x128xf32, #tpu.memory_space<vmem>> -> memref<128x128xf32, #tpu.memory_space<vmem>>
        %dma_wait3A_206 = arith.constant 0 : i32
        %dma_wait3A_207 = tpu.memref_slice %arg7[%and3A_151, %and3A_149, %dma_wait3A_206] : memref<2x16x128xi32, #tpu.memory_space<vmem>> -> memref<1x1x128xi32, #tpu.memory_space<vmem>>
        %dma_wait3A_208 = tpu.memref_squeeze %dma_wait3A_207 : memref<1x1x128xi32, #tpu.memory_space<vmem>> -> memref<128xi32, #tpu.memory_space<vmem>>
        %dma_wait3A_209 = arith.constant 0 : i32
        %dma_wait3A_210 = arith.constant 0 : i32
        %dma_wait3A_211 = tpu.memref_slice %arg9[%dma_wait3A_209, %dma_wait3A_210] : memref<10240x128xf32, #tpu.memory_space<vmem_shared>> -> memref<10240x128xf32, #tpu.memory_space<vmem_shared>>
        tpu.wait_indirect_dma semaphore(%run_scoped3A_191 : memref<!tpu.dma_semaphore, #tpu.memory_space<semaphore_mem>>) src(%dma_wait3A_205 : memref<128x128xf32, #tpu.memory_space<vmem>>) dst(%dma_wait3A_211 : memref<10240x128xf32, #tpu.memory_space<vmem_shared>>)
        tpu.yield
      }) : () -> ()
      %eq3A_168 = arith.constant 1 : i32
      %eq3A_169 = arith.cmpi eq, %and3A_149, %eq3A_168 : i32
      %lt3A_170 = arith.constant 9 : i32
      %lt3A_171 = arith.cmpi slt, %shift_right_arithmetic3A_147, %lt3A_170 : i32
      %and3A_172 = arith.andi %eq3A_169, %lt3A_171 : i1
      %convert_element_type3A_173 = arith.extui %and3A_172 : i1 to i32
      %cond3A_174 = arith.constant 0 : i32
      %cond3A_175 = arith.cmpi ne, %convert_element_type3A_173, %cond3A_174 : i32
      scf.if %cond3A_175 {
        %add3A_191 = arith.constant 1 : i32
        %add3A_192 = arith.addi %shift_right_arithmetic3A_147, %add3A_191 : i32
        %and3A_193 = arith.constant 1 : i32
        %and3A_194 = arith.andi %add3A_192, %and3A_193 : i32
        %add3A_195 = arith.constant 1 : i32
        %add3A_196 = arith.addi %shift_right_arithmetic3A_147, %add3A_195 : i32
        %mul3A_197 = arith.constant 16 : i32
        %mul3A_198 = arith.muli %add3A_196, %mul3A_197 : i32
        %dma_start3A_199 = arith.constant 0 : i32
        %dma_start3A_200 = arith.constant 0 : i32
        %dma_start3A_201 = tpu.memref_slice %arg6[%and3A_194, %dma_start3A_199, %dma_start3A_200] : memref<2x16x128xi32, #tpu.memory_space<vmem>> -> memref<1x16x128xi32, #tpu.memory_space<vmem>>
        %dma_start3A_202 = tpu.memref_squeeze %dma_start3A_201 : memref<1x16x128xi32, #tpu.memory_space<vmem>> -> memref<16x128xi32, #tpu.memory_space<vmem>>
        %dma_start3A_203 = arith.constant 0 : i32
        %dma_start3A_204 = tpu.memref_slice %arg3[%arg1, %mul3A_198, %dma_start3A_203] : memref<16x160x128xi32, #tpu.memory_space<hbm>> -> memref<1x16x128xi32, #tpu.memory_space<hbm>>
        %dma_start3A_205 = tpu.memref_squeeze %dma_start3A_204 : memref<1x16x128xi32, #tpu.memory_space<hbm>> -> memref<16x128xi32, #tpu.memory_space<hbm>>
        %dma_start3A_206 = arith.constant 0 : i32
        %dma_start3A_207 = arith.constant 0 : i32
        %dma_start3A_208 = tpu.memref_slice %arg6[%and3A_194, %dma_start3A_206, %dma_start3A_207] : memref<2x16x128xi32, #tpu.memory_space<vmem>> -> memref<1x16x128xi32, #tpu.memory_space<vmem>>
        %dma_start3A_209 = tpu.memref_squeeze %dma_start3A_208 : memref<1x16x128xi32, #tpu.memory_space<vmem>> -> memref<16x128xi32, #tpu.memory_space<vmem>>
        %dma_start3A_210 = arith.constant 0 : i32
        %dma_start3A_211 = tpu.memref_slice %arg3[%arg1, %mul3A_198, %dma_start3A_210] : memref<16x160x128xi32, #tpu.memory_space<hbm>> -> memref<1x16x128xi32, #tpu.memory_space<hbm>>
        %dma_start3A_212 = tpu.memref_squeeze %dma_start3A_211 : memref<1x16x128xi32, #tpu.memory_space<hbm>> -> memref<16x128xi32, #tpu.memory_space<hbm>>
        tpu.enqueue_dma source(%dma_start3A_212 : memref<16x128xi32, #tpu.memory_space<hbm>>) target(%dma_start3A_209 : memref<16x128xi32, #tpu.memory_space<vmem>>) target_semaphore(%arg12 : memref<!tpu.dma_semaphore, #tpu.memory_space<semaphore_mem>>)
        %dma_start3A_213 = arith.constant 0 : i32
        %dma_start3A_214 = arith.constant 0 : i32
        %dma_start3A_215 = tpu.memref_slice %arg7[%and3A_194, %dma_start3A_213, %dma_start3A_214] : memref<2x16x128xi32, #tpu.memory_space<vmem>> -> memref<1x16x128xi32, #tpu.memory_space<vmem>>
        %dma_start3A_216 = tpu.memref_squeeze %dma_start3A_215 : memref<1x16x128xi32, #tpu.memory_space<vmem>> -> memref<16x128xi32, #tpu.memory_space<vmem>>
        %dma_start3A_217 = arith.constant 0 : i32
        %dma_start3A_218 = tpu.memref_slice %arg4[%arg1, %mul3A_198, %dma_start3A_217] : memref<16x160x128xi32, #tpu.memory_space<hbm>> -> memref<1x16x128xi32, #tpu.memory_space<hbm>>
        %dma_start3A_219 = tpu.memref_squeeze %dma_start3A_218 : memref<1x16x128xi32, #tpu.memory_space<hbm>> -> memref<16x128xi32, #tpu.memory_space<hbm>>
        %dma_start3A_220 = arith.constant 0 : i32
        %dma_start3A_221 = arith.constant 0 : i32
        %dma_start3A_222 = tpu.memref_slice %arg7[%and3A_194, %dma_start3A_220, %dma_start3A_221] : memref<2x16x128xi32, #tpu.memory_space<vmem>> -> memref<1x16x128xi32, #tpu.memory_space<vmem>>
        %dma_start3A_223 = tpu.memref_squeeze %dma_start3A_222 : memref<1x16x128xi32, #tpu.memory_space<vmem>> -> memref<16x128xi32, #tpu.memory_space<vmem>>
        %dma_start3A_224 = arith.constant 0 : i32
        %dma_start3A_225 = tpu.memref_slice %arg4[%arg1, %mul3A_198, %dma_start3A_224] : memref<16x160x128xi32, #tpu.memory_space<hbm>> -> memref<1x16x128xi32, #tpu.memory_space<hbm>>
        %dma_start3A_226 = tpu.memref_squeeze %dma_start3A_225 : memref<1x16x128xi32, #tpu.memory_space<hbm>> -> memref<16x128xi32, #tpu.memory_space<hbm>>
        tpu.enqueue_dma source(%dma_start3A_226 : memref<16x128xi32, #tpu.memory_space<hbm>>) target(%dma_start3A_223 : memref<16x128xi32, #tpu.memory_space<vmem>>) target_semaphore(%arg12 : memref<!tpu.dma_semaphore, #tpu.memory_space<semaphore_mem>>)
      } else {
      }
      %eq3A_176 = arith.constant 14 : i32
      %eq3A_177 = arith.cmpi eq, %and3A_149, %eq3A_176 : i32
      %lt3A_178 = arith.constant 9 : i32
      %lt3A_179 = arith.cmpi slt, %shift_right_arithmetic3A_147, %lt3A_178 : i32
      %and3A_180 = arith.andi %eq3A_177, %lt3A_179 : i1
      %convert_element_type3A_181 = arith.extui %and3A_180 : i1 to i32
      %cond3A_182 = arith.constant 0 : i32
      %cond3A_183 = arith.cmpi ne, %convert_element_type3A_181, %cond3A_182 : i32
      scf.if %cond3A_183 {
        %dma_wait3A_191 = arith.constant 0 : i32
        %dma_wait3A_192 = arith.constant 0 : i32
        %dma_wait3A_193 = arith.constant 0 : i32
        %dma_wait3A_194 = tpu.memref_slice %arg6[%dma_wait3A_191, %dma_wait3A_192, %dma_wait3A_193] : memref<2x16x128xi32, #tpu.memory_space<vmem>> -> memref<1x16x128xi32, #tpu.memory_space<vmem>>
        %dma_wait3A_195 = tpu.memref_squeeze %dma_wait3A_194 : memref<1x16x128xi32, #tpu.memory_space<vmem>> -> memref<16x128xi32, #tpu.memory_space<vmem>>
        %dma_wait3A_196 = arith.constant 0 : i32
        %dma_wait3A_197 = arith.constant 0 : i32
        %dma_wait3A_198 = tpu.memref_slice %arg3[%arg1, %dma_wait3A_196, %dma_wait3A_197] : memref<16x160x128xi32, #tpu.memory_space<hbm>> -> memref<1x16x128xi32, #tpu.memory_space<hbm>>
        %dma_wait3A_199 = tpu.memref_squeeze %dma_wait3A_198 : memref<1x16x128xi32, #tpu.memory_space<hbm>> -> memref<16x128xi32, #tpu.memory_space<hbm>>
        %dma_wait3A_200 = arith.constant 0 : i32
        %dma_wait3A_201 = arith.constant 0 : i32
        %dma_wait3A_202 = tpu.memref_slice %arg6[%dma_wait3A_191, %dma_wait3A_200, %dma_wait3A_201] : memref<2x16x128xi32, #tpu.memory_space<vmem>> -> memref<1x16x128xi32, #tpu.memory_space<vmem>>
        %dma_wait3A_203 = tpu.memref_squeeze %dma_wait3A_202 : memref<1x16x128xi32, #tpu.memory_space<vmem>> -> memref<16x128xi32, #tpu.memory_space<vmem>>
        %dma_wait3A_204 = arith.constant 0 : i32
        %dma_wait3A_205 = arith.constant 0 : i32
        %dma_wait3A_206 = tpu.memref_slice %arg3[%arg1, %dma_wait3A_204, %dma_wait3A_205] : memref<16x160x128xi32, #tpu.memory_space<hbm>> -> memref<1x16x128xi32, #tpu.memory_space<hbm>>
        %dma_wait3A_207 = tpu.memref_squeeze %dma_wait3A_206 : memref<1x16x128xi32, #tpu.memory_space<hbm>> -> memref<16x128xi32, #tpu.memory_space<hbm>>
        tpu.wait_dma2 semaphore(%arg12 : memref<!tpu.dma_semaphore, #tpu.memory_space<semaphore_mem>>) src(%dma_wait3A_207 : memref<16x128xi32, #tpu.memory_space<hbm>>) dst(%dma_wait3A_203 : memref<16x128xi32, #tpu.memory_space<vmem>>)
        %dma_wait3A_208 = arith.constant 0 : i32
        %dma_wait3A_209 = arith.constant 0 : i32
        %dma_wait3A_210 = arith.constant 0 : i32
        %dma_wait3A_211 = tpu.memref_slice %arg7[%dma_wait3A_208, %dma_wait3A_209, %dma_wait3A_210] : memref<2x16x128xi32, #tpu.memory_space<vmem>> -> memref<1x16x128xi32, #tpu.memory_space<vmem>>
        %dma_wait3A_212 = tpu.memref_squeeze %dma_wait3A_211 : memref<1x16x128xi32, #tpu.memory_space<vmem>> -> memref<16x128xi32, #tpu.memory_space<vmem>>
        %dma_wait3A_213 = arith.constant 0 : i32
        %dma_wait3A_214 = arith.constant 0 : i32
        %dma_wait3A_215 = tpu.memref_slice %arg4[%arg1, %dma_wait3A_213, %dma_wait3A_214] : memref<16x160x128xi32, #tpu.memory_space<hbm>> -> memref<1x16x128xi32, #tpu.memory_space<hbm>>
        %dma_wait3A_216 = tpu.memref_squeeze %dma_wait3A_215 : memref<1x16x128xi32, #tpu.memory_space<hbm>> -> memref<16x128xi32, #tpu.memory_space<hbm>>
        %dma_wait3A_217 = arith.constant 0 : i32
        %dma_wait3A_218 = arith.constant 0 : i32
        %dma_wait3A_219 = tpu.memref_slice %arg7[%dma_wait3A_208, %dma_wait3A_217, %dma_wait3A_218] : memref<2x16x128xi32, #tpu.memory_space<vmem>> -> memref<1x16x128xi32, #tpu.memory_space<vmem>>
        %dma_wait3A_220 = tpu.memref_squeeze %dma_wait3A_219 : memref<1x16x128xi32, #tpu.memory_space<vmem>> -> memref<16x128xi32, #tpu.memory_space<vmem>>
        %dma_wait3A_221 = arith.constant 0 : i32
        %dma_wait3A_222 = arith.constant 0 : i32
        %dma_wait3A_223 = tpu.memref_slice %arg4[%arg1, %dma_wait3A_221, %dma_wait3A_222] : memref<16x160x128xi32, #tpu.memory_space<hbm>> -> memref<1x16x128xi32, #tpu.memory_space<hbm>>
        %dma_wait3A_224 = tpu.memref_squeeze %dma_wait3A_223 : memref<1x16x128xi32, #tpu.memory_space<hbm>> -> memref<16x128xi32, #tpu.memory_space<hbm>>
        tpu.wait_dma2 semaphore(%arg12 : memref<!tpu.dma_semaphore, #tpu.memory_space<semaphore_mem>>) src(%dma_wait3A_224 : memref<16x128xi32, #tpu.memory_space<hbm>>) dst(%dma_wait3A_220 : memref<16x128xi32, #tpu.memory_space<vmem>>)
      } else {
      }
      %add3A_184 = arith.constant 2 : i32
      %add3A_185 = arith.addi %add3A_145, %add3A_184 : i32
      %lt3A_186 = arith.constant 160 : i32
      %lt3A_187 = arith.cmpi slt, %add3A_185, %lt3A_186 : i32
      %convert_element_type3A_188 = arith.extui %lt3A_187 : i1 to i32
      %cond3A_189 = arith.constant 0 : i32
      %cond3A_190 = arith.cmpi ne, %convert_element_type3A_188, %cond3A_189 : i32
      scf.if %cond3A_190 {
        %add3A_191 = arith.constant 2 : i32
        %add3A_192 = arith.addi %add3A_145, %add3A_191 : i32
        %shift_right_arithmetic3A_193 = arith.constant 4 : i32
        %shift_right_arithmetic3A_194 = arith.shrsi %add3A_192, %shift_right_arithmetic3A_193 : i32
        %and3A_195 = arith.constant 1 : i32
        %and3A_196 = arith.andi %shift_right_arithmetic3A_194, %and3A_195 : i32
        %and3A_197 = arith.constant 15 : i32
        %and3A_198 = arith.andi %add3A_192, %and3A_197 : i32
        %dma_start3A_199 = arith.constant 1 : i32
        %dma_start3A_200 = arith.constant 0 : i32
        %dma_start3A_201 = arith.constant 0 : i32
        %dma_start3A_202 = tpu.memref_slice %arg8[%dma_start3A_199, %dma_start3A_200, %dma_start3A_201] : memref<2x128x128xf32, #tpu.memory_space<vmem>> -> memref<1x128x128xf32, #tpu.memory_space<vmem>>
        %dma_start3A_203 = tpu.memref_squeeze %dma_start3A_202 : memref<1x128x128xf32, #tpu.memory_space<vmem>> -> memref<128x128xf32, #tpu.memory_space<vmem>>
        %dma_start3A_204 = arith.constant 0 : i32
        %dma_start3A_205 = tpu.memref_slice %arg6[%and3A_196, %and3A_198, %dma_start3A_204] : memref<2x16x128xi32, #tpu.memory_space<vmem>> -> memref<1x1x128xi32, #tpu.memory_space<vmem>>
        %dma_start3A_206 = tpu.memref_squeeze %dma_start3A_205 : memref<1x1x128xi32, #tpu.memory_space<vmem>> -> memref<128xi32, #tpu.memory_space<vmem>>
        %dma_start3A_207 = arith.constant 0 : i32
        %dma_start3A_208 = arith.constant 0 : i32
        %dma_start3A_209 = tpu.memref_slice %arg2[%arg0, %dma_start3A_207, %dma_start3A_208] : memref<2x10240x128xf32, #tpu.memory_space<hbm>> -> memref<1x10240x128xf32, #tpu.memory_space<hbm>>
        %dma_start3A_210 = tpu.memref_squeeze %dma_start3A_209 : memref<1x10240x128xf32, #tpu.memory_space<hbm>> -> memref<10240x128xf32, #tpu.memory_space<hbm>>
        %dma_start3A_211 = arith.constant 0 : i32
        %dma_start3A_212 = arith.constant 0 : i32
        %dma_start3A_213 = tpu.memref_slice %dma_start3A_210[%dma_start3A_211, %dma_start3A_212] : memref<10240x128xf32, #tpu.memory_space<hbm>> -> memref<10240x128xf32, #tpu.memory_space<hbm>>
        tpu.enqueue_indirect_dma source(%dma_start3A_213 : memref<10240x128xf32, #tpu.memory_space<hbm>>) target(%dma_start3A_203 : memref<128x128xf32, #tpu.memory_space<vmem>>) offsets(%dma_start3A_206 : memref<128xi32, #tpu.memory_space<vmem>>) semaphore(%arg11 : memref<!tpu.dma_semaphore, #tpu.memory_space<semaphore_mem>>)
      } else {
      }
    }
    %scan3A_83 = arith.constant 80 : i32
    %barrier3A_84 = arith.constant 0 : index
    tpu.barrier barrier_id(%barrier3A_84)
    %mul3A_85 = arith.constant 640 : i32
    %mul3A_86 = arith.muli %arg1, %mul3A_85 : i32
    %mul3A_87 = arith.constant 640 : i32
    %mul3A_88 = arith.muli %arg1, %mul3A_87 : i32
    %dma_start3A_89 = arith.constant 0 : i32
    %dma_start3A_90 = tpu.memref_slice %arg5[%arg0, %mul3A_88, %dma_start3A_89] : memref<2x10240x128xf32, #tpu.memory_space<hbm>> -> memref<1x640x128xf32, #tpu.memory_space<hbm>>
    %dma_start3A_91 = tpu.memref_squeeze %dma_start3A_90 : memref<1x640x128xf32, #tpu.memory_space<hbm>> -> memref<640x128xf32, #tpu.memory_space<hbm>>
    %dma_start3A_92 = arith.constant 0 : i32
    %dma_start3A_93 = tpu.memref_slice %arg9[%mul3A_86, %dma_start3A_92] : memref<10240x128xf32, #tpu.memory_space<vmem_shared>> -> memref<640x128xf32, #tpu.memory_space<vmem_shared>>
    tpu.enqueue_dma source(%dma_start3A_93 : memref<640x128xf32, #tpu.memory_space<vmem_shared>>) target(%dma_start3A_91 : memref<640x128xf32, #tpu.memory_space<hbm>>) target_semaphore(%arg12 : memref<!tpu.dma_semaphore, #tpu.memory_space<semaphore_mem>>)
    %dma_wait3A_94 = arith.constant 0 : i32
    %dma_wait3A_95 = tpu.memref_slice %arg5[%arg0, %mul3A_88, %dma_wait3A_94] : memref<2x10240x128xf32, #tpu.memory_space<hbm>> -> memref<1x640x128xf32, #tpu.memory_space<hbm>>
    %dma_wait3A_96 = tpu.memref_squeeze %dma_wait3A_95 : memref<1x640x128xf32, #tpu.memory_space<hbm>> -> memref<640x128xf32, #tpu.memory_space<hbm>>
    %dma_wait3A_97 = arith.constant 0 : i32
    %dma_wait3A_98 = tpu.memref_slice %arg9[%mul3A_86, %dma_wait3A_97] : memref<10240x128xf32, #tpu.memory_space<vmem_shared>> -> memref<640x128xf32, #tpu.memory_space<vmem_shared>>
    tpu.wait_dma2 semaphore(%arg12 : memref<!tpu.dma_semaphore, #tpu.memory_space<semaphore_mem>>) src(%dma_wait3A_98 : memref<640x128xf32, #tpu.memory_space<vmem_shared>>) dst(%dma_wait3A_96 : memref<640x128xf32, #tpu.memory_space<hbm>>)
    return
  }
}

#map = affine_map<(d0, d1) -> (0)>
#map1 = affine_map<(d0, d1) -> (0, 0)>
module attributes {stable_mosaic.version = 14 : i64} {
  func.func @deg_kernel(%arg0: i32, %arg1: i32, %arg2: memref<320000xi32, #tpu.memory_space<hbm>>, %arg3: memref<32x10240xf32, #tpu.memory_space<hbm>>, %arg4: memref<10000xi32, #tpu.memory_space<vmem>>, %arg5: memref<10240xf32, #tpu.memory_space<vmem>>, %arg6: memref<!tpu.dma_semaphore, #tpu.memory_space<semaphore_mem>>) attributes {dimension_semantics = [#tpu.dimension_semantics<core_parallel>, #tpu.dimension_semantics<subcore_parallel>], iteration_bounds = array<i64: 2, 16>, scalar_prefetch = 0 : i64, scratch_operands = 3 : i64, tpu.core_type = #tpu.core_type<sc_vector_subcore>, window_params = [{transform_indices = #map}, {transform_indices = #map1}]} {
    %mul3A = arith.constant 2 : i32
    %mul3A_0 = arith.muli %arg1, %mul3A : i32
    %add3A = arith.addi %mul3A_0, %arg0 : i32
    %mul3A_1 = arith.constant 10000 : i32
    %mul3A_2 = arith.muli %add3A, %mul3A_1 : i32
    %dma_start3A = tpu.memref_slice %arg2[%mul3A_2] : memref<320000xi32, #tpu.memory_space<hbm>> -> memref<10000xi32, #tpu.memory_space<hbm>>
    %dma_start3A_3 = tpu.memref_slice %arg2[%mul3A_2] : memref<320000xi32, #tpu.memory_space<hbm>> -> memref<10000xi32, #tpu.memory_space<hbm>>
    tpu.enqueue_dma source(%dma_start3A_3 : memref<10000xi32, #tpu.memory_space<hbm>>) target(%arg4 : memref<10000xi32, #tpu.memory_space<vmem>>) target_semaphore(%arg6 : memref<!tpu.dma_semaphore, #tpu.memory_space<semaphore_mem>>)
    %dma_wait3A = tpu.memref_slice %arg2[%mul3A_2] : memref<320000xi32, #tpu.memory_space<hbm>> -> memref<10000xi32, #tpu.memory_space<hbm>>
    %dma_wait3A_4 = tpu.memref_slice %arg2[%mul3A_2] : memref<320000xi32, #tpu.memory_space<hbm>> -> memref<10000xi32, #tpu.memory_space<hbm>>
    tpu.wait_dma2 semaphore(%arg6 : memref<!tpu.dma_semaphore, #tpu.memory_space<semaphore_mem>>) src(%dma_wait3A_4 : memref<10000xi32, #tpu.memory_space<hbm>>) dst(%arg4 : memref<10000xi32, #tpu.memory_space<vmem>>)
    %broadcast_in_dim3A = arith.constant 0.000000e+00 : f32
    %broadcast_in_dim3A_5 = vector.broadcast %broadcast_in_dim3A : f32 to vector<16xf32>
    %scan3A = arith.constant 0 : i32
    %scan3A_6 = arith.constant 640 : i32
    %scan3A_7 = arith.addi %scan3A, %scan3A_6 : i32
    %scan3A_8 = arith.constant 1 : i32
    scf.for %scan3A_29 = %scan3A to %scan3A_7 step %scan3A_8  : i32 {
      %mul3A_30 = arith.constant 16 : i32
      %mul3A_31 = arith.muli %scan3A_29, %mul3A_30 : i32
      %add3A_32 = arith.constant 0 : i32
      %add3A_33 = arith.addi %add3A_32, %mul3A_31 : i32
      %swap3A = arith.index_cast %add3A_33 : i32 to index
      %swap3A_34 = tpu.vector_load %arg5[%swap3A] {strides = array<i32>} : memref<10240xf32, #tpu.memory_space<vmem>>, vector<16xf32>,
      tpu.vector_store %arg5[%swap3A], %broadcast_in_dim3A_5 {strides = array<i32>} : memref<10240xf32, #tpu.memory_space<vmem>>, vector<16xf32>,
    }
    %scan3A_9 = arith.constant 640 : i32
    %broadcast_in_dim3A_10 = arith.constant 1.000000e+00 : f32
    %broadcast_in_dim3A_11 = vector.broadcast %broadcast_in_dim3A_10 : f32 to vector<16xf32>
    %scan3A_12 = arith.constant 0 : i32
    %scan3A_13 = arith.constant 625 : i32
    %scan3A_14 = arith.addi %scan3A_12, %scan3A_13 : i32
    %scan3A_15 = arith.constant 1 : i32
    scf.for %scan3A_29 = %scan3A_12 to %scan3A_14 step %scan3A_15  : i32 {
      %mul3A_30 = arith.constant 16 : i32
      %mul3A_31 = arith.muli %scan3A_29, %mul3A_30 : i32
      %add3A_32 = arith.constant 0 : i32
      %add3A_33 = arith.addi %add3A_32, %mul3A_31 : i32
      %get3A = arith.index_cast %add3A_33 : i32 to index
      %get3A_34 = tpu.vector_load %arg4[%get3A] {strides = array<i32>} : memref<10000xi32, #tpu.memory_space<vmem>>, vector<16xi32>,
      tpu.vector_store_idx %arg5[%get3A_34], %broadcast_in_dim3A_11 {add = true} : memref<10240xf32, #tpu.memory_space<vmem>>[vector<16xi32>], vector<16xf32>,
    }
    %scan3A_16 = arith.constant 625 : i32
    %dma_start3A_17 = arith.constant 0 : i32
    %dma_start3A_18 = tpu.memref_slice %arg3[%add3A, %dma_start3A_17] : memref<32x10240xf32, #tpu.memory_space<hbm>> -> memref<1x10240xf32, #tpu.memory_space<hbm>>
    %dma_start3A_19 = tpu.memref_squeeze %dma_start3A_18 : memref<1x10240xf32, #tpu.memory_space<hbm>> -> memref<10240xf32, #tpu.memory_space<hbm>>
    %dma_start3A_20 = arith.constant 0 : i32
    %dma_start3A_21 = tpu.memref_slice %arg3[%add3A, %dma_start3A_20] : memref<32x10240xf32, #tpu.memory_space<hbm>> -> memref<1x10240xf32, #tpu.memory_space<hbm>>
    %dma_start3A_22 = tpu.memref_squeeze %dma_start3A_21 : memref<1x10240xf32, #tpu.memory_space<hbm>> -> memref<10240xf32, #tpu.memory_space<hbm>>
    tpu.enqueue_dma source(%arg5 : memref<10240xf32, #tpu.memory_space<vmem>>) target(%dma_start3A_22 : memref<10240xf32, #tpu.memory_space<hbm>>) target_semaphore(%arg6 : memref<!tpu.dma_semaphore, #tpu.memory_space<semaphore_mem>>)
    %dma_wait3A_23 = arith.constant 0 : i32
    %dma_wait3A_24 = tpu.memref_slice %arg3[%add3A, %dma_wait3A_23] : memref<32x10240xf32, #tpu.memory_space<hbm>> -> memref<1x10240xf32, #tpu.memory_space<hbm>>
    %dma_wait3A_25 = tpu.memref_squeeze %dma_wait3A_24 : memref<1x10240xf32, #tpu.memory_space<hbm>> -> memref<10240xf32, #tpu.memory_space<hbm>>
    %dma_wait3A_26 = arith.constant 0 : i32
    %dma_wait3A_27 = tpu.memref_slice %arg3[%add3A, %dma_wait3A_26] : memref<32x10240xf32, #tpu.memory_space<hbm>> -> memref<1x10240xf32, #tpu.memory_space<hbm>>
    %dma_wait3A_28 = tpu.memref_squeeze %dma_wait3A_27 : memref<1x10240xf32, #tpu.memory_space<hbm>> -> memref<10240xf32, #tpu.memory_space<hbm>>
    tpu.wait_dma2 semaphore(%arg6 : memref<!tpu.dma_semaphore, #tpu.memory_space<semaphore_mem>>) src(%arg5 : memref<10240xf32, #tpu.memory_space<vmem>>) dst(%dma_wait3A_28 : memref<10240xf32, #tpu.memory_space<hbm>>)
    return
  }
}

#map = affine_map<(d0, d1) -> (0, 0, 0)>
module attributes {stable_mosaic.version = 14 : i64} {
  func.func @agg_kernel(%arg0: i32, %arg1: i32, %arg2: memref<2x10240x128xf32, #tpu.memory_space<hbm>>, %arg3: memref<16x160x128xi32, #tpu.memory_space<hbm>>, %arg4: memref<16x160x128xi32, #tpu.memory_space<hbm>>, %arg5: memref<2x10240x128xf32, #tpu.memory_space<hbm>>, %arg6: memref<2x16x128xi32, #tpu.memory_space<vmem>>, %arg7: memref<2x16x128xi32, #tpu.memory_space<vmem>>, %arg8: memref<2x128x128xf32, #tpu.memory_space<vmem>>, %arg9: memref<10240x128xf32, #tpu.memory_space<vmem_shared>>, %arg10: memref<!tpu.dma_semaphore, #tpu.memory_space<semaphore_mem>>, %arg11: memref<!tpu.dma_semaphore, #tpu.memory_space<semaphore_mem>>, %arg12: memref<!tpu.dma_semaphore, #tpu.memory_space<semaphore_mem>>) attributes {dimension_semantics = [#tpu.dimension_semantics<core_parallel>, #tpu.dimension_semantics<subcore_parallel>], iteration_bounds = array<i64: 2, 16>, scalar_prefetch = 0 : i64, scratch_operands = 7 : i64, tpu.core_type = #tpu.core_type<sc_vector_subcore>, window_params = [{transform_indices = #map}, {transform_indices = #map}, {transform_indices = #map}, {transform_indices = #map}]} {
    %mul3A = arith.constant 640 : i32
    %mul3A_0 = arith.muli %arg1, %mul3A : i32
    %mul3A_1 = arith.constant 640 : i32
    %mul3A_2 = arith.muli %arg1, %mul3A_1 : i32
    %dma_start3A = arith.constant 0 : i32
    %dma_start3A_3 = tpu.memref_slice %arg9[%mul3A_2, %dma_start3A] : memref<10240x128xf32, #tpu.memory_space<vmem_shared>> -> memref<640x128xf32, #tpu.memory_space<vmem_shared>>
    %dma_start3A_4 = arith.constant 0 : i32
    %dma_start3A_5 = tpu.memref_slice %arg2[%arg0, %mul3A_0, %dma_start3A_4] : memref<2x10240x128xf32, #tpu.memory_space<hbm>> -> memref<1x640x128xf32, #tpu.memory_space<hbm>>
    %dma_start3A_6 = tpu.memref_squeeze %dma_start3A_5 : memref<1x640x128xf32, #tpu.memory_space<hbm>> -> memref<640x128xf32, #tpu.memory_space<hbm>>
    tpu.enqueue_dma source(%dma_start3A_6 : memref<640x128xf32, #tpu.memory_space<hbm>>) target(%dma_start3A_3 : memref<640x128xf32, #tpu.memory_space<vmem_shared>>) target_semaphore(%arg12 : memref<!tpu.dma_semaphore, #tpu.memory_space<semaphore_mem>>)
    %run_scoped3A = arith.constant 0 : i32
    "tpu.region"() ({
      %run_scoped3A_99 = tpu.sem_alloc : memref<!tpu.dma_semaphore, #tpu.memory_space<semaphore_mem>>
      %dma_start3A_100 = arith.constant 0 : i32
      %dma_start3A_101 = arith.constant 0 : i32
      %dma_start3A_102 = tpu.memref_slice %arg6[%run_scoped3A, %dma_start3A_100, %dma_start3A_101] : memref<2x16x128xi32, #tpu.memory_space<vmem>> -> memref<1x16x128xi32, #tpu.memory_space<vmem>>
      %dma_start3A_103 = tpu.memref_squeeze %dma_start3A_102 : memref<1x16x128xi32, #tpu.memory_space<vmem>> -> memref<16x128xi32, #tpu.memory_space<vmem>>
      %dma_start3A_104 = arith.constant 0 : i32
      %dma_start3A_105 = arith.constant 0 : i32
      %dma_start3A_106 = tpu.memref_slice %arg3[%arg1, %dma_start3A_104, %dma_start3A_105] : memref<16x160x128xi32, #tpu.memory_space<hbm>> -> memref<1x16x128xi32, #tpu.memory_space<hbm>>
      %dma_start3A_107 = tpu.memref_squeeze %dma_start3A_106 : memref<1x16x128xi32, #tpu.memory_space<hbm>> -> memref<16x128xi32, #tpu.memory_space<hbm>>
      %dma_start3A_108 = arith.constant 0 : i32
      %dma_start3A_109 = arith.constant 0 : i32
      %dma_start3A_110 = tpu.memref_slice %arg6[%run_scoped3A, %dma_start3A_108, %dma_start3A_109] : memref<2x16x128xi32, #tpu.memory_space<vmem>> -> memref<1x16x128xi32, #tpu.memory_space<vmem>>
      %dma_start3A_111 = tpu.memref_squeeze %dma_start3A_110 : memref<1x16x128xi32, #tpu.memory_space<vmem>> -> memref<16x128xi32, #tpu.memory_space<vmem>>
      %dma_start3A_112 = arith.constant 0 : i32
      %dma_start3A_113 = arith.constant 0 : i32
      %dma_start3A_114 = tpu.memref_slice %arg3[%arg1, %dma_start3A_112, %dma_start3A_113] : memref<16x160x128xi32, #tpu.memory_space<hbm>> -> memref<1x16x128xi32, #tpu.memory_space<hbm>>
      %dma_start3A_115 = tpu.memref_squeeze %dma_start3A_114 : memref<1x16x128xi32, #tpu.memory_space<hbm>> -> memref<16x128xi32, #tpu.memory_space<hbm>>
      tpu.enqueue_dma source(%dma_start3A_115 : memref<16x128xi32, #tpu.memory_space<hbm>>) target(%dma_start3A_111 : memref<16x128xi32, #tpu.memory_space<vmem>>) target_semaphore(%run_scoped3A_99 : memref<!tpu.dma_semaphore, #tpu.memory_space<semaphore_mem>>)
      %dma_wait3A_116 = arith.constant 0 : i32
      %dma_wait3A_117 = arith.constant 0 : i32
      %dma_wait3A_118 = tpu.memref_slice %arg6[%run_scoped3A, %dma_wait3A_116, %dma_wait3A_117] : memref<2x16x128xi32, #tpu.memory_space<vmem>> -> memref<1x16x128xi32, #tpu.memory_space<vmem>>
      %dma_wait3A_119 = tpu.memref_squeeze %dma_wait3A_118 : memref<1x16x128xi32, #tpu.memory_space<vmem>> -> memref<16x128xi32, #tpu.memory_space<vmem>>
      %dma_wait3A_120 = arith.constant 0 : i32
      %dma_wait3A_121 = arith.constant 0 : i32
      %dma_wait3A_122 = tpu.memref_slice %arg3[%arg1, %dma_wait3A_120, %dma_wait3A_121] : memref<16x160x128xi32, #tpu.memory_space<hbm>> -> memref<1x16x128xi32, #tpu.memory_space<hbm>>
      %dma_wait3A_123 = tpu.memref_squeeze %dma_wait3A_122 : memref<1x16x128xi32, #tpu.memory_space<hbm>> -> memref<16x128xi32, #tpu.memory_space<hbm>>
      %dma_wait3A_124 = arith.constant 0 : i32
      %dma_wait3A_125 = arith.constant 0 : i32
      %dma_wait3A_126 = tpu.memref_slice %arg6[%run_scoped3A, %dma_wait3A_124, %dma_wait3A_125] : memref<2x16x128xi32, #tpu.memory_space<vmem>> -> memref<1x16x128xi32, #tpu.memory_space<vmem>>
      %dma_wait3A_127 = tpu.memref_squeeze %dma_wait3A_126 : memref<1x16x128xi32, #tpu.memory_space<vmem>> -> memref<16x128xi32, #tpu.memory_space<vmem>>
      %dma_wait3A_128 = arith.constant 0 : i32
      %dma_wait3A_129 = arith.constant 0 : i32
      %dma_wait3A_130 = tpu.memref_slice %arg3[%arg1, %dma_wait3A_128, %dma_wait3A_129] : memref<16x160x128xi32, #tpu.memory_space<hbm>> -> memref<1x16x128xi32, #tpu.memory_space<hbm>>
      %dma_wait3A_131 = tpu.memref_squeeze %dma_wait3A_130 : memref<1x16x128xi32, #tpu.memory_space<hbm>> -> memref<16x128xi32, #tpu.memory_space<hbm>>
      tpu.wait_dma2 semaphore(%run_scoped3A_99 : memref<!tpu.dma_semaphore, #tpu.memory_space<semaphore_mem>>) src(%dma_wait3A_131 : memref<16x128xi32, #tpu.memory_space<hbm>>) dst(%dma_wait3A_127 : memref<16x128xi32, #tpu.memory_space<vmem>>)
      tpu.yield
    }) : () -> ()
    %run_scoped3A_7 = arith.constant 0 : i32
    "tpu.region"() ({
      %run_scoped3A_99 = tpu.sem_alloc : memref<!tpu.dma_semaphore, #tpu.memory_space<semaphore_mem>>
      %dma_start3A_100 = arith.constant 0 : i32
      %dma_start3A_101 = arith.constant 0 : i32
      %dma_start3A_102 = tpu.memref_slice %arg7[%run_scoped3A_7, %dma_start3A_100, %dma_start3A_101] : memref<2x16x128xi32, #tpu.memory_space<vmem>> -> memref<1x16x128xi32, #tpu.memory_space<vmem>>
      %dma_start3A_103 = tpu.memref_squeeze %dma_start3A_102 : memref<1x16x128xi32, #tpu.memory_space<vmem>> -> memref<16x128xi32, #tpu.memory_space<vmem>>
      %dma_start3A_104 = arith.constant 0 : i32
      %dma_start3A_105 = arith.constant 0 : i32
      %dma_start3A_106 = tpu.memref_slice %arg4[%arg1, %dma_start3A_104, %dma_start3A_105] : memref<16x160x128xi32, #tpu.memory_space<hbm>> -> memref<1x16x128xi32, #tpu.memory_space<hbm>>
      %dma_start3A_107 = tpu.memref_squeeze %dma_start3A_106 : memref<1x16x128xi32, #tpu.memory_space<hbm>> -> memref<16x128xi32, #tpu.memory_space<hbm>>
      %dma_start3A_108 = arith.constant 0 : i32
      %dma_start3A_109 = arith.constant 0 : i32
      %dma_start3A_110 = tpu.memref_slice %arg7[%run_scoped3A_7, %dma_start3A_108, %dma_start3A_109] : memref<2x16x128xi32, #tpu.memory_space<vmem>> -> memref<1x16x128xi32, #tpu.memory_space<vmem>>
      %dma_start3A_111 = tpu.memref_squeeze %dma_start3A_110 : memref<1x16x128xi32, #tpu.memory_space<vmem>> -> memref<16x128xi32, #tpu.memory_space<vmem>>
      %dma_start3A_112 = arith.constant 0 : i32
      %dma_start3A_113 = arith.constant 0 : i32
      %dma_start3A_114 = tpu.memref_slice %arg4[%arg1, %dma_start3A_112, %dma_start3A_113] : memref<16x160x128xi32, #tpu.memory_space<hbm>> -> memref<1x16x128xi32, #tpu.memory_space<hbm>>
      %dma_start3A_115 = tpu.memref_squeeze %dma_start3A_114 : memref<1x16x128xi32, #tpu.memory_space<hbm>> -> memref<16x128xi32, #tpu.memory_space<hbm>>
      tpu.enqueue_dma source(%dma_start3A_115 : memref<16x128xi32, #tpu.memory_space<hbm>>) target(%dma_start3A_111 : memref<16x128xi32, #tpu.memory_space<vmem>>) target_semaphore(%run_scoped3A_99 : memref<!tpu.dma_semaphore, #tpu.memory_space<semaphore_mem>>)
      %dma_wait3A_116 = arith.constant 0 : i32
      %dma_wait3A_117 = arith.constant 0 : i32
      %dma_wait3A_118 = tpu.memref_slice %arg7[%run_scoped3A_7, %dma_wait3A_116, %dma_wait3A_117] : memref<2x16x128xi32, #tpu.memory_space<vmem>> -> memref<1x16x128xi32, #tpu.memory_space<vmem>>
      %dma_wait3A_119 = tpu.memref_squeeze %dma_wait3A_118 : memref<1x16x128xi32, #tpu.memory_space<vmem>> -> memref<16x128xi32, #tpu.memory_space<vmem>>
      %dma_wait3A_120 = arith.constant 0 : i32
      %dma_wait3A_121 = arith.constant 0 : i32
      %dma_wait3A_122 = tpu.memref_slice %arg4[%arg1, %dma_wait3A_120, %dma_wait3A_121] : memref<16x160x128xi32, #tpu.memory_space<hbm>> -> memref<1x16x128xi32, #tpu.memory_space<hbm>>
      %dma_wait3A_123 = tpu.memref_squeeze %dma_wait3A_122 : memref<1x16x128xi32, #tpu.memory_space<hbm>> -> memref<16x128xi32, #tpu.memory_space<hbm>>
      %dma_wait3A_124 = arith.constant 0 : i32
      %dma_wait3A_125 = arith.constant 0 : i32
      %dma_wait3A_126 = tpu.memref_slice %arg7[%run_scoped3A_7, %dma_wait3A_124, %dma_wait3A_125] : memref<2x16x128xi32, #tpu.memory_space<vmem>> -> memref<1x16x128xi32, #tpu.memory_space<vmem>>
      %dma_wait3A_127 = tpu.memref_squeeze %dma_wait3A_126 : memref<1x16x128xi32, #tpu.memory_space<vmem>> -> memref<16x128xi32, #tpu.memory_space<vmem>>
      %dma_wait3A_128 = arith.constant 0 : i32
      %dma_wait3A_129 = arith.constant 0 : i32
      %dma_wait3A_130 = tpu.memref_slice %arg4[%arg1, %dma_wait3A_128, %dma_wait3A_129] : memref<16x160x128xi32, #tpu.memory_space<hbm>> -> memref<1x16x128xi32, #tpu.memory_space<hbm>>
      %dma_wait3A_131 = tpu.memref_squeeze %dma_wait3A_130 : memref<1x16x128xi32, #tpu.memory_space<hbm>> -> memref<16x128xi32, #tpu.memory_space<hbm>>
      tpu.wait_dma2 semaphore(%run_scoped3A_99 : memref<!tpu.dma_semaphore, #tpu.memory_space<semaphore_mem>>) src(%dma_wait3A_131 : memref<16x128xi32, #tpu.memory_space<hbm>>) dst(%dma_wait3A_127 : memref<16x128xi32, #tpu.memory_space<vmem>>)
      tpu.yield
    }) : () -> ()
    %dma_wait3A = arith.constant 0 : i32
    %dma_wait3A_8 = tpu.memref_slice %arg9[%mul3A_2, %dma_wait3A] : memref<10240x128xf32, #tpu.memory_space<vmem_shared>> -> memref<640x128xf32, #tpu.memory_space<vmem_shared>>
    %dma_wait3A_9 = arith.constant 0 : i32
    %dma_wait3A_10 = tpu.memref_slice %arg2[%arg0, %mul3A_0, %dma_wait3A_9] : memref<2x10240x128xf32, #tpu.memory_space<hbm>> -> memref<1x640x128xf32, #tpu.memory_space<hbm>>
    %dma_wait3A_11 = tpu.memref_squeeze %dma_wait3A_10 : memref<1x640x128xf32, #tpu.memory_space<hbm>> -> memref<640x128xf32, #tpu.memory_space<hbm>>
    tpu.wait_dma2 semaphore(%arg12 : memref<!tpu.dma_semaphore, #tpu.memory_space<semaphore_mem>>) src(%dma_wait3A_11 : memref<640x128xf32, #tpu.memory_space<hbm>>) dst(%dma_wait3A_8 : memref<640x128xf32, #tpu.memory_space<vmem_shared>>)
    %barrier3A = arith.constant 0 : index
    tpu.barrier barrier_id(%barrier3A)
    %dma_start3A_12 = arith.constant 1 : i32
    %dma_start3A_13 = arith.constant 0 : i32
    %dma_start3A_14 = arith.constant 0 : i32
    %dma_start3A_15 = tpu.memref_slice %arg6[%dma_start3A_12, %dma_start3A_13, %dma_start3A_14] : memref<2x16x128xi32, #tpu.memory_space<vmem>> -> memref<1x16x128xi32, #tpu.memory_space<vmem>>
    %dma_start3A_16 = tpu.memref_squeeze %dma_start3A_15 : memref<1x16x128xi32, #tpu.memory_space<vmem>> -> memref<16x128xi32, #tpu.memory_space<vmem>>
    %dma_start3A_17 = arith.constant 16 : i32
    %dma_start3A_18 = arith.constant 0 : i32
    %dma_start3A_19 = tpu.memref_slice %arg3[%arg1, %dma_start3A_17, %dma_start3A_18] : memref<16x160x128xi32, #tpu.memory_space<hbm>> -> memref<1x16x128xi32, #tpu.memory_space<hbm>>
    %dma_start3A_20 = tpu.memref_squeeze %dma_start3A_19 : memref<1x16x128xi32, #tpu.memory_space<hbm>> -> memref<16x128xi32, #tpu.memory_space<hbm>>
    %dma_start3A_21 = arith.constant 0 : i32
    %dma_start3A_22 = arith.constant 0 : i32
    %dma_start3A_23 = tpu.memref_slice %arg6[%dma_start3A_12, %dma_start3A_21, %dma_start3A_22] : memref<2x16x128xi32, #tpu.memory_space<vmem>> -> memref<1x16x128xi32, #tpu.memory_space<vmem>>
    %dma_start3A_24 = tpu.memref_squeeze %dma_start3A_23 : memref<1x16x128xi32, #tpu.memory_space<vmem>> -> memref<16x128xi32, #tpu.memory_space<vmem>>
    %dma_start3A_25 = arith.constant 16 : i32
    %dma_start3A_26 = arith.constant 0 : i32
    %dma_start3A_27 = tpu.memref_slice %arg3[%arg1, %dma_start3A_25, %dma_start3A_26] : memref<16x160x128xi32, #tpu.memory_space<hbm>> -> memref<1x16x128xi32, #tpu.memory_space<hbm>>
    %dma_start3A_28 = tpu.memref_squeeze %dma_start3A_27 : memref<1x16x128xi32, #tpu.memory_space<hbm>> -> memref<16x128xi32, #tpu.memory_space<hbm>>
    tpu.enqueue_dma source(%dma_start3A_28 : memref<16x128xi32, #tpu.memory_space<hbm>>) target(%dma_start3A_24 : memref<16x128xi32, #tpu.memory_space<vmem>>) target_semaphore(%arg12 : memref<!tpu.dma_semaphore, #tpu.memory_space<semaphore_mem>>)
    %dma_start3A_29 = arith.constant 1 : i32
    %dma_start3A_30 = arith.constant 0 : i32
    %dma_start3A_31 = arith.constant 0 : i32
    %dma_start3A_32 = tpu.memref_slice %arg7[%dma_start3A_29, %dma_start3A_30, %dma_start3A_31] : memref<2x16x128xi32, #tpu.memory_space<vmem>> -> memref<1x16x128xi32, #tpu.memory_space<vmem>>
    %dma_start3A_33 = tpu.memref_squeeze %dma_start3A_32 : memref<1x16x128xi32, #tpu.memory_space<vmem>> -> memref<16x128xi32, #tpu.memory_space<vmem>>
    %dma_start3A_34 = arith.constant 16 : i32
    %dma_start3A_35 = arith.constant 0 : i32
    %dma_start3A_36 = tpu.memref_slice %arg4[%arg1, %dma_start3A_34, %dma_start3A_35] : memref<16x160x128xi32, #tpu.memory_space<hbm>> -> memref<1x16x128xi32, #tpu.memory_space<hbm>>
    %dma_start3A_37 = tpu.memref_squeeze %dma_start3A_36 : memref<1x16x128xi32, #tpu.memory_space<hbm>> -> memref<16x128xi32, #tpu.memory_space<hbm>>
    %dma_start3A_38 = arith.constant 0 : i32
    %dma_start3A_39 = arith.constant 0 : i32
    %dma_start3A_40 = tpu.memref_slice %arg7[%dma_start3A_29, %dma_start3A_38, %dma_start3A_39] : memref<2x16x128xi32, #tpu.memory_space<vmem>> -> memref<1x16x128xi32, #tpu.memory_space<vmem>>
    %dma_start3A_41 = tpu.memref_squeeze %dma_start3A_40 : memref<1x16x128xi32, #tpu.memory_space<vmem>> -> memref<16x128xi32, #tpu.memory_space<vmem>>
    %dma_start3A_42 = arith.constant 16 : i32
    %dma_start3A_43 = arith.constant 0 : i32
    %dma_start3A_44 = tpu.memref_slice %arg4[%arg1, %dma_start3A_42, %dma_start3A_43] : memref<16x160x128xi32, #tpu.memory_space<hbm>> -> memref<1x16x128xi32, #tpu.memory_space<hbm>>
    %dma_start3A_45 = tpu.memref_squeeze %dma_start3A_44 : memref<1x16x128xi32, #tpu.memory_space<hbm>> -> memref<16x128xi32, #tpu.memory_space<hbm>>
    tpu.enqueue_dma source(%dma_start3A_45 : memref<16x128xi32, #tpu.memory_space<hbm>>) target(%dma_start3A_41 : memref<16x128xi32, #tpu.memory_space<vmem>>) target_semaphore(%arg12 : memref<!tpu.dma_semaphore, #tpu.memory_space<semaphore_mem>>)
    %dma_start3A_46 = arith.constant 0 : i32
    %dma_start3A_47 = arith.constant 0 : i32
    %dma_start3A_48 = arith.constant 0 : i32
    %dma_start3A_49 = arith.constant 0 : i32
    %dma_start3A_50 = arith.constant 0 : i32
    %dma_start3A_51 = tpu.memref_slice %arg8[%dma_start3A_48, %dma_start3A_49, %dma_start3A_50] : memref<2x128x128xf32, #tpu.memory_space<vmem>> -> memref<1x128x128xf32, #tpu.memory_space<vmem>>
    %dma_start3A_52 = tpu.memref_squeeze %dma_start3A_51 : memref<1x128x128xf32, #tpu.memory_space<vmem>> -> memref<128x128xf32, #tpu.memory_space<vmem>>
    %dma_start3A_53 = arith.constant 0 : i32
    %dma_start3A_54 = tpu.memref_slice %arg6[%dma_start3A_46, %dma_start3A_47, %dma_start3A_53] : memref<2x16x128xi32, #tpu.memory_space<vmem>> -> memref<1x1x128xi32, #tpu.memory_space<vmem>>
    %dma_start3A_55 = tpu.memref_squeeze %dma_start3A_54 : memref<1x1x128xi32, #tpu.memory_space<vmem>> -> memref<128xi32, #tpu.memory_space<vmem>>
    %dma_start3A_56 = arith.constant 0 : i32
    %dma_start3A_57 = arith.constant 0 : i32
    %dma_start3A_58 = tpu.memref_slice %arg2[%arg0, %dma_start3A_56, %dma_start3A_57] : memref<2x10240x128xf32, #tpu.memory_space<hbm>> -> memref<1x10240x128xf32, #tpu.memory_space<hbm>>
    %dma_start3A_59 = tpu.memref_squeeze %dma_start3A_58 : memref<1x10240x128xf32, #tpu.memory_space<hbm>> -> memref<10240x128xf32, #tpu.memory_space<hbm>>
    %dma_start3A_60 = arith.constant 0 : i32
    %dma_start3A_61 = arith.constant 0 : i32
    %dma_start3A_62 = tpu.memref_slice %dma_start3A_59[%dma_start3A_60, %dma_start3A_61] : memref<10240x128xf32, #tpu.memory_space<hbm>> -> memref<10240x128xf32, #tpu.memory_space<hbm>>
    tpu.enqueue_indirect_dma source(%dma_start3A_62 : memref<10240x128xf32, #tpu.memory_space<hbm>>) target(%dma_start3A_52 : memref<128x128xf32, #tpu.memory_space<vmem>>) offsets(%dma_start3A_55 : memref<128xi32, #tpu.memory_space<vmem>>) semaphore(%arg10 : memref<!tpu.dma_semaphore, #tpu.memory_space<semaphore_mem>>)
    %dma_start3A_63 = arith.constant 0 : i32
    %dma_start3A_64 = arith.constant 1 : i32
    %dma_start3A_65 = arith.constant 1 : i32
    %dma_start3A_66 = arith.constant 0 : i32
    %dma_start3A_67 = arith.constant 0 : i32
    %dma_start3A_68 = tpu.memref_slice %arg8[%dma_start3A_65, %dma_start3A_66, %dma_start3A_67] : memref<2x128x128xf32, #tpu.memory_space<vmem>> -> memref<1x128x128xf32, #tpu.memory_space<vmem>>
    %dma_start3A_69 = tpu.memref_squeeze %dma_start3A_68 : memref<1x128x128xf32, #tpu.memory_space<vmem>> -> memref<128x128xf32, #tpu.memory_space<vmem>>
    %dma_start3A_70 = arith.constant 0 : i32
    %dma_start3A_71 = tpu.memref_slice %arg6[%dma_start3A_63, %dma_start3A_64, %dma_start3A_70] : memref<2x16x128xi32, #tpu.memory_space<vmem>> -> memref<1x1x128xi32, #tpu.memory_space<vmem>>
    %dma_start3A_72 = tpu.memref_squeeze %dma_start3A_71 : memref<1x1x128xi32, #tpu.memory_space<vmem>> -> memref<128xi32, #tpu.memory_space<vmem>>
    %dma_start3A_73 = arith.constant 0 : i32
    %dma_start3A_74 = arith.constant 0 : i32
    %dma_start3A_75 = tpu.memref_slice %arg2[%arg0, %dma_start3A_73, %dma_start3A_74] : memref<2x10240x128xf32, #tpu.memory_space<hbm>> -> memref<1x10240x128xf32, #tpu.memory_space<hbm>>
    %dma_start3A_76 = tpu.memref_squeeze %dma_start3A_75 : memref<1x10240x128xf32, #tpu.memory_space<hbm>> -> memref<10240x128xf32, #tpu.memory_space<hbm>>
    %dma_start3A_77 = arith.constant 0 : i32
    %dma_start3A_78 = arith.constant 0 : i32
    %dma_start3A_79 = tpu.memref_slice %dma_start3A_76[%dma_start3A_77, %dma_start3A_78] : memref<10240x128xf32, #tpu.memory_space<hbm>> -> memref<10240x128xf32, #tpu.memory_space<hbm>>
    tpu.enqueue_indirect_dma source(%dma_start3A_79 : memref<10240x128xf32, #tpu.memory_space<hbm>>) target(%dma_start3A_69 : memref<128x128xf32, #tpu.memory_space<vmem>>) offsets(%dma_start3A_72 : memref<128xi32, #tpu.memory_space<vmem>>) semaphore(%arg11 : memref<!tpu.dma_semaphore, #tpu.memory_space<semaphore_mem>>)
    %scan3A = arith.constant 0 : i32
    %scan3A_80 = arith.constant 80 : i32
    %scan3A_81 = arith.addi %scan3A, %scan3A_80 : i32
    %scan3A_82 = arith.constant 1 : i32
    scf.for %scan3A_99 = %scan3A to %scan3A_81 step %scan3A_82  : i32 {
      %mul3A_100 = arith.constant 2 : i32
      %mul3A_101 = arith.muli %scan3A_99, %mul3A_100 : i32
      %add3A = arith.constant 0 : i32
      %add3A_102 = arith.addi %add3A, %mul3A_101 : i32
      %add3A_103 = arith.constant 0 : i32
      %add3A_104 = arith.addi %add3A_102, %add3A_103 : i32
      %shift_right_arithmetic3A = arith.constant 4 : i32
      %shift_right_arithmetic3A_105 = arith.shrsi %add3A_104, %shift_right_arithmetic3A : i32
      %and3A = arith.constant 15 : i32
      %and3A_106 = arith.andi %add3A_104, %and3A : i32
      %and3A_107 = arith.constant 1 : i32
      %and3A_108 = arith.andi %shift_right_arithmetic3A_105, %and3A_107 : i32
      %dma_wait3A_109 = arith.constant 0 : i32
      %dma_wait3A_110 = arith.constant 0 : i32
      %dma_wait3A_111 = arith.constant 0 : i32
      %dma_wait3A_112 = tpu.memref_slice %arg8[%dma_wait3A_109, %dma_wait3A_110, %dma_wait3A_111] : memref<2x128x128xf32, #tpu.memory_space<vmem>> -> memref<1x128x128xf32, #tpu.memory_space<vmem>>
      %dma_wait3A_113 = tpu.memref_squeeze %dma_wait3A_112 : memref<1x128x128xf32, #tpu.memory_space<vmem>> -> memref<128x128xf32, #tpu.memory_space<vmem>>
      %dma_wait3A_114 = arith.constant 0 : i32
      %dma_wait3A_115 = tpu.memref_slice %arg6[%and3A_108, %and3A_106, %dma_wait3A_114] : memref<2x16x128xi32, #tpu.memory_space<vmem>> -> memref<1x1x128xi32, #tpu.memory_space<vmem>>
      %dma_wait3A_116 = tpu.memref_squeeze %dma_wait3A_115 : memref<1x1x128xi32, #tpu.memory_space<vmem>> -> memref<128xi32, #tpu.memory_space<vmem>>
      %dma_wait3A_117 = arith.constant 0 : i32
      %dma_wait3A_118 = arith.constant 0 : i32
      %dma_wait3A_119 = tpu.memref_slice %arg2[%arg0, %dma_wait3A_117, %dma_wait3A_118] : memref<2x10240x128xf32, #tpu.memory_space<hbm>> -> memref<1x10240x128xf32, #tpu.memory_space<hbm>>
      %dma_wait3A_120 = tpu.memref_squeeze %dma_wait3A_119 : memref<1x10240x128xf32, #tpu.memory_space<hbm>> -> memref<10240x128xf32, #tpu.memory_space<hbm>>
      %dma_wait3A_121 = arith.constant 0 : i32
      %dma_wait3A_122 = arith.constant 0 : i32
      %dma_wait3A_123 = tpu.memref_slice %dma_wait3A_120[%dma_wait3A_121, %dma_wait3A_122] : memref<10240x128xf32, #tpu.memory_space<hbm>> -> memref<10240x128xf32, #tpu.memory_space<hbm>>
      tpu.wait_indirect_dma semaphore(%arg10 : memref<!tpu.dma_semaphore, #tpu.memory_space<semaphore_mem>>) src(%dma_wait3A_123 : memref<10240x128xf32, #tpu.memory_space<hbm>>) dst(%dma_wait3A_113 : memref<128x128xf32, #tpu.memory_space<vmem>>)
      %run_scoped3A_124 = arith.constant 0 : i32
      "tpu.region"() ({
        %run_scoped3A_191 = tpu.sem_alloc : memref<!tpu.dma_semaphore, #tpu.memory_space<semaphore_mem>>
        %dma_start3A_192 = arith.constant 0 : i32
        %dma_start3A_193 = arith.constant 0 : i32
        %dma_start3A_194 = tpu.memref_slice %arg8[%run_scoped3A_124, %dma_start3A_192, %dma_start3A_193] : memref<2x128x128xf32, #tpu.memory_space<vmem>> -> memref<1x128x128xf32, #tpu.memory_space<vmem>>
        %dma_start3A_195 = tpu.memref_squeeze %dma_start3A_194 : memref<1x128x128xf32, #tpu.memory_space<vmem>> -> memref<128x128xf32, #tpu.memory_space<vmem>>
        %dma_start3A_196 = arith.constant 0 : i32
        %dma_start3A_197 = tpu.memref_slice %arg7[%and3A_108, %and3A_106, %dma_start3A_196] : memref<2x16x128xi32, #tpu.memory_space<vmem>> -> memref<1x1x128xi32, #tpu.memory_space<vmem>>
        %dma_start3A_198 = tpu.memref_squeeze %dma_start3A_197 : memref<1x1x128xi32, #tpu.memory_space<vmem>> -> memref<128xi32, #tpu.memory_space<vmem>>
        %dma_start3A_199 = arith.constant 0 : i32
        %dma_start3A_200 = arith.constant 0 : i32
        %dma_start3A_201 = tpu.memref_slice %arg9[%dma_start3A_199, %dma_start3A_200] : memref<10240x128xf32, #tpu.memory_space<vmem_shared>> -> memref<10240x128xf32, #tpu.memory_space<vmem_shared>>
        tpu.enqueue_indirect_dma source(%dma_start3A_195 : memref<128x128xf32, #tpu.memory_space<vmem>>) target(%dma_start3A_201 : memref<10240x128xf32, #tpu.memory_space<vmem_shared>>) offsets(%dma_start3A_198 : memref<128xi32, #tpu.memory_space<vmem>>) semaphore(%run_scoped3A_191 : memref<!tpu.dma_semaphore, #tpu.memory_space<semaphore_mem>>) {add = true}
        %dma_wait3A_202 = arith.constant 0 : i32
        %dma_wait3A_203 = arith.constant 0 : i32
        %dma_wait3A_204 = tpu.memref_slice %arg8[%run_scoped3A_124, %dma_wait3A_202, %dma_wait3A_203] : memref<2x128x128xf32, #tpu.memory_space<vmem>> -> memref<1x128x128xf32, #tpu.memory_space<vmem>>
        %dma_wait3A_205 = tpu.memref_squeeze %dma_wait3A_204 : memref<1x128x128xf32, #tpu.memory_space<vmem>> -> memref<128x128xf32, #tpu.memory_space<vmem>>
        %dma_wait3A_206 = arith.constant 0 : i32
        %dma_wait3A_207 = tpu.memref_slice %arg7[%and3A_108, %and3A_106, %dma_wait3A_206] : memref<2x16x128xi32, #tpu.memory_space<vmem>> -> memref<1x1x128xi32, #tpu.memory_space<vmem>>
        %dma_wait3A_208 = tpu.memref_squeeze %dma_wait3A_207 : memref<1x1x128xi32, #tpu.memory_space<vmem>> -> memref<128xi32, #tpu.memory_space<vmem>>
        %dma_wait3A_209 = arith.constant 0 : i32
        %dma_wait3A_210 = arith.constant 0 : i32
        %dma_wait3A_211 = tpu.memref_slice %arg9[%dma_wait3A_209, %dma_wait3A_210] : memref<10240x128xf32, #tpu.memory_space<vmem_shared>> -> memref<10240x128xf32, #tpu.memory_space<vmem_shared>>
        tpu.wait_indirect_dma semaphore(%run_scoped3A_191 : memref<!tpu.dma_semaphore, #tpu.memory_space<semaphore_mem>>) src(%dma_wait3A_205 : memref<128x128xf32, #tpu.memory_space<vmem>>) dst(%dma_wait3A_211 : memref<10240x128xf32, #tpu.memory_space<vmem_shared>>)
        tpu.yield
      }) : () -> ()
      %eq3A = arith.constant 1 : i32
      %eq3A_125 = arith.cmpi eq, %and3A_106, %eq3A : i32
      %lt3A = arith.constant 9 : i32
      %lt3A_126 = arith.cmpi slt, %shift_right_arithmetic3A_105, %lt3A : i32
      %and3A_127 = arith.andi %eq3A_125, %lt3A_126 : i1
      %convert_element_type3A = arith.extui %and3A_127 : i1 to i32
      %cond3A = arith.constant 0 : i32
      %cond3A_128 = arith.cmpi ne, %convert_element_type3A, %cond3A : i32
      scf.if %cond3A_128 {
        %add3A_191 = arith.constant 1 : i32
        %add3A_192 = arith.addi %shift_right_arithmetic3A_105, %add3A_191 : i32
        %and3A_193 = arith.constant 1 : i32
        %and3A_194 = arith.andi %add3A_192, %and3A_193 : i32
        %add3A_195 = arith.constant 1 : i32
        %add3A_196 = arith.addi %shift_right_arithmetic3A_105, %add3A_195 : i32
        %mul3A_197 = arith.constant 16 : i32
        %mul3A_198 = arith.muli %add3A_196, %mul3A_197 : i32
        %dma_start3A_199 = arith.constant 0 : i32
        %dma_start3A_200 = arith.constant 0 : i32
        %dma_start3A_201 = tpu.memref_slice %arg6[%and3A_194, %dma_start3A_199, %dma_start3A_200] : memref<2x16x128xi32, #tpu.memory_space<vmem>> -> memref<1x16x128xi32, #tpu.memory_space<vmem>>
        %dma_start3A_202 = tpu.memref_squeeze %dma_start3A_201 : memref<1x16x128xi32, #tpu.memory_space<vmem>> -> memref<16x128xi32, #tpu.memory_space<vmem>>
        %dma_start3A_203 = arith.constant 0 : i32
        %dma_start3A_204 = tpu.memref_slice %arg3[%arg1, %mul3A_198, %dma_start3A_203] : memref<16x160x128xi32, #tpu.memory_space<hbm>> -> memref<1x16x128xi32, #tpu.memory_space<hbm>>
        %dma_start3A_205 = tpu.memref_squeeze %dma_start3A_204 : memref<1x16x128xi32, #tpu.memory_space<hbm>> -> memref<16x128xi32, #tpu.memory_space<hbm>>
        %dma_start3A_206 = arith.constant 0 : i32
        %dma_start3A_207 = arith.constant 0 : i32
        %dma_start3A_208 = tpu.memref_slice %arg6[%and3A_194, %dma_start3A_206, %dma_start3A_207] : memref<2x16x128xi32, #tpu.memory_space<vmem>> -> memref<1x16x128xi32, #tpu.memory_space<vmem>>
        %dma_start3A_209 = tpu.memref_squeeze %dma_start3A_208 : memref<1x16x128xi32, #tpu.memory_space<vmem>> -> memref<16x128xi32, #tpu.memory_space<vmem>>
        %dma_start3A_210 = arith.constant 0 : i32
        %dma_start3A_211 = tpu.memref_slice %arg3[%arg1, %mul3A_198, %dma_start3A_210] : memref<16x160x128xi32, #tpu.memory_space<hbm>> -> memref<1x16x128xi32, #tpu.memory_space<hbm>>
        %dma_start3A_212 = tpu.memref_squeeze %dma_start3A_211 : memref<1x16x128xi32, #tpu.memory_space<hbm>> -> memref<16x128xi32, #tpu.memory_space<hbm>>
        tpu.enqueue_dma source(%dma_start3A_212 : memref<16x128xi32, #tpu.memory_space<hbm>>) target(%dma_start3A_209 : memref<16x128xi32, #tpu.memory_space<vmem>>) target_semaphore(%arg12 : memref<!tpu.dma_semaphore, #tpu.memory_space<semaphore_mem>>)
        %dma_start3A_213 = arith.constant 0 : i32
        %dma_start3A_214 = arith.constant 0 : i32
        %dma_start3A_215 = tpu.memref_slice %arg7[%and3A_194, %dma_start3A_213, %dma_start3A_214] : memref<2x16x128xi32, #tpu.memory_space<vmem>> -> memref<1x16x128xi32, #tpu.memory_space<vmem>>
        %dma_start3A_216 = tpu.memref_squeeze %dma_start3A_215 : memref<1x16x128xi32, #tpu.memory_space<vmem>> -> memref<16x128xi32, #tpu.memory_space<vmem>>
        %dma_start3A_217 = arith.constant 0 : i32
        %dma_start3A_218 = tpu.memref_slice %arg4[%arg1, %mul3A_198, %dma_start3A_217] : memref<16x160x128xi32, #tpu.memory_space<hbm>> -> memref<1x16x128xi32, #tpu.memory_space<hbm>>
        %dma_start3A_219 = tpu.memref_squeeze %dma_start3A_218 : memref<1x16x128xi32, #tpu.memory_space<hbm>> -> memref<16x128xi32, #tpu.memory_space<hbm>>
        %dma_start3A_220 = arith.constant 0 : i32
        %dma_start3A_221 = arith.constant 0 : i32
        %dma_start3A_222 = tpu.memref_slice %arg7[%and3A_194, %dma_start3A_220, %dma_start3A_221] : memref<2x16x128xi32, #tpu.memory_space<vmem>> -> memref<1x16x128xi32, #tpu.memory_space<vmem>>
        %dma_start3A_223 = tpu.memref_squeeze %dma_start3A_222 : memref<1x16x128xi32, #tpu.memory_space<vmem>> -> memref<16x128xi32, #tpu.memory_space<vmem>>
        %dma_start3A_224 = arith.constant 0 : i32
        %dma_start3A_225 = tpu.memref_slice %arg4[%arg1, %mul3A_198, %dma_start3A_224] : memref<16x160x128xi32, #tpu.memory_space<hbm>> -> memref<1x16x128xi32, #tpu.memory_space<hbm>>
        %dma_start3A_226 = tpu.memref_squeeze %dma_start3A_225 : memref<1x16x128xi32, #tpu.memory_space<hbm>> -> memref<16x128xi32, #tpu.memory_space<hbm>>
        tpu.enqueue_dma source(%dma_start3A_226 : memref<16x128xi32, #tpu.memory_space<hbm>>) target(%dma_start3A_223 : memref<16x128xi32, #tpu.memory_space<vmem>>) target_semaphore(%arg12 : memref<!tpu.dma_semaphore, #tpu.memory_space<semaphore_mem>>)
      } else {
      }
      %eq3A_129 = arith.constant 14 : i32
      %eq3A_130 = arith.cmpi eq, %and3A_106, %eq3A_129 : i32
      %lt3A_131 = arith.constant 9 : i32
      %lt3A_132 = arith.cmpi slt, %shift_right_arithmetic3A_105, %lt3A_131 : i32
      %and3A_133 = arith.andi %eq3A_130, %lt3A_132 : i1
      %convert_element_type3A_134 = arith.extui %and3A_133 : i1 to i32
      %cond3A_135 = arith.constant 0 : i32
      %cond3A_136 = arith.cmpi ne, %convert_element_type3A_134, %cond3A_135 : i32
      scf.if %cond3A_136 {
        %dma_wait3A_191 = arith.constant 0 : i32
        %dma_wait3A_192 = arith.constant 0 : i32
        %dma_wait3A_193 = arith.constant 0 : i32
        %dma_wait3A_194 = tpu.memref_slice %arg6[%dma_wait3A_191, %dma_wait3A_192, %dma_wait3A_193] : memref<2x16x128xi32, #tpu.memory_space<vmem>> -> memref<1x16x128xi32, #tpu.memory_space<vmem>>
        %dma_wait3A_195 = tpu.memref_squeeze %dma_wait3A_194 : memref<1x16x128xi32, #tpu.memory_space<vmem>> -> memref<16x128xi32, #tpu.memory_space<vmem>>
        %dma_wait3A_196 = arith.constant 0 : i32
        %dma_wait3A_197 = arith.constant 0 : i32
        %dma_wait3A_198 = tpu.memref_slice %arg3[%arg1, %dma_wait3A_196, %dma_wait3A_197] : memref<16x160x128xi32, #tpu.memory_space<hbm>> -> memref<1x16x128xi32, #tpu.memory_space<hbm>>
        %dma_wait3A_199 = tpu.memref_squeeze %dma_wait3A_198 : memref<1x16x128xi32, #tpu.memory_space<hbm>> -> memref<16x128xi32, #tpu.memory_space<hbm>>
        %dma_wait3A_200 = arith.constant 0 : i32
        %dma_wait3A_201 = arith.constant 0 : i32
        %dma_wait3A_202 = tpu.memref_slice %arg6[%dma_wait3A_191, %dma_wait3A_200, %dma_wait3A_201] : memref<2x16x128xi32, #tpu.memory_space<vmem>> -> memref<1x16x128xi32, #tpu.memory_space<vmem>>
        %dma_wait3A_203 = tpu.memref_squeeze %dma_wait3A_202 : memref<1x16x128xi32, #tpu.memory_space<vmem>> -> memref<16x128xi32, #tpu.memory_space<vmem>>
        %dma_wait3A_204 = arith.constant 0 : i32
        %dma_wait3A_205 = arith.constant 0 : i32
        %dma_wait3A_206 = tpu.memref_slice %arg3[%arg1, %dma_wait3A_204, %dma_wait3A_205] : memref<16x160x128xi32, #tpu.memory_space<hbm>> -> memref<1x16x128xi32, #tpu.memory_space<hbm>>
        %dma_wait3A_207 = tpu.memref_squeeze %dma_wait3A_206 : memref<1x16x128xi32, #tpu.memory_space<hbm>> -> memref<16x128xi32, #tpu.memory_space<hbm>>
        tpu.wait_dma2 semaphore(%arg12 : memref<!tpu.dma_semaphore, #tpu.memory_space<semaphore_mem>>) src(%dma_wait3A_207 : memref<16x128xi32, #tpu.memory_space<hbm>>) dst(%dma_wait3A_203 : memref<16x128xi32, #tpu.memory_space<vmem>>)
        %dma_wait3A_208 = arith.constant 0 : i32
        %dma_wait3A_209 = arith.constant 0 : i32
        %dma_wait3A_210 = arith.constant 0 : i32
        %dma_wait3A_211 = tpu.memref_slice %arg7[%dma_wait3A_208, %dma_wait3A_209, %dma_wait3A_210] : memref<2x16x128xi32, #tpu.memory_space<vmem>> -> memref<1x16x128xi32, #tpu.memory_space<vmem>>
        %dma_wait3A_212 = tpu.memref_squeeze %dma_wait3A_211 : memref<1x16x128xi32, #tpu.memory_space<vmem>> -> memref<16x128xi32, #tpu.memory_space<vmem>>
        %dma_wait3A_213 = arith.constant 0 : i32
        %dma_wait3A_214 = arith.constant 0 : i32
        %dma_wait3A_215 = tpu.memref_slice %arg4[%arg1, %dma_wait3A_213, %dma_wait3A_214] : memref<16x160x128xi32, #tpu.memory_space<hbm>> -> memref<1x16x128xi32, #tpu.memory_space<hbm>>
        %dma_wait3A_216 = tpu.memref_squeeze %dma_wait3A_215 : memref<1x16x128xi32, #tpu.memory_space<hbm>> -> memref<16x128xi32, #tpu.memory_space<hbm>>
        %dma_wait3A_217 = arith.constant 0 : i32
        %dma_wait3A_218 = arith.constant 0 : i32
        %dma_wait3A_219 = tpu.memref_slice %arg7[%dma_wait3A_208, %dma_wait3A_217, %dma_wait3A_218] : memref<2x16x128xi32, #tpu.memory_space<vmem>> -> memref<1x16x128xi32, #tpu.memory_space<vmem>>
        %dma_wait3A_220 = tpu.memref_squeeze %dma_wait3A_219 : memref<1x16x128xi32, #tpu.memory_space<vmem>> -> memref<16x128xi32, #tpu.memory_space<vmem>>
        %dma_wait3A_221 = arith.constant 0 : i32
        %dma_wait3A_222 = arith.constant 0 : i32
        %dma_wait3A_223 = tpu.memref_slice %arg4[%arg1, %dma_wait3A_221, %dma_wait3A_222] : memref<16x160x128xi32, #tpu.memory_space<hbm>> -> memref<1x16x128xi32, #tpu.memory_space<hbm>>
        %dma_wait3A_224 = tpu.memref_squeeze %dma_wait3A_223 : memref<1x16x128xi32, #tpu.memory_space<hbm>> -> memref<16x128xi32, #tpu.memory_space<hbm>>
        tpu.wait_dma2 semaphore(%arg12 : memref<!tpu.dma_semaphore, #tpu.memory_space<semaphore_mem>>) src(%dma_wait3A_224 : memref<16x128xi32, #tpu.memory_space<hbm>>) dst(%dma_wait3A_220 : memref<16x128xi32, #tpu.memory_space<vmem>>)
      } else {
      }
      %add3A_137 = arith.constant 2 : i32
      %add3A_138 = arith.addi %add3A_104, %add3A_137 : i32
      %lt3A_139 = arith.constant 160 : i32
      %lt3A_140 = arith.cmpi slt, %add3A_138, %lt3A_139 : i32
      %convert_element_type3A_141 = arith.extui %lt3A_140 : i1 to i32
      %cond3A_142 = arith.constant 0 : i32
      %cond3A_143 = arith.cmpi ne, %convert_element_type3A_141, %cond3A_142 : i32
      scf.if %cond3A_143 {
        %add3A_191 = arith.constant 2 : i32
        %add3A_192 = arith.addi %add3A_104, %add3A_191 : i32
        %shift_right_arithmetic3A_193 = arith.constant 4 : i32
        %shift_right_arithmetic3A_194 = arith.shrsi %add3A_192, %shift_right_arithmetic3A_193 : i32
        %and3A_195 = arith.constant 1 : i32
        %and3A_196 = arith.andi %shift_right_arithmetic3A_194, %and3A_195 : i32
        %and3A_197 = arith.constant 15 : i32
        %and3A_198 = arith.andi %add3A_192, %and3A_197 : i32
        %dma_start3A_199 = arith.constant 0 : i32
        %dma_start3A_200 = arith.constant 0 : i32
        %dma_start3A_201 = arith.constant 0 : i32
        %dma_start3A_202 = tpu.memref_slice %arg8[%dma_start3A_199, %dma_start3A_200, %dma_start3A_201] : memref<2x128x128xf32, #tpu.memory_space<vmem>> -> memref<1x128x128xf32, #tpu.memory_space<vmem>>
        %dma_start3A_203 = tpu.memref_squeeze %dma_start3A_202 : memref<1x128x128xf32, #tpu.memory_space<vmem>> -> memref<128x128xf32, #tpu.memory_space<vmem>>
        %dma_start3A_204 = arith.constant 0 : i32
        %dma_start3A_205 = tpu.memref_slice %arg6[%and3A_196, %and3A_198, %dma_start3A_204] : memref<2x16x128xi32, #tpu.memory_space<vmem>> -> memref<1x1x128xi32, #tpu.memory_space<vmem>>
        %dma_start3A_206 = tpu.memref_squeeze %dma_start3A_205 : memref<1x1x128xi32, #tpu.memory_space<vmem>> -> memref<128xi32, #tpu.memory_space<vmem>>
        %dma_start3A_207 = arith.constant 0 : i32
        %dma_start3A_208 = arith.constant 0 : i32
        %dma_start3A_209 = tpu.memref_slice %arg2[%arg0, %dma_start3A_207, %dma_start3A_208] : memref<2x10240x128xf32, #tpu.memory_space<hbm>> -> memref<1x10240x128xf32, #tpu.memory_space<hbm>>
        %dma_start3A_210 = tpu.memref_squeeze %dma_start3A_209 : memref<1x10240x128xf32, #tpu.memory_space<hbm>> -> memref<10240x128xf32, #tpu.memory_space<hbm>>
        %dma_start3A_211 = arith.constant 0 : i32
        %dma_start3A_212 = arith.constant 0 : i32
        %dma_start3A_213 = tpu.memref_slice %dma_start3A_210[%dma_start3A_211, %dma_start3A_212] : memref<10240x128xf32, #tpu.memory_space<hbm>> -> memref<10240x128xf32, #tpu.memory_space<hbm>>
        tpu.enqueue_indirect_dma source(%dma_start3A_213 : memref<10240x128xf32, #tpu.memory_space<hbm>>) target(%dma_start3A_203 : memref<128x128xf32, #tpu.memory_space<vmem>>) offsets(%dma_start3A_206 : memref<128xi32, #tpu.memory_space<vmem>>) semaphore(%arg10 : memref<!tpu.dma_semaphore, #tpu.memory_space<semaphore_mem>>)
      } else {
      }
      %add3A_144 = arith.constant 1 : i32
      %add3A_145 = arith.addi %add3A_102, %add3A_144 : i32
      %shift_right_arithmetic3A_146 = arith.constant 4 : i32
      %shift_right_arithmetic3A_147 = arith.shrsi %add3A_145, %shift_right_arithmetic3A_146 : i32
      %and3A_148 = arith.constant 15 : i32
      %and3A_149 = arith.andi %add3A_145, %and3A_148 : i32
      %and3A_150 = arith.constant 1 : i32
      %and3A_151 = arith.andi %shift_right_arithmetic3A_147, %and3A_150 : i32
      %dma_wait3A_152 = arith.constant 1 : i32
      %dma_wait3A_153 = arith.constant 0 : i32
      %dma_wait3A_154 = arith.constant 0 : i32
      %dma_wait3A_155 = tpu.memref_slice %arg8[%dma_wait3A_152, %dma_wait3A_153, %dma_wait3A_154] : memref<2x128x128xf32, #tpu.memory_space<vmem>> -> memref<1x128x128xf32, #tpu.memory_space<vmem>>
      %dma_wait3A_156 = tpu.memref_squeeze %dma_wait3A_155 : memref<1x128x128xf32, #tpu.memory_space<vmem>> -> memref<128x128xf32, #tpu.memory_space<vmem>>
      %dma_wait3A_157 = arith.constant 0 : i32
      %dma_wait3A_158 = tpu.memref_slice %arg6[%and3A_151, %and3A_149, %dma_wait3A_157] : memref<2x16x128xi32, #tpu.memory_space<vmem>> -> memref<1x1x128xi32, #tpu.memory_space<vmem>>
      %dma_wait3A_159 = tpu.memref_squeeze %dma_wait3A_158 : memref<1x1x128xi32, #tpu.memory_space<vmem>> -> memref<128xi32, #tpu.memory_space<vmem>>
      %dma_wait3A_160 = arith.constant 0 : i32
      %dma_wait3A_161 = arith.constant 0 : i32
      %dma_wait3A_162 = tpu.memref_slice %arg2[%arg0, %dma_wait3A_160, %dma_wait3A_161] : memref<2x10240x128xf32, #tpu.memory_space<hbm>> -> memref<1x10240x128xf32, #tpu.memory_space<hbm>>
      %dma_wait3A_163 = tpu.memref_squeeze %dma_wait3A_162 : memref<1x10240x128xf32, #tpu.memory_space<hbm>> -> memref<10240x128xf32, #tpu.memory_space<hbm>>
      %dma_wait3A_164 = arith.constant 0 : i32
      %dma_wait3A_165 = arith.constant 0 : i32
      %dma_wait3A_166 = tpu.memref_slice %dma_wait3A_163[%dma_wait3A_164, %dma_wait3A_165] : memref<10240x128xf32, #tpu.memory_space<hbm>> -> memref<10240x128xf32, #tpu.memory_space<hbm>>
      tpu.wait_indirect_dma semaphore(%arg11 : memref<!tpu.dma_semaphore, #tpu.memory_space<semaphore_mem>>) src(%dma_wait3A_166 : memref<10240x128xf32, #tpu.memory_space<hbm>>) dst(%dma_wait3A_156 : memref<128x128xf32, #tpu.memory_space<vmem>>)
      %run_scoped3A_167 = arith.constant 1 : i32
      "tpu.region"() ({
        %run_scoped3A_191 = tpu.sem_alloc : memref<!tpu.dma_semaphore, #tpu.memory_space<semaphore_mem>>
        %dma_start3A_192 = arith.constant 0 : i32
        %dma_start3A_193 = arith.constant 0 : i32
        %dma_start3A_194 = tpu.memref_slice %arg8[%run_scoped3A_167, %dma_start3A_192, %dma_start3A_193] : memref<2x128x128xf32, #tpu.memory_space<vmem>> -> memref<1x128x128xf32, #tpu.memory_space<vmem>>
        %dma_start3A_195 = tpu.memref_squeeze %dma_start3A_194 : memref<1x128x128xf32, #tpu.memory_space<vmem>> -> memref<128x128xf32, #tpu.memory_space<vmem>>
        %dma_start3A_196 = arith.constant 0 : i32
        %dma_start3A_197 = tpu.memref_slice %arg7[%and3A_151, %and3A_149, %dma_start3A_196] : memref<2x16x128xi32, #tpu.memory_space<vmem>> -> memref<1x1x128xi32, #tpu.memory_space<vmem>>
        %dma_start3A_198 = tpu.memref_squeeze %dma_start3A_197 : memref<1x1x128xi32, #tpu.memory_space<vmem>> -> memref<128xi32, #tpu.memory_space<vmem>>
        %dma_start3A_199 = arith.constant 0 : i32
        %dma_start3A_200 = arith.constant 0 : i32
        %dma_start3A_201 = tpu.memref_slice %arg9[%dma_start3A_199, %dma_start3A_200] : memref<10240x128xf32, #tpu.memory_space<vmem_shared>> -> memref<10240x128xf32, #tpu.memory_space<vmem_shared>>
        tpu.enqueue_indirect_dma source(%dma_start3A_195 : memref<128x128xf32, #tpu.memory_space<vmem>>) target(%dma_start3A_201 : memref<10240x128xf32, #tpu.memory_space<vmem_shared>>) offsets(%dma_start3A_198 : memref<128xi32, #tpu.memory_space<vmem>>) semaphore(%run_scoped3A_191 : memref<!tpu.dma_semaphore, #tpu.memory_space<semaphore_mem>>) {add = true}
        %dma_wait3A_202 = arith.constant 0 : i32
        %dma_wait3A_203 = arith.constant 0 : i32
        %dma_wait3A_204 = tpu.memref_slice %arg8[%run_scoped3A_167, %dma_wait3A_202, %dma_wait3A_203] : memref<2x128x128xf32, #tpu.memory_space<vmem>> -> memref<1x128x128xf32, #tpu.memory_space<vmem>>
        %dma_wait3A_205 = tpu.memref_squeeze %dma_wait3A_204 : memref<1x128x128xf32, #tpu.memory_space<vmem>> -> memref<128x128xf32, #tpu.memory_space<vmem>>
        %dma_wait3A_206 = arith.constant 0 : i32
        %dma_wait3A_207 = tpu.memref_slice %arg7[%and3A_151, %and3A_149, %dma_wait3A_206] : memref<2x16x128xi32, #tpu.memory_space<vmem>> -> memref<1x1x128xi32, #tpu.memory_space<vmem>>
        %dma_wait3A_208 = tpu.memref_squeeze %dma_wait3A_207 : memref<1x1x128xi32, #tpu.memory_space<vmem>> -> memref<128xi32, #tpu.memory_space<vmem>>
        %dma_wait3A_209 = arith.constant 0 : i32
        %dma_wait3A_210 = arith.constant 0 : i32
        %dma_wait3A_211 = tpu.memref_slice %arg9[%dma_wait3A_209, %dma_wait3A_210] : memref<10240x128xf32, #tpu.memory_space<vmem_shared>> -> memref<10240x128xf32, #tpu.memory_space<vmem_shared>>
        tpu.wait_indirect_dma semaphore(%run_scoped3A_191 : memref<!tpu.dma_semaphore, #tpu.memory_space<semaphore_mem>>) src(%dma_wait3A_205 : memref<128x128xf32, #tpu.memory_space<vmem>>) dst(%dma_wait3A_211 : memref<10240x128xf32, #tpu.memory_space<vmem_shared>>)
        tpu.yield
      }) : () -> ()
      %eq3A_168 = arith.constant 1 : i32
      %eq3A_169 = arith.cmpi eq, %and3A_149, %eq3A_168 : i32
      %lt3A_170 = arith.constant 9 : i32
      %lt3A_171 = arith.cmpi slt, %shift_right_arithmetic3A_147, %lt3A_170 : i32
      %and3A_172 = arith.andi %eq3A_169, %lt3A_171 : i1
      %convert_element_type3A_173 = arith.extui %and3A_172 : i1 to i32
      %cond3A_174 = arith.constant 0 : i32
      %cond3A_175 = arith.cmpi ne, %convert_element_type3A_173, %cond3A_174 : i32
      scf.if %cond3A_175 {
        %add3A_191 = arith.constant 1 : i32
        %add3A_192 = arith.addi %shift_right_arithmetic3A_147, %add3A_191 : i32
        %and3A_193 = arith.constant 1 : i32
        %and3A_194 = arith.andi %add3A_192, %and3A_193 : i32
        %add3A_195 = arith.constant 1 : i32
        %add3A_196 = arith.addi %shift_right_arithmetic3A_147, %add3A_195 : i32
        %mul3A_197 = arith.constant 16 : i32
        %mul3A_198 = arith.muli %add3A_196, %mul3A_197 : i32
        %dma_start3A_199 = arith.constant 0 : i32
        %dma_start3A_200 = arith.constant 0 : i32
        %dma_start3A_201 = tpu.memref_slice %arg6[%and3A_194, %dma_start3A_199, %dma_start3A_200] : memref<2x16x128xi32, #tpu.memory_space<vmem>> -> memref<1x16x128xi32, #tpu.memory_space<vmem>>
        %dma_start3A_202 = tpu.memref_squeeze %dma_start3A_201 : memref<1x16x128xi32, #tpu.memory_space<vmem>> -> memref<16x128xi32, #tpu.memory_space<vmem>>
        %dma_start3A_203 = arith.constant 0 : i32
        %dma_start3A_204 = tpu.memref_slice %arg3[%arg1, %mul3A_198, %dma_start3A_203] : memref<16x160x128xi32, #tpu.memory_space<hbm>> -> memref<1x16x128xi32, #tpu.memory_space<hbm>>
        %dma_start3A_205 = tpu.memref_squeeze %dma_start3A_204 : memref<1x16x128xi32, #tpu.memory_space<hbm>> -> memref<16x128xi32, #tpu.memory_space<hbm>>
        %dma_start3A_206 = arith.constant 0 : i32
        %dma_start3A_207 = arith.constant 0 : i32
        %dma_start3A_208 = tpu.memref_slice %arg6[%and3A_194, %dma_start3A_206, %dma_start3A_207] : memref<2x16x128xi32, #tpu.memory_space<vmem>> -> memref<1x16x128xi32, #tpu.memory_space<vmem>>
        %dma_start3A_209 = tpu.memref_squeeze %dma_start3A_208 : memref<1x16x128xi32, #tpu.memory_space<vmem>> -> memref<16x128xi32, #tpu.memory_space<vmem>>
        %dma_start3A_210 = arith.constant 0 : i32
        %dma_start3A_211 = tpu.memref_slice %arg3[%arg1, %mul3A_198, %dma_start3A_210] : memref<16x160x128xi32, #tpu.memory_space<hbm>> -> memref<1x16x128xi32, #tpu.memory_space<hbm>>
        %dma_start3A_212 = tpu.memref_squeeze %dma_start3A_211 : memref<1x16x128xi32, #tpu.memory_space<hbm>> -> memref<16x128xi32, #tpu.memory_space<hbm>>
        tpu.enqueue_dma source(%dma_start3A_212 : memref<16x128xi32, #tpu.memory_space<hbm>>) target(%dma_start3A_209 : memref<16x128xi32, #tpu.memory_space<vmem>>) target_semaphore(%arg12 : memref<!tpu.dma_semaphore, #tpu.memory_space<semaphore_mem>>)
        %dma_start3A_213 = arith.constant 0 : i32
        %dma_start3A_214 = arith.constant 0 : i32
        %dma_start3A_215 = tpu.memref_slice %arg7[%and3A_194, %dma_start3A_213, %dma_start3A_214] : memref<2x16x128xi32, #tpu.memory_space<vmem>> -> memref<1x16x128xi32, #tpu.memory_space<vmem>>
        %dma_start3A_216 = tpu.memref_squeeze %dma_start3A_215 : memref<1x16x128xi32, #tpu.memory_space<vmem>> -> memref<16x128xi32, #tpu.memory_space<vmem>>
        %dma_start3A_217 = arith.constant 0 : i32
        %dma_start3A_218 = tpu.memref_slice %arg4[%arg1, %mul3A_198, %dma_start3A_217] : memref<16x160x128xi32, #tpu.memory_space<hbm>> -> memref<1x16x128xi32, #tpu.memory_space<hbm>>
        %dma_start3A_219 = tpu.memref_squeeze %dma_start3A_218 : memref<1x16x128xi32, #tpu.memory_space<hbm>> -> memref<16x128xi32, #tpu.memory_space<hbm>>
        %dma_start3A_220 = arith.constant 0 : i32
        %dma_start3A_221 = arith.constant 0 : i32
        %dma_start3A_222 = tpu.memref_slice %arg7[%and3A_194, %dma_start3A_220, %dma_start3A_221] : memref<2x16x128xi32, #tpu.memory_space<vmem>> -> memref<1x16x128xi32, #tpu.memory_space<vmem>>
        %dma_start3A_223 = tpu.memref_squeeze %dma_start3A_222 : memref<1x16x128xi32, #tpu.memory_space<vmem>> -> memref<16x128xi32, #tpu.memory_space<vmem>>
        %dma_start3A_224 = arith.constant 0 : i32
        %dma_start3A_225 = tpu.memref_slice %arg4[%arg1, %mul3A_198, %dma_start3A_224] : memref<16x160x128xi32, #tpu.memory_space<hbm>> -> memref<1x16x128xi32, #tpu.memory_space<hbm>>
        %dma_start3A_226 = tpu.memref_squeeze %dma_start3A_225 : memref<1x16x128xi32, #tpu.memory_space<hbm>> -> memref<16x128xi32, #tpu.memory_space<hbm>>
        tpu.enqueue_dma source(%dma_start3A_226 : memref<16x128xi32, #tpu.memory_space<hbm>>) target(%dma_start3A_223 : memref<16x128xi32, #tpu.memory_space<vmem>>) target_semaphore(%arg12 : memref<!tpu.dma_semaphore, #tpu.memory_space<semaphore_mem>>)
      } else {
      }
      %eq3A_176 = arith.constant 14 : i32
      %eq3A_177 = arith.cmpi eq, %and3A_149, %eq3A_176 : i32
      %lt3A_178 = arith.constant 9 : i32
      %lt3A_179 = arith.cmpi slt, %shift_right_arithmetic3A_147, %lt3A_178 : i32
      %and3A_180 = arith.andi %eq3A_177, %lt3A_179 : i1
      %convert_element_type3A_181 = arith.extui %and3A_180 : i1 to i32
      %cond3A_182 = arith.constant 0 : i32
      %cond3A_183 = arith.cmpi ne, %convert_element_type3A_181, %cond3A_182 : i32
      scf.if %cond3A_183 {
        %dma_wait3A_191 = arith.constant 0 : i32
        %dma_wait3A_192 = arith.constant 0 : i32
        %dma_wait3A_193 = arith.constant 0 : i32
        %dma_wait3A_194 = tpu.memref_slice %arg6[%dma_wait3A_191, %dma_wait3A_192, %dma_wait3A_193] : memref<2x16x128xi32, #tpu.memory_space<vmem>> -> memref<1x16x128xi32, #tpu.memory_space<vmem>>
        %dma_wait3A_195 = tpu.memref_squeeze %dma_wait3A_194 : memref<1x16x128xi32, #tpu.memory_space<vmem>> -> memref<16x128xi32, #tpu.memory_space<vmem>>
        %dma_wait3A_196 = arith.constant 0 : i32
        %dma_wait3A_197 = arith.constant 0 : i32
        %dma_wait3A_198 = tpu.memref_slice %arg3[%arg1, %dma_wait3A_196, %dma_wait3A_197] : memref<16x160x128xi32, #tpu.memory_space<hbm>> -> memref<1x16x128xi32, #tpu.memory_space<hbm>>
        %dma_wait3A_199 = tpu.memref_squeeze %dma_wait3A_198 : memref<1x16x128xi32, #tpu.memory_space<hbm>> -> memref<16x128xi32, #tpu.memory_space<hbm>>
        %dma_wait3A_200 = arith.constant 0 : i32
        %dma_wait3A_201 = arith.constant 0 : i32
        %dma_wait3A_202 = tpu.memref_slice %arg6[%dma_wait3A_191, %dma_wait3A_200, %dma_wait3A_201] : memref<2x16x128xi32, #tpu.memory_space<vmem>> -> memref<1x16x128xi32, #tpu.memory_space<vmem>>
        %dma_wait3A_203 = tpu.memref_squeeze %dma_wait3A_202 : memref<1x16x128xi32, #tpu.memory_space<vmem>> -> memref<16x128xi32, #tpu.memory_space<vmem>>
        %dma_wait3A_204 = arith.constant 0 : i32
        %dma_wait3A_205 = arith.constant 0 : i32
        %dma_wait3A_206 = tpu.memref_slice %arg3[%arg1, %dma_wait3A_204, %dma_wait3A_205] : memref<16x160x128xi32, #tpu.memory_space<hbm>> -> memref<1x16x128xi32, #tpu.memory_space<hbm>>
        %dma_wait3A_207 = tpu.memref_squeeze %dma_wait3A_206 : memref<1x16x128xi32, #tpu.memory_space<hbm>> -> memref<16x128xi32, #tpu.memory_space<hbm>>
        tpu.wait_dma2 semaphore(%arg12 : memref<!tpu.dma_semaphore, #tpu.memory_space<semaphore_mem>>) src(%dma_wait3A_207 : memref<16x128xi32, #tpu.memory_space<hbm>>) dst(%dma_wait3A_203 : memref<16x128xi32, #tpu.memory_space<vmem>>)
        %dma_wait3A_208 = arith.constant 0 : i32
        %dma_wait3A_209 = arith.constant 0 : i32
        %dma_wait3A_210 = arith.constant 0 : i32
        %dma_wait3A_211 = tpu.memref_slice %arg7[%dma_wait3A_208, %dma_wait3A_209, %dma_wait3A_210] : memref<2x16x128xi32, #tpu.memory_space<vmem>> -> memref<1x16x128xi32, #tpu.memory_space<vmem>>
        %dma_wait3A_212 = tpu.memref_squeeze %dma_wait3A_211 : memref<1x16x128xi32, #tpu.memory_space<vmem>> -> memref<16x128xi32, #tpu.memory_space<vmem>>
        %dma_wait3A_213 = arith.constant 0 : i32
        %dma_wait3A_214 = arith.constant 0 : i32
        %dma_wait3A_215 = tpu.memref_slice %arg4[%arg1, %dma_wait3A_213, %dma_wait3A_214] : memref<16x160x128xi32, #tpu.memory_space<hbm>> -> memref<1x16x128xi32, #tpu.memory_space<hbm>>
        %dma_wait3A_216 = tpu.memref_squeeze %dma_wait3A_215 : memref<1x16x128xi32, #tpu.memory_space<hbm>> -> memref<16x128xi32, #tpu.memory_space<hbm>>
        %dma_wait3A_217 = arith.constant 0 : i32
        %dma_wait3A_218 = arith.constant 0 : i32
        %dma_wait3A_219 = tpu.memref_slice %arg7[%dma_wait3A_208, %dma_wait3A_217, %dma_wait3A_218] : memref<2x16x128xi32, #tpu.memory_space<vmem>> -> memref<1x16x128xi32, #tpu.memory_space<vmem>>
        %dma_wait3A_220 = tpu.memref_squeeze %dma_wait3A_219 : memref<1x16x128xi32, #tpu.memory_space<vmem>> -> memref<16x128xi32, #tpu.memory_space<vmem>>
        %dma_wait3A_221 = arith.constant 0 : i32
        %dma_wait3A_222 = arith.constant 0 : i32
        %dma_wait3A_223 = tpu.memref_slice %arg4[%arg1, %dma_wait3A_221, %dma_wait3A_222] : memref<16x160x128xi32, #tpu.memory_space<hbm>> -> memref<1x16x128xi32, #tpu.memory_space<hbm>>
        %dma_wait3A_224 = tpu.memref_squeeze %dma_wait3A_223 : memref<1x16x128xi32, #tpu.memory_space<hbm>> -> memref<16x128xi32, #tpu.memory_space<hbm>>
        tpu.wait_dma2 semaphore(%arg12 : memref<!tpu.dma_semaphore, #tpu.memory_space<semaphore_mem>>) src(%dma_wait3A_224 : memref<16x128xi32, #tpu.memory_space<hbm>>) dst(%dma_wait3A_220 : memref<16x128xi32, #tpu.memory_space<vmem>>)
      } else {
      }
      %add3A_184 = arith.constant 2 : i32
      %add3A_185 = arith.addi %add3A_145, %add3A_184 : i32
      %lt3A_186 = arith.constant 160 : i32
      %lt3A_187 = arith.cmpi slt, %add3A_185, %lt3A_186 : i32
      %convert_element_type3A_188 = arith.extui %lt3A_187 : i1 to i32
      %cond3A_189 = arith.constant 0 : i32
      %cond3A_190 = arith.cmpi ne, %convert_element_type3A_188, %cond3A_189 : i32
      scf.if %cond3A_190 {
        %add3A_191 = arith.constant 2 : i32
        %add3A_192 = arith.addi %add3A_145, %add3A_191 : i32
        %shift_right_arithmetic3A_193 = arith.constant 4 : i32
        %shift_right_arithmetic3A_194 = arith.shrsi %add3A_192, %shift_right_arithmetic3A_193 : i32
        %and3A_195 = arith.constant 1 : i32
        %and3A_196 = arith.andi %shift_right_arithmetic3A_194, %and3A_195 : i32
        %and3A_197 = arith.constant 15 : i32
        %and3A_198 = arith.andi %add3A_192, %and3A_197 : i32
        %dma_start3A_199 = arith.constant 1 : i32
        %dma_start3A_200 = arith.constant 0 : i32
        %dma_start3A_201 = arith.constant 0 : i32
        %dma_start3A_202 = tpu.memref_slice %arg8[%dma_start3A_199, %dma_start3A_200, %dma_start3A_201] : memref<2x128x128xf32, #tpu.memory_space<vmem>> -> memref<1x128x128xf32, #tpu.memory_space<vmem>>
        %dma_start3A_203 = tpu.memref_squeeze %dma_start3A_202 : memref<1x128x128xf32, #tpu.memory_space<vmem>> -> memref<128x128xf32, #tpu.memory_space<vmem>>
        %dma_start3A_204 = arith.constant 0 : i32
        %dma_start3A_205 = tpu.memref_slice %arg6[%and3A_196, %and3A_198, %dma_start3A_204] : memref<2x16x128xi32, #tpu.memory_space<vmem>> -> memref<1x1x128xi32, #tpu.memory_space<vmem>>
        %dma_start3A_206 = tpu.memref_squeeze %dma_start3A_205 : memref<1x1x128xi32, #tpu.memory_space<vmem>> -> memref<128xi32, #tpu.memory_space<vmem>>
        %dma_start3A_207 = arith.constant 0 : i32
        %dma_start3A_208 = arith.constant 0 : i32
        %dma_start3A_209 = tpu.memref_slice %arg2[%arg0, %dma_start3A_207, %dma_start3A_208] : memref<2x10240x128xf32, #tpu.memory_space<hbm>> -> memref<1x10240x128xf32, #tpu.memory_space<hbm>>
        %dma_start3A_210 = tpu.memref_squeeze %dma_start3A_209 : memref<1x10240x128xf32, #tpu.memory_space<hbm>> -> memref<10240x128xf32, #tpu.memory_space<hbm>>
        %dma_start3A_211 = arith.constant 0 : i32
        %dma_start3A_212 = arith.constant 0 : i32
        %dma_start3A_213 = tpu.memref_slice %dma_start3A_210[%dma_start3A_211, %dma_start3A_212] : memref<10240x128xf32, #tpu.memory_space<hbm>> -> memref<10240x128xf32, #tpu.memory_space<hbm>>
        tpu.enqueue_indirect_dma source(%dma_start3A_213 : memref<10240x128xf32, #tpu.memory_space<hbm>>) target(%dma_start3A_203 : memref<128x128xf32, #tpu.memory_space<vmem>>) offsets(%dma_start3A_206 : memref<128xi32, #tpu.memory_space<vmem>>) semaphore(%arg11 : memref<!tpu.dma_semaphore, #tpu.memory_space<semaphore_mem>>)
      } else {
      }
    }
    %scan3A_83 = arith.constant 80 : i32
    %barrier3A_84 = arith.constant 0 : index
    tpu.barrier barrier_id(%barrier3A_84)
    %mul3A_85 = arith.constant 640 : i32
    %mul3A_86 = arith.muli %arg1, %mul3A_85 : i32
    %mul3A_87 = arith.constant 640 : i32
    %mul3A_88 = arith.muli %arg1, %mul3A_87 : i32
    %dma_start3A_89 = arith.constant 0 : i32
    %dma_start3A_90 = tpu.memref_slice %arg5[%arg0, %mul3A_88, %dma_start3A_89] : memref<2x10240x128xf32, #tpu.memory_space<hbm>> -> memref<1x640x128xf32, #tpu.memory_space<hbm>>
    %dma_start3A_91 = tpu.memref_squeeze %dma_start3A_90 : memref<1x640x128xf32, #tpu.memory_space<hbm>> -> memref<640x128xf32, #tpu.memory_space<hbm>>
    %dma_start3A_92 = arith.constant 0 : i32
    %dma_start3A_93 = tpu.memref_slice %arg9[%mul3A_86, %dma_start3A_92] : memref<10240x128xf32, #tpu.memory_space<vmem_shared>> -> memref<640x128xf32, #tpu.memory_space<vmem_shared>>
    tpu.enqueue_dma source(%dma_start3A_93 : memref<640x128xf32, #tpu.memory_space<vmem_shared>>) target(%dma_start3A_91 : memref<640x128xf32, #tpu.memory_space<hbm>>) target_semaphore(%arg12 : memref<!tpu.dma_semaphore, #tpu.memory_space<semaphore_mem>>)
    %dma_wait3A_94 = arith.constant 0 : i32
    %dma_wait3A_95 = tpu.memref_slice %arg5[%arg0, %mul3A_88, %dma_wait3A_94] : memref<2x10240x128xf32, #tpu.memory_space<hbm>> -> memref<1x640x128xf32, #tpu.memory_space<hbm>>
    %dma_wait3A_96 = tpu.memref_squeeze %dma_wait3A_95 : memref<1x640x128xf32, #tpu.memory_space<hbm>> -> memref<640x128xf32, #tpu.memory_space<hbm>>
    %dma_wait3A_97 = arith.constant 0 : i32
    %dma_wait3A_98 = tpu.memref_slice %arg9[%mul3A_86, %dma_wait3A_97] : memref<10240x128xf32, #tpu.memory_space<vmem_shared>> -> memref<640x128xf32, #tpu.memory_space<vmem_shared>>
    tpu.wait_dma2 semaphore(%arg12 : memref<!tpu.dma_semaphore, #tpu.memory_space<semaphore_mem>>) src(%dma_wait3A_98 : memref<640x128xf32, #tpu.memory_space<vmem_shared>>) dst(%dma_wait3A_96 : memref<640x128xf32, #tpu.memory_space<hbm>>)
    return
  }
}

module attributes {stable_mosaic.version = 14 : i64} {
  func.func @body(%arg0: i32, %arg1: memref<8x128x128xf32, #tpu.memory_space<vmem>>, %arg2: memref<128x256xf32, #tpu.memory_space<vmem>>, %arg3: memref<8x128x256xf32, #tpu.memory_space<vmem>>) attributes {dimension_semantics = [#tpu.dimension_semantics<arbitrary>], iteration_bounds = array<i64: 10>, scalar_prefetch = 0 : i64, scratch_operands = 0 : i64, tpu.core_type = #tpu.core_type<tc>, window_params = [{transform_indices = @transform_0, window_bounds = array<i64: 8, 128, 128>}, {pipeline_mode = #tpu.pipeline_mode<synchronous>, transform_indices = @transform_1, window_bounds = array<i64: 128, 256>}, {transform_indices = @transform_2, window_bounds = array<i64: 8, 128, 256>}]} {
    %get3A = arith.constant 0 : index
    %get3A_0 = arith.constant 0 : index
    %get3A_1 = arith.constant 0 : index
    %get3A_2 = vector.load %arg1[%get3A, %get3A_0, %get3A_1] : memref<8x128x128xf32, #tpu.memory_space<vmem>>, vector<8x128x128xf32>
    %get3A_3 = arith.constant 0 : index
    %get3A_4 = arith.constant 0 : index
    %get3A_5 = vector.load %arg2[%get3A_3, %get3A_4] : memref<128x256xf32, #tpu.memory_space<vmem>>, vector<128x256xf32>
    %dot_general3A = arith.constant dense<0.000000e+00> : vector<8x128x256xf32>
    %dot_general3A_6 = tpu.matmul %get3A_2, %get3A_5, %dot_general3A {dimension_numbers = #tpu.dot_dimension_numbers<[2], [0], [0, 1], [1], [0, 0, 0, 1, 1, 1], [], []>, transpose_lhs_hint = false} : vector<8x128x128xf32>, vector<128x256xf32>, vector<8x128x256xf32> -> vector<8x128x256xf32>
    %swap3A = arith.constant 0 : index
    %swap3A_7 = arith.constant 0 : index
    %swap3A_8 = arith.constant 0 : index
    %swap3A_9 = vector.load %arg3[%swap3A, %swap3A_7, %swap3A_8] : memref<8x128x256xf32, #tpu.memory_space<vmem>>, vector<8x128x256xf32>
    tpu.vector_store %arg3[%swap3A, %swap3A_7, %swap3A_8], %dot_general3A_6 {strides = array<i32>} : memref<8x128x256xf32, #tpu.memory_space<vmem>>, vector<8x128x256xf32>,
    return
  }
  func.func @transform_0(%arg0: i32) -> (i32, i32, i32) {
    %c0_i32 = arith.constant 0 : i32
    %c0_i32_0 = arith.constant 0 : i32
    %c0_i32_1 = arith.constant 0 : i32
    return %arg0, %c0_i32, %c0_i32_0 : i32, i32, i32
  }
  func.func @transform_1(%arg0: i32) -> (i32, i32) {
    %c0_i32 = arith.constant 0 : i32
    %c0_i32_0 = arith.constant 0 : i32
    %c0_i32_1 = arith.constant 0 : i32
    return %c0_i32, %c0_i32_0 : i32, i32
  }
  func.func @transform_2(%arg0: i32) -> (i32, i32, i32) {
    %c0_i32 = arith.constant 0 : i32
    %c0_i32_0 = arith.constant 0 : i32
    %c0_i32_1 = arith.constant 0 : i32
    return %arg0, %c0_i32, %c0_i32_0 : i32, i32, i32
  }
}

module attributes {stable_mosaic.version = 14 : i64} {
  func.func @body(%arg0: i32, %arg1: memref<8x128x256xf32, #tpu.memory_space<vmem>>, %arg2: memref<32x8x128xf32, #tpu.memory_space<vmem>>, %arg3: memref<2x8x128x128xf32, #tpu.memory_space<vmem>>) attributes {dimension_semantics = [#tpu.dimension_semantics<arbitrary>], iteration_bounds = array<i64: 10>, scalar_prefetch = 0 : i64, scratch_operands = 0 : i64, tpu.core_type = #tpu.core_type<tc>, window_params = [{transform_indices = @transform_0, window_bounds = array<i64: 8, 128, 256>}, {transform_indices = @transform_1, window_bounds = array<i64: 32, 8, 128>}, {transform_indices = @transform_2, window_bounds = array<i64: 2, 8, 128, 128>}]} {
    %get3A = arith.constant 0 : index
    %get3A_0 = arith.constant 0 : index
    %get3A_1 = arith.constant 0 : index
    %get3A_2 = vector.load %arg2[%get3A, %get3A_0, %get3A_1] : memref<32x8x128xf32, #tpu.memory_space<vmem>>, vector<32x8x128xf32>
    %reduce_sum3A = arith.constant dense<0.000000e+00> : vector<8x128xf32>
    %reduce_sum3A_3 = vector.multi_reduction <add>, %get3A_2, %reduce_sum3A [0] : vector<32x8x128xf32> to vector<8x128xf32>
    %add3A = arith.constant 1.000000e+00 : f32
    %add3A_4 = vector.broadcast %add3A : f32 to vector<8x128xf32>
    %add3A_5 = arith.addf %reduce_sum3A_3, %add3A_4 : vector<8x128xf32>
    %rsqrt3A = math.rsqrt %add3A_5 : vector<8x128xf32>
    %broadcast_in_dim3A = vector.shape_cast %rsqrt3A : vector<8x128xf32> to vector<8x128x1xf32>
    %get3A_6 = arith.constant 0 : index
    %get3A_7 = arith.constant 0 : index
    %get3A_8 = arith.constant 0 : index
    %get3A_9 = vector.load %arg1[%get3A_6, %get3A_7, %get3A_8] : memref<8x128x256xf32, #tpu.memory_space<vmem>>, vector<8x128x256xf32>
    %mul3A = vector.broadcast %broadcast_in_dim3A : vector<8x128x1xf32> to vector<8x128x256xf32>
    %mul3A_10 = arith.mulf %get3A_9, %mul3A : vector<8x128x256xf32>
    %slice3A = vector.extract_strided_slice %mul3A_10 {offsets = [0, 0, 0], sizes = [8, 128, 128], strides = [1, 1, 1]} : vector<8x128x256xf32> to vector<8x128x128xf32>
    %swap3A = arith.constant 0 : index
    %swap3A_11 = arith.constant 0 : index
    %swap3A_12 = arith.constant 0 : index
    %swap3A_13 = arith.constant 0 : index
    %swap3A_14 = vector.load %arg3[%swap3A, %swap3A_11, %swap3A_12, %swap3A_13] : memref<2x8x128x128xf32, #tpu.memory_space<vmem>>, vector<1x8x128x128xf32>
    %swap3A_15 = vector.shape_cast %swap3A_14 : vector<1x8x128x128xf32> to vector<8x128x128xf32>
    %swap3A_16 = vector.shape_cast %slice3A : vector<8x128x128xf32> to vector<1x8x128x128xf32>
    tpu.vector_store %arg3[%swap3A, %swap3A_11, %swap3A_12, %swap3A_13], %swap3A_16 {strides = array<i32>} : memref<2x8x128x128xf32, #tpu.memory_space<vmem>>, vector<1x8x128x128xf32>,
    %slice3A_17 = vector.extract_strided_slice %mul3A_10 {offsets = [0, 0, 128], sizes = [8, 128, 128], strides = [1, 1, 1]} : vector<8x128x256xf32> to vector<8x128x128xf32>
    %swap3A_18 = arith.constant 1 : index
    %swap3A_19 = arith.constant 0 : index
    %swap3A_20 = arith.constant 0 : index
    %swap3A_21 = arith.constant 0 : index
    %swap3A_22 = vector.load %arg3[%swap3A_18, %swap3A_19, %swap3A_20, %swap3A_21] : memref<2x8x128x128xf32, #tpu.memory_space<vmem>>, vector<1x8x128x128xf32>
    %swap3A_23 = vector.shape_cast %swap3A_22 : vector<1x8x128x128xf32> to vector<8x128x128xf32>
    %swap3A_24 = vector.shape_cast %slice3A_17 : vector<8x128x128xf32> to vector<1x8x128x128xf32>
    tpu.vector_store %arg3[%swap3A_18, %swap3A_19, %swap3A_20, %swap3A_21], %swap3A_24 {strides = array<i32>} : memref<2x8x128x128xf32, #tpu.memory_space<vmem>>, vector<1x8x128x128xf32>,
    return
  }
  func.func @transform_0(%arg0: i32) -> (i32, i32, i32) {
    %c0_i32 = arith.constant 0 : i32
    %c0_i32_0 = arith.constant 0 : i32
    %c0_i32_1 = arith.constant 0 : i32
    return %arg0, %c0_i32, %c0_i32_0 : i32, i32, i32
  }
  func.func @transform_1(%arg0: i32) -> (i32, i32, i32) {
    %c0_i32 = arith.constant 0 : i32
    %c0_i32_0 = arith.constant 0 : i32
    %c0_i32_1 = arith.constant 0 : i32
    return %c0_i32, %arg0, %c0_i32_0 : i32, i32, i32
  }
  func.func @transform_2(%arg0: i32) -> (i32, i32, i32, i32) {
    %c0_i32 = arith.constant 0 : i32
    %c0_i32_0 = arith.constant 0 : i32
    %c0_i32_1 = arith.constant 0 : i32
    %c0_i32_2 = arith.constant 0 : i32
    return %c0_i32, %arg0, %c0_i32_0, %c0_i32_1 : i32, i32, i32, i32
  }
}

module attributes {stable_mosaic.version = 14 : i64} {
  func.func @body(%arg0: i32, %arg1: memref<2x8x128x128xf32, #tpu.memory_space<vmem>>, %arg2: memref<32x8x128xf32, #tpu.memory_space<vmem>>, %arg3: memref<256x256xf32, #tpu.memory_space<vmem>>, %arg4: memref<1x1x256xf32, #tpu.memory_space<vmem>>, %arg5: memref<2x8x128x128xf32, #tpu.memory_space<vmem>>) attributes {dimension_semantics = [#tpu.dimension_semantics<arbitrary>], iteration_bounds = array<i64: 10>, scalar_prefetch = 0 : i64, scratch_operands = 0 : i64, tpu.core_type = #tpu.core_type<tc>, window_params = [{transform_indices = @transform_0, window_bounds = array<i64: 2, 8, 128, 128>}, {transform_indices = @transform_1, window_bounds = array<i64: 32, 8, 128>}, {pipeline_mode = #tpu.pipeline_mode<synchronous>, transform_indices = @transform_2, window_bounds = array<i64: 256, 256>}, {pipeline_mode = #tpu.pipeline_mode<synchronous>, transform_indices = @transform_3, window_bounds = array<i64: 1, 1, 256>}, {transform_indices = @transform_4, window_bounds = array<i64: 2, 8, 128, 128>}]} {
    %get3A = arith.constant 0 : index
    %get3A_0 = arith.constant 0 : index
    %get3A_1 = arith.constant 0 : index
    %get3A_2 = vector.load %arg2[%get3A, %get3A_0, %get3A_1] : memref<32x8x128xf32, #tpu.memory_space<vmem>>, vector<32x8x128xf32>
    %reduce_sum3A = arith.constant dense<0.000000e+00> : vector<8x128xf32>
    %reduce_sum3A_3 = vector.multi_reduction <add>, %get3A_2, %reduce_sum3A [0] : vector<32x8x128xf32> to vector<8x128xf32>
    %add3A = arith.constant 1.000000e+00 : f32
    %add3A_4 = vector.broadcast %add3A : f32 to vector<8x128xf32>
    %add3A_5 = arith.addf %reduce_sum3A_3, %add3A_4 : vector<8x128xf32>
    %rsqrt3A = math.rsqrt %add3A_5 : vector<8x128xf32>
    %broadcast_in_dim3A = vector.shape_cast %rsqrt3A : vector<8x128xf32> to vector<8x128x1xf32>
    %get3A_6 = arith.constant 0 : index
    %get3A_7 = arith.constant 0 : index
    %get3A_8 = arith.constant 0 : index
    %get3A_9 = arith.constant 0 : index
    %get3A_10 = vector.load %arg1[%get3A_6, %get3A_7, %get3A_8, %get3A_9] : memref<2x8x128x128xf32, #tpu.memory_space<vmem>>, vector<1x8x128x128xf32>
    %get3A_11 = vector.shape_cast %get3A_10 : vector<1x8x128x128xf32> to vector<8x128x128xf32>
    %get3A_12 = arith.constant 1 : index
    %get3A_13 = arith.constant 0 : index
    %get3A_14 = arith.constant 0 : index
    %get3A_15 = arith.constant 0 : index
    %get3A_16 = vector.load %arg1[%get3A_12, %get3A_13, %get3A_14, %get3A_15] : memref<2x8x128x128xf32, #tpu.memory_space<vmem>>, vector<1x8x128x128xf32>
    %get3A_17 = vector.shape_cast %get3A_16 : vector<1x8x128x128xf32> to vector<8x128x128xf32>
    %concatenate3A = tpu.concatenate %get3A_11, %get3A_17 in 2 : vector<8x128x128xf32>, vector<8x128x128xf32> -> vector<8x128x256xf32>
    %mul3A = vector.broadcast %broadcast_in_dim3A : vector<8x128x1xf32> to vector<8x128x256xf32>
    %mul3A_18 = arith.mulf %concatenate3A, %mul3A : vector<8x128x256xf32>
    %get3A_19 = arith.constant 0 : index
    %get3A_20 = arith.constant 0 : index
    %get3A_21 = arith.constant 0 : index
    %get3A_22 = vector.load %arg4[%get3A_19, %get3A_20, %get3A_21] : memref<1x1x256xf32, #tpu.memory_space<vmem>>, vector<1x1x256xf32>
    %add3A_23 = vector.broadcast %get3A_22 : vector<1x1x256xf32> to vector<8x128x256xf32>
    %add3A_24 = arith.addf %mul3A_18, %add3A_23 : vector<8x128x256xf32>
    %max3A = arith.constant 0.000000e+00 : f32
    %max3A_25 = vector.broadcast %max3A : f32 to vector<8x128x256xf32>
    %max3A_26 = arith.maximumf %add3A_24, %max3A_25 : vector<8x128x256xf32>
    %mul3A_27 = vector.broadcast %broadcast_in_dim3A : vector<8x128x1xf32> to vector<8x128x256xf32>
    %mul3A_28 = arith.mulf %max3A_26, %mul3A_27 : vector<8x128x256xf32>
    %get3A_29 = arith.constant 0 : index
    %get3A_30 = arith.constant 0 : index
    %get3A_31 = vector.load %arg3[%get3A_29, %get3A_30] : memref<256x256xf32, #tpu.memory_space<vmem>>, vector<256x256xf32>
    %dot_general3A = arith.constant dense<0.000000e+00> : vector<8x128x256xf32>
    %dot_general3A_32 = tpu.matmul %mul3A_28, %get3A_31, %dot_general3A {dimension_numbers = #tpu.dot_dimension_numbers<[2], [0], [0, 1], [1], [0, 0, 0, 1, 1, 1], [], []>, transpose_lhs_hint = false} : vector<8x128x256xf32>, vector<256x256xf32>, vector<8x128x256xf32> -> vector<8x128x256xf32>
    %slice3A = vector.extract_strided_slice %dot_general3A_32 {offsets = [0, 0, 0], sizes = [8, 128, 128], strides = [1, 1, 1]} : vector<8x128x256xf32> to vector<8x128x128xf32>
    %swap3A = arith.constant 0 : index
    %swap3A_33 = arith.constant 0 : index
    %swap3A_34 = arith.constant 0 : index
    %swap3A_35 = arith.constant 0 : index
    %swap3A_36 = vector.load %arg5[%swap3A, %swap3A_33, %swap3A_34, %swap3A_35] : memref<2x8x128x128xf32, #tpu.memory_space<vmem>>, vector<1x8x128x128xf32>
    %swap3A_37 = vector.shape_cast %swap3A_36 : vector<1x8x128x128xf32> to vector<8x128x128xf32>
    %swap3A_38 = vector.shape_cast %slice3A : vector<8x128x128xf32> to vector<1x8x128x128xf32>
    tpu.vector_store %arg5[%swap3A, %swap3A_33, %swap3A_34, %swap3A_35], %swap3A_38 {strides = array<i32>} : memref<2x8x128x128xf32, #tpu.memory_space<vmem>>, vector<1x8x128x128xf32>,
    %slice3A_39 = vector.extract_strided_slice %dot_general3A_32 {offsets = [0, 0, 128], sizes = [8, 128, 128], strides = [1, 1, 1]} : vector<8x128x256xf32> to vector<8x128x128xf32>
    %swap3A_40 = arith.constant 1 : index
    %swap3A_41 = arith.constant 0 : index
    %swap3A_42 = arith.constant 0 : index
    %swap3A_43 = arith.constant 0 : index
    %swap3A_44 = vector.load %arg5[%swap3A_40, %swap3A_41, %swap3A_42, %swap3A_43] : memref<2x8x128x128xf32, #tpu.memory_space<vmem>>, vector<1x8x128x128xf32>
    %swap3A_45 = vector.shape_cast %swap3A_44 : vector<1x8x128x128xf32> to vector<8x128x128xf32>
    %swap3A_46 = vector.shape_cast %slice3A_39 : vector<8x128x128xf32> to vector<1x8x128x128xf32>
    tpu.vector_store %arg5[%swap3A_40, %swap3A_41, %swap3A_42, %swap3A_43], %swap3A_46 {strides = array<i32>} : memref<2x8x128x128xf32, #tpu.memory_space<vmem>>, vector<1x8x128x128xf32>,
    return
  }
  func.func @transform_0(%arg0: i32) -> (i32, i32, i32, i32) {
    %c0_i32 = arith.constant 0 : i32
    %c0_i32_0 = arith.constant 0 : i32
    %c0_i32_1 = arith.constant 0 : i32
    %c0_i32_2 = arith.constant 0 : i32
    return %c0_i32, %arg0, %c0_i32_0, %c0_i32_1 : i32, i32, i32, i32
  }
  func.func @transform_1(%arg0: i32) -> (i32, i32, i32) {
    %c0_i32 = arith.constant 0 : i32
    %c0_i32_0 = arith.constant 0 : i32
    %c0_i32_1 = arith.constant 0 : i32
    return %c0_i32, %arg0, %c0_i32_0 : i32, i32, i32
  }
  func.func @transform_2(%arg0: i32) -> (i32, i32) {
    %c0_i32 = arith.constant 0 : i32
    %c0_i32_0 = arith.constant 0 : i32
    %c0_i32_1 = arith.constant 0 : i32
    return %c0_i32, %c0_i32_0 : i32, i32
  }
  func.func @transform_3(%arg0: i32) -> (i32, i32, i32) {
    %c0_i32 = arith.constant 0 : i32
    %c0_i32_0 = arith.constant 0 : i32
    %c0_i32_1 = arith.constant 0 : i32
    %c0_i32_2 = arith.constant 0 : i32
    return %c0_i32, %c0_i32_0, %c0_i32_1 : i32, i32, i32
  }
  func.func @transform_4(%arg0: i32) -> (i32, i32, i32, i32) {
    %c0_i32 = arith.constant 0 : i32
    %c0_i32_0 = arith.constant 0 : i32
    %c0_i32_1 = arith.constant 0 : i32
    %c0_i32_2 = arith.constant 0 : i32
    return %c0_i32, %arg0, %c0_i32_0, %c0_i32_1 : i32, i32, i32, i32
  }
}

module attributes {stable_mosaic.version = 14 : i64} {
  func.func @body(%arg0: i32, %arg1: memref<2x8x128x128xf32, #tpu.memory_space<vmem>>, %arg2: memref<32x8x128xf32, #tpu.memory_space<vmem>>, %arg3: memref<1x1x256xf32, #tpu.memory_space<vmem>>, %arg4: memref<8x128x256xf32, #tpu.memory_space<vmem>>) attributes {dimension_semantics = [#tpu.dimension_semantics<arbitrary>], iteration_bounds = array<i64: 10>, scalar_prefetch = 0 : i64, scratch_operands = 0 : i64, tpu.core_type = #tpu.core_type<tc>, window_params = [{transform_indices = @transform_0, window_bounds = array<i64: 2, 8, 128, 128>}, {transform_indices = @transform_1, window_bounds = array<i64: 32, 8, 128>}, {pipeline_mode = #tpu.pipeline_mode<synchronous>, transform_indices = @transform_2, window_bounds = array<i64: 1, 1, 256>}, {transform_indices = @transform_3, window_bounds = array<i64: 8, 128, 256>}]} {
    %get3A = arith.constant 0 : index
    %get3A_0 = arith.constant 0 : index
    %get3A_1 = arith.constant 0 : index
    %get3A_2 = vector.load %arg2[%get3A, %get3A_0, %get3A_1] : memref<32x8x128xf32, #tpu.memory_space<vmem>>, vector<32x8x128xf32>
    %reduce_sum3A = arith.constant dense<0.000000e+00> : vector<8x128xf32>
    %reduce_sum3A_3 = vector.multi_reduction <add>, %get3A_2, %reduce_sum3A [0] : vector<32x8x128xf32> to vector<8x128xf32>
    %add3A = arith.constant 1.000000e+00 : f32
    %add3A_4 = vector.broadcast %add3A : f32 to vector<8x128xf32>
    %add3A_5 = arith.addf %reduce_sum3A_3, %add3A_4 : vector<8x128xf32>
    %rsqrt3A = math.rsqrt %add3A_5 : vector<8x128xf32>
    %broadcast_in_dim3A = vector.shape_cast %rsqrt3A : vector<8x128xf32> to vector<8x128x1xf32>
    %get3A_6 = arith.constant 0 : index
    %get3A_7 = arith.constant 0 : index
    %get3A_8 = arith.constant 0 : index
    %get3A_9 = arith.constant 0 : index
    %get3A_10 = vector.load %arg1[%get3A_6, %get3A_7, %get3A_8, %get3A_9] : memref<2x8x128x128xf32, #tpu.memory_space<vmem>>, vector<1x8x128x128xf32>
    %get3A_11 = vector.shape_cast %get3A_10 : vector<1x8x128x128xf32> to vector<8x128x128xf32>
    %get3A_12 = arith.constant 1 : index
    %get3A_13 = arith.constant 0 : index
    %get3A_14 = arith.constant 0 : index
    %get3A_15 = arith.constant 0 : index
    %get3A_16 = vector.load %arg1[%get3A_12, %get3A_13, %get3A_14, %get3A_15] : memref<2x8x128x128xf32, #tpu.memory_space<vmem>>, vector<1x8x128x128xf32>
    %get3A_17 = vector.shape_cast %get3A_16 : vector<1x8x128x128xf32> to vector<8x128x128xf32>
    %concatenate3A = tpu.concatenate %get3A_11, %get3A_17 in 2 : vector<8x128x128xf32>, vector<8x128x128xf32> -> vector<8x128x256xf32>
    %mul3A = vector.broadcast %broadcast_in_dim3A : vector<8x128x1xf32> to vector<8x128x256xf32>
    %mul3A_18 = arith.mulf %concatenate3A, %mul3A : vector<8x128x256xf32>
    %get3A_19 = arith.constant 0 : index
    %get3A_20 = arith.constant 0 : index
    %get3A_21 = arith.constant 0 : index
    %get3A_22 = vector.load %arg3[%get3A_19, %get3A_20, %get3A_21] : memref<1x1x256xf32, #tpu.memory_space<vmem>>, vector<1x1x256xf32>
    %add3A_23 = vector.broadcast %get3A_22 : vector<1x1x256xf32> to vector<8x128x256xf32>
    %add3A_24 = arith.addf %mul3A_18, %add3A_23 : vector<8x128x256xf32>
    %swap3A = arith.constant 0 : index
    %swap3A_25 = arith.constant 0 : index
    %swap3A_26 = arith.constant 0 : index
    %swap3A_27 = vector.load %arg4[%swap3A, %swap3A_25, %swap3A_26] : memref<8x128x256xf32, #tpu.memory_space<vmem>>, vector<8x128x256xf32>
    tpu.vector_store %arg4[%swap3A, %swap3A_25, %swap3A_26], %add3A_24 {strides = array<i32>} : memref<8x128x256xf32, #tpu.memory_space<vmem>>, vector<8x128x256xf32>,
    return
  }
  func.func @transform_0(%arg0: i32) -> (i32, i32, i32, i32) {
    %c0_i32 = arith.constant 0 : i32
    %c0_i32_0 = arith.constant 0 : i32
    %c0_i32_1 = arith.constant 0 : i32
    %c0_i32_2 = arith.constant 0 : i32
    return %c0_i32, %arg0, %c0_i32_0, %c0_i32_1 : i32, i32, i32, i32
  }
  func.func @transform_1(%arg0: i32) -> (i32, i32, i32) {
    %c0_i32 = arith.constant 0 : i32
    %c0_i32_0 = arith.constant 0 : i32
    %c0_i32_1 = arith.constant 0 : i32
    return %c0_i32, %arg0, %c0_i32_0 : i32, i32, i32
  }
  func.func @transform_2(%arg0: i32) -> (i32, i32, i32) {
    %c0_i32 = arith.constant 0 : i32
    %c0_i32_0 = arith.constant 0 : i32
    %c0_i32_1 = arith.constant 0 : i32
    %c0_i32_2 = arith.constant 0 : i32
    return %c0_i32, %c0_i32_0, %c0_i32_1 : i32, i32, i32
  }
  func.func @transform_3(%arg0: i32) -> (i32, i32, i32) {
    %c0_i32 = arith.constant 0 : i32
    %c0_i32_0 = arith.constant 0 : i32
    %c0_i32_1 = arith.constant 0 : i32
    return %arg0, %c0_i32, %c0_i32_0 : i32, i32, i32
  }
}

</mosaic_0001>

<sc_bundles>
// kernel: kernel.12.cloned.1.call-start
scs
__scs_entry_jumppad:
0x0: {  	(pc) =	sbr.rel $0x88, $3  }
0x1: {  	(tag) =	ssettag $0x0;
	lr =	simm.s32 $0x1  }
0x2: {  	[smem:$0x3F9B] =	sst lr;
	_ =	strace $0xD0000000  }
0x3: {  	_ = 	snop  }
0x4: {  	_ = 	snop  }
0x5: {  	_ = 	snop  }
0x6: {  	_ = 	snop  }
0x7: {  	_ = 	snop  }
__scs_overlays_trampoline_lowered:
0x8: {  	[smem:$0x3FAA] =	sst s0  }
0x9: {  	[smem:$0x3FAB] =	sst s1  }
0xa: {  	[smem:$0x3FAC] =	sst s2  }
0xb: {  	[smem:$0x3FAD] =	sst s3  }
0xc: {  	[smem:$0x3FAE] =	sst s4  }
0xd: {  	[smem:$0x3FAF] =	sst s5  }
0xe: {  	[smem:$0x3FB0] =	sst s6  }
0xf: {  	[smem:$0x3FB1] =	sst s7  }
0x10: {  	[smem:$0x3FB2] =	sst s8  }
0x11: {  	[smem:$0x3FB3] =	sst s9;
	s0 =	simm.s32 @!p0 $0x0  }
0x12: {  	s1 =	sld [smem:$0x3F99];
	s0 =	simm.s32 @p0 $0x1  }
0x13: {  	[smem:$0x3FB4] =	sst s0;
	s0 =	simm.s32 @!p1 $0x0  }
0x14: {  	s2 =	sld [smem:$0x3F98];
	s0 =	simm.s32 @p1 $0x1  }
0x15: {  	[smem:$0x3FB5] =	sst s0;
	s0 =	simm.s32 @!p2 $0x0  }
0x16: {  	s3 =	sld [smem:$0x3FDB];
	s0 =	simm.s32 @p2 $0x1  }
0x17: {  	s4 =	simm.s32 $0x1BF5;
	[smem:$0x3FB7] =	sst s0  }
0x18: {  	s0 =	sld [smem:$0x3F9A];
	_ =	swait.ge [sflag:s4], $0x0  }
0x19: {  	s7 =	sld [smem:$0x3F9B]  }
0x1a: {  	s8 =	sadd.s32 $0xFFFFE003, lr  }
0x1b: {  	s9 =	sadd.s32 $0xFFFFFEF7, lr;
	s5 =	simm.s32 $0xFFFFFFFF;
	p2 =	slt.u32 s8, $0xFFFFF086  }
0x1c: {  	p1 =	slt.u32 s9, $0xF7A;
	s5 =	simm.s32 @!p2 $0x0  }
0x1d: {  	s5 =	simm.s32 @p1 $0x1;
	p0 =	seq.s32 s7, s2  }
0x1e: {  	s7 =	smul.u32 @!p0 $0xF7A, s2;
	p2 =	seq.s32 @!p0 s5, $0x0  }
0x1f: {  	s9 =	smul.u32 $0xF7A, s1;
	s8 =	simm.s32 @!p0 $0x1BF5;
	p2 =	por !p2, p0  }
0x20: {  	[sflag:s8] =	ssyncset.s32 @!p0 $0xFFFFF086;
	s6 =	sadd.s32 @!p0 s3, s7;
	s7 =	simm.s32 @!p0 $0x108  }
0x21: {  	s3 =	sadd.s32 s3, s9;
	s6 =	sadd.s32 @!p0 $0x88, s6;
	s7 =	simm.s32 @p2 $0x1082  }
0x22: {  	[simem:s7], [sflag:s8] =	dma.local @!p0 [hbm:s6], $0xF7A  }
0x23: {  	s9 =	sor.u32 $0xD0000000, s2;
	s6 =	simm.s32 $0x108;
	_ =	swait.ge @!p0 [sflag:s8], $0x0  }
0x24: {  	s3 =	sadd.s32 $0x88, s3;
	s6 =	simm.s32 @!p1 $0x1082;
	[sflag:s4] =	ssyncset.s32 $0xFFFFF086  }
0x25: {  	[simem:s6], [sflag:s4] =	dma.local [hbm:s3], $0xF7A  }
0x26: {  	[smem:$0x3F9B] =	sst s1;
	(tag) =	ssettag s2;
	_ =	strace s9  }
0x27: {  	s1 =	sld [smem:$0x3FAB]  }
0x28: {  	s2 =	sld [smem:$0x3FAC]  }
0x29: {  	s4 =	sld [smem:$0x3FAE]  }
0x2a: {  	p0 =	seq.s32 s5, $0x0;
	s5 =	sld [smem:$0x3FAF]  }
0x2b: {  	s6 =	sld [smem:$0x3FB0]  }
0x2c: {  	s7 =	sld [smem:$0x3FB1]  }
0x2d: {  	s3 =	simm.s32 $0x108;
	s8 =	sld [smem:$0x3FB2]  }
0x2e: {  	s3 =	simm.s32 @!p0 $0x1082;
	s9 =	sld [smem:$0x3FB3]  }
0x2f: {  	lr =	sadd.s32 s0, s3;
	s0 =	sld [smem:$0x3FAA]  }
0x30: {  	s3 =	sld [smem:$0x3FAD]  }
0x31: {  	[smem:$0x3FB6] =	sst s10  }
0x32: {  	s10 =	sld [smem:$0x3FB4];
	_ =	sdelay $0x3  }
0x33: {  	p0 =	seq.s32 s10, $0x1;
	s10 =	sld [smem:$0x3FB6];
	_ =	sdelay $0x3  }
0x34: {  	[smem:$0x3FB6] =	sst s10  }
0x35: {  	s10 =	sld [smem:$0x3FB5];
	_ =	sdelay $0x3  }
0x36: {  	p1 =	seq.s32 s10, $0x1;
	s10 =	sld [smem:$0x3FB6];
	_ =	sdelay $0x3  }
0x37: {  	[smem:$0x3FB6] =	sst s10  }
0x38: {  	s10 =	sld [smem:$0x3FB7]  }
0x39: {  	_ = 	snop;
	(pc) =	sbr.ind lr, $3  }
0x3a: {  	_ = 	snop  }
0x3b: {  	_ = 	snop  }
0x3c: {  	p2 =	seq.s32 s10, $0x1;
	s10 =	sld [smem:$0x3FB6]  }
0x3d: {  	_ =	shalt  }
0x3e: {  	_ =	shalt  }
0x3f: {  	_ =	shalt  }
0x40: {  	_ =	shalt  }
0x41: {  	_ =	shalt  }
0x42: {  	_ =	shalt  }
0x43: {  	_ =	shalt  }
0x44: {  	_ =	shalt  }
0x45: {  	_ =	shalt  }
0x46: {  	_ =	shalt  }
0x47: {  	_ =	shalt  }
0x48: {  	_ =	shalt  }
0x49: {  	_ =	shalt  }
0x4a: {  	_ =	shalt  }
0x4b: {  	_ =	shalt  }
0x4c: {  	_ =	shalt  }
0x4d: {  	_ =	shalt  }
0x4e: {  	_ =	shalt  }
0x4f: {  	_ =	shalt  }
0x50: {  	_ =	shalt  }
0x51: {  	_ =	shalt  }
0x52: {  	_ =	shalt  }
0x53: {  	_ =	shalt  }
0x54: {  	_ =	shalt  }
0x55: {  	_ =	shalt  }
0x56: {  	_ =	shalt  }
0x57: {  	_ =	shalt  }
0x58: {  	_ =	shalt  }
0x59: {  	_ =	shalt  }
0x5a: {  	_ =	shalt  }
0x5b: {  	_ =	shalt  }
0x5c: {  	_ =	shalt  }
0x5d: {  	_ =	shalt  }
0x5e: {  	_ =	shalt  }
0x5f: {  	_ =	shalt  }
0x60: {  	_ =	shalt  }
0x61: {  	_ =	shalt  }
0x62: {  	_ =	shalt  }
0x63: {  	_ =	shalt  }
0x64: {  	_ =	shalt  }
0x65: {  	_ =	shalt  }
0x66: {  	_ =	shalt  }
0x67: {  	_ =	shalt  }
0x68: {  	_ =	shalt  }
0x69: {  	_ =	shalt  }
0x6a: {  	_ =	shalt  }
0x6b: {  	_ =	shalt  }
0x6c: {  	_ =	shalt  }
0x6d: {  	_ =	shalt  }
0x6e: {  	_ =	shalt  }
0x6f: {  	_ =	shalt  }
0x70: {  	_ =	shalt  }
0x71: {  	_ =	shalt  }
0x72: {  	_ =	shalt  }
0x73: {  	_ =	shalt  }
0x74: {  	_ =	shalt  }
0x75: {  	_ =	shalt  }
0x76: {  	_ =	shalt  }
0x77: {  	_ =	shalt  }
0x78: {  	_ =	shalt  }
0x79: {  	_ =	shalt  }
0x7a: {  	_ =	shalt  }
0x7b: {  	_ =	shalt  }
0x7c: {  	_ =	shalt  }
0x7d: {  	_ =	shalt  }
0x7e: {  	_ =	shalt  }
0x7f: {  	_ =	shalt  }
0x80: {  	_ =	shalt  }
0x81: {  	_ =	shalt  }
0x82: {  	_ =	shalt  }
0x83: {  	_ =	shalt  }
0x84: {  	_ =	shalt  }
0x85: {  	_ =	shalt  }
0x86: {  	_ =	shalt  }
0x87: {  	_ =	shalt  }
.Lfunc_end0:
.L_simem_size_0:
called_computation.1_lowered:
.L_overlay_start_0:
0x88: {  	s2 =	sld [smem:$0x3FD9]  }
0x89: {  	s3 =	sld [smem:$0x3FFE];
	_ =	sdelay $0x1  }
0x8a: {  	s1 =	srdreg.scid  }
0x8b: {  	s0 =	sand.u32 $0x1, s1  }
0x8c: {  	s17 =	sshll.u32 s0, $0xA;
	s2 =	sadd.s32 s3, s2  }
0x8d: {  	s2 =	sadd.s32 s2, s17  }
0x8e: {  	[smem:$0x3FC2] =	sst s2  }
0x8f: {  	_ = 	snop  }
0x90: {  	s2 =	sld [smem:$0x3FD0];
	(tm) =	ssettm $0x1  }
0x91: {  	s18 =	sld [smem:$0x3FFB];
	_ =	sdelay $0x3  }
0x92: {  	_ =	strace s18  }
0x93: {  	s3 =	sld [smem:$0x3FFC];
	_ =	sdelay $0x3  }
0x94: {  	_ =	strace s3  }
0x95: {  	s3 =	sld [smem:$0x3FFD];
	_ =	sdelay $0x3  }
0x96: {  	_ =	strace s3  }
0x97: {  	_ =	strace $0x8FFFFFFF  }
0x98: {  	s19 =	sld [smem:$0x3FDB];
	_ =	sdelay $0x1  }
0x99: {  	s4 =	simm.s32 $_scs_section_size  }
0x9a: {  	s5 =	simm.s32 $_size__tile_overlayer_lowered;
	s6 =	simm.s32 $_tile_overlayer_lowered  }
0x9b: {  	s22 =	simm.s32 $0x1BFF;
	s21 =	sshll.u32 s6, $0x1;
	s3 =	sadd.s32 s4, s19  }
0x9c: {  	s7 =	simm.s32 $0x0;
	s20 =	sshll.u32 s5, $0x1;
	s5 =	sadd.s32 s21, s3  }
0x9d: {  	[timem:s7], [sflag:s22] =	dma.local [hbm:s5], s20  }
0x9e: {  	_ =	swait.ge [sflag:s22], s20  }
0x9f: {  	s4 =	ssub.s32 $0x0, s20;
	[sflag:s22] =	ssyncset.done $0x0  }
0xa0: {  	[sflag:s22] =	ssyncadd.s32 s4;
	_ =	sdelay $0x1  }
0xa1: {  	s23 =	simm.s32 $0x1B8B  }
0xa2: {  	_ =	swait.ge [sflag:s23], $0x1  }
0xa3: {  	[sflag:s23] =	ssyncset.done $0x0  }
0xa4: {  	s25 =	simm.s32 $0x1B8E;
	s24 =	sld [smem:$0x3FFE];
	[sflag:s23] =	ssyncadd.s32 $0xFFFFFFFF  }
0xa5: {  	s26 =	simm.s32 $execute0_lowered;
	[smem:$0x3FD2] =	sst s25  }
0xa6: {  	s5 =	sshll.u32 s26, $0x1;
	_ =	strace $0x80000049;
	[dreg:$0x1] =	wrdreg $0xFFFFFFFF  }
0xa7: {  	s28 =	simm.s32 $_size_execute0_lowered;
	s3 =	sadd.s32 s3, s5;
	[dreg:$0x0] =	wrdreg $0x0  }
0xa8: {  	s5 =	sshll.u32 s28, $0x1;
	[dreg:$0x2] =	wrdreg s3  }
0xa9: {  	[dreg:$0x3] =	wrdreg s5  }
0xaa: {  	[dreg:$0x4] =	wrdreg $0xC0  }
0xab: {  	_ =	task [dreg:s7], $0x5FFFF  }
0xac: {  	[dreg:$0x1] =	wrdreg $0xFFFFFFFF  }
0xad: {  	[dreg:$0x0] =	wrdreg $0x60  }
0xae: {  	[dreg:$0x2] =	wrdreg s24  }
0xaf: {  	[dreg:$0x3] =	wrdreg s2  }
0xb0: {  	[dreg:$0x4] =	wrdreg $0xA0000  }
0xb1: {  	[dreg:$0x5] =	wrdreg $0x9  }
0xb2: {  	_ =	task.clear_ibuf [dreg:s7], $0x6FFFF;
	_ =	strace $0x90000049  }
0xb3: {  	s29 =	simm.s32 $0x9;
	_ =	strace $0x8000004B  }
0xb4: {  	_ =	swait.ge [sflag:s29], $0x1  }
0xb5: {  	[sflag:s29] =	ssyncadd.s32 $0xFFFFFFFF  }
0xb6: {  	_ =	strace $0x9000004B  }
0xb7: {  	_ =	sfence  }
0xb8: {  	s30 =	sld [smem:$0x0];
	_ =	sdelay $0x2  }
0xb9: {  	s31 =	sshll.u32 s1, $0xD;
	s1 =	sshrl.u32 s1, $0x2  }
0xba: {  	s3 =	sand.u32 $0x4000, s31;
	s1 =	sadd.s32 s1, s30  }
0xbb: {  	s0 =	sor.u32 s3, s0;
	s1 =	sshll.u32 s1, $0x11  }
0xbc: {  	s0 =	sor.u32 s1, s0  }
0xbd: {  	s0 =	sadd.s32 $0x8F2B, s0  }
0xbe: {  	[sflag:s0] =	ssyncadd.remote.s32 $0x1  }
0xbf: {  	_ =	sfence.sel $0xFFFF  }
0xc0: {  	[dreg:$0x0] =	wrdreg $0xFFFFFFFF;
	(pc) =	sbr.abs _section_cstart, $3  }
0xc1: {  	[dreg:$0x1] =	wrdreg $0xFFFFFFFF  }
0xc2: {  	_ =	task.clear_ibuf [dreg:s7], $0x2FFFF;
	_ =	strace $0x9FFFFFFF  }
0xc3: {  	(tm) =	ssettm $0x7FFFFFFF  }
tec
execute0_lowered:
.L_overlay_start_1:
0x0: {  	(tag) =	ssettag $0x1  }
0x1: {  	s0 =	rddreg [dreg:$0x0]  }
0x2: {  	s1 =	rddreg [dreg:$0x1]  }
0x3: {  	s2 =	rddreg [dreg:$0x2];
	s3 =	srdreg.scid;
	s4 =	simm.s32 $0x0  }
0x4: {  	s12 =	stileid.u32;
	s17 =	simm.s32 $0x4;
	s19 =	simm.s32 $0x3  }
0x5: {  	s30 =	simm.s32 $0x0;
	s3 =	sand.u32 $0x1, s3;
	s5 =	smul.u32 $0x14000, s12  }
0x6: {  	[smem:$0x7FF] =	sst s4;
	s9 =	sadd.s32 $0x1FC00, s0;
	s8 =	smul.u32 $0x50000, s12  }
0x7: {  	s23 =	sshll.u32 s12, $0x6;
	s7 =	smul.u32 $0x140000, s3;
	s3 =	ssub.s32 $0x2, s3  }
0x8: {  	_ =	strace $0x8000004A;
	s11 =	sshrl.u32 s3, $0x1;
	s8 =	sshrl.u32 s8, $0x2  }
0x9: {  	s6 =	sadd.s32 s5, s7;
	s5 =	sadd.s32 $0x15C00, s0;
	s3 =	ssub.s32 s3, s11  }
0xa: {  	s21 =	sadd.s32 s8, s2;
	s8 =	sor.u32 $0x1C03, s23;
	s7 =	sshrl.u32 s7, $0x3  }
0xb: {  	s23 =	simm.s32 $0x2000;
	s10 =	sshrl.u32 s6, $0x3;
	s31 =	smax.u32 s3, $0x1  }
0xc: {  	s6 =	smul.u32 $0x5000, s12;
	s3 =	sshrl.u32 s21, $0x3;
	[dreg:$0xa] =	wrdreg s31  }
0xd: {  	s0 =	sadd.s32 s10, s0;
	s22 =	sadd.s32 s9, s10;
	[dreg:$0xb] =	wrdreg s3  }
0xe: {  	[dreg:$0x4] =	wrdreg s22;
	s24 =	sshrl.u32 s6, $0x3;
	s0 =	sadd.s32 $0x6FC00, s0  }
0xf: {  	s13 =	sadd.s32 s9, s7;
	s25 =	sadd.s32 s1, s24;
	[dreg:$0x9] =	wrdreg s0  }
0x10: {  	s26 =	sor.u32 $0x100, s24;
	s10 =	sadd.s32 s5, s24;
	[dreg:$0x5] =	wrdreg s25  }
0x11: {  	s22 =	simm.s32 $0x80;
	[dreg:$0x6] =	wrdreg s10;
	s28 =	sadd.s32 s1, s26  }
0x12: {  	s24 =	simm.s32 $0x6000;
	s29 =	sadd.s32 s5, s26;
	[dreg:$0x7] =	wrdreg s28  }
0x13: {  	s25 =	simm.s32 $0x1;
	s26 =	simm.s32 $0x2;
	[dreg:$0x8] =	wrdreg s29  }
.LBB2_1:
0x14: {  	s0 =	rddreg [dreg:$0x4]  }
0x15: {  	[spmem:s3], [sflag:s8] =	dma.local [hbm:s0], $0x2800  }
0x16: {  	s0 =	rddreg [dreg:$0x5]  }
0x17: {  	[tilespmem:s4], [sflag:$0x4] =	stream.linear.gather [hbm4b:s0+s4], $0x800, $0x38;
	[tilespmem:$0x1E000] =	vst v63  }
0x18: {  	_ =	swait.ge [sflag:s17], $0x800  }
0x19: {  	[sflag:s17] =	ssyncset.done $0x0  }
0x1a: {  	s11 =	simm.s32 $0x1000;
	s10 =	rddreg [dreg:$0x6];
	[sflag:s17] =	ssyncadd.s32 $0xFFFFF800  }
0x1b: {  	[tilespmem:s11], [sflag:$0x4] =	stream.linear.gather [hbm4b:s10+s4], $0x800, $0x38;
	[tilespmem:$0x1E000] =	vst v63  }
0x1c: {  	_ =	swait.ge [sflag:s17], $0x800  }
0x1d: {  	[sflag:s17] =	ssyncset.done $0x0  }
0x1e: {  	[sflag:s17] =	ssyncadd.s32 $0xFFFFF800  }
0x1f: {  	_ =	swait.ge [sflag:s19], $0x2800  }
0x20: {  	[sflag:s19] =	ssyncset.done $0x0  }
0x21: {  	[sflag:s19] =	ssyncadd.s32 $0xFFFFD800  }
0x22: {  	[bflag:$0x0] =	sbarrier.arrive $0xFFFF  }
0x23: {  	s16 =	smov.u32 s8;
	s14 =	simm.s32 $0x800;
	s12 =	rddreg [dreg:$0x7]  }
0x24: {  	[tilespmem:s14], [sflag:$0x3] =	stream.linear.gather [hbm4b:s12+s4], $0x800, $0x38;
	[tilespmem:$0x1E000] =	vst v63  }
0x25: {  	s18 =	simm.s32 $0x1800;
	p0 =	por $0x0, $0x0;
	s15 =	rddreg [dreg:$0x8]  }
0x26: {  	[tilespmem:s18], [sflag:$0x3] =	stream.linear.gather [hbm4b:s15+s4], $0x800, $0x38;
	[tilespmem:$0x1E000] =	vst v63  }
0x27: {  	s20 =	sand.u32 $0x800, s4;
	s31 =	simm.s32 $0x100;
	s0 =	sand.u32 $0xE, s4  }
0x28: {  	[tilespmem:s23], [sflag:$0x1] =	stream.indirect.gather [hbm4b:s13+s22], $0x80, s4, s22, $0xb8;
	[tilespmem:$0x1E000] =	vst v63  }
0x29: {  	s21 =	sand.u32 $0xF00, s31;
	p1 =	sne.s32 @!p0 s0, $0xE;
	p2 =	sne.s32 @!p0 s0, $0x0  }
0x2a: {  	[tilespmem:s24], [sflag:$0x2] =	stream.indirect.gather [hbm4b:s13+s22], $0x80, s22, s22, $0xb8;
	[tilespmem:$0x1E000] =	vst v63  }
0x2b: {  	s0 =	sshll.u32 s0, $0x7;
	p0 =	por p0, p0;
	_ =	swait.ge [sflag:s25], $0x4000  }
0x2c: {  	s0 =	sor.u32 s0, s20;
	p2 =	por p2, p0;
	[sflag:s25] =	ssyncset.done $0x0  }
0x2d: {  	p1 =	por p1, p1;
	s0 =	sor.u32 $0x1000, s0;
	[sflag:s25] =	ssyncadd.s32 $0xFFFFC000  }
0x2e: {  	[spmem:s2] =	stream.indirect.scatter.add.f32 [tilespmem:s23], [sflag:$0x4], $0x80, s0, s22, $0xb8;
	[tilespmem:$0x1E000] =	vst v63  }
0x2f: {  	s3 =	sand.u32 @!p2 $0x7800, s4;
	p0 =	por p1, p0;
	_ =	swait.ge [sflag:s17], $0x4000  }
0x30: {  	p1 =	por $0x0, $0x0;
	s3 =	sadd.s32 @!p2 $0x800, s3;
	[sflag:s17] =	ssyncset.done $0x0  }
0x31: {  	s9 =	simm.s32 @!p0 $0x3;
	s10 =	simm.s32 $0x180;
	[sflag:s17] =	ssyncadd.s32 $0xFFFFC000  }
0x32: {  	s7 =	sadd.s32 @!p2 s6, s3;
	s3 =	sand.u32 @!p2 $0x800, s3;
	_ =	swait.ge @!p0 [sflag:s9], $0x800  }
0x33: {  	s7 =	sshrl.u32 @!p2 s7, $0x3;
	s20 =	sor.u32 @!p2 $0x1000, s3;
	[sflag:s9] =	ssyncset.done @!p0 $0x0  }
0x34: {  	s11 =	sadd.s32 @!p2 s1, s7;
	s18 =	simm.s32 $0x2;
	[sflag:s9] =	ssyncadd.s32 @!p0 $0xFFFFF800  }
0x35: {  	s7 =	sadd.s32 @!p2 s5, s7;
	s12 =	sand.u32 $0xE, s18;
	_ =	swait.ge @!p0 [sflag:s9], $0x800  }
0x36: {  	p2 =	por p2, p2;
	p3 =	sne.s32 @!p1 s12, $0xE;
	[sflag:s9] =	ssyncset.done @!p0 $0x0  }
0x37: {  	[sflag:s9] =	ssyncadd.s32 @!p0 $0xFFFFF800;
	p0 =	sne.s32 @!p1 s12, $0x0;
	p1 =	por p1, p1  }
0x38: {  	[tilespmem:s23], [sflag:$0x1] =	stream.indirect.gather [hbm4b:s13+s22], $0x80, s21, s22, $0xb8;
	[tilespmem:$0x1E000] =	vst v63  }
0x39: {  	s18 =	simm.s32 $0x2;
	p0 =	por p0, p1;
	_ =	swait.ge [sflag:s26], $0x4000  }
0x3a: {  	p3 =	por p3, p3;
	s9 =	sand.u32 @!p0 $0x7800, s31;
	[sflag:s26] =	ssyncset.done $0x0  }
0x3b: {  	s0 =	sadd.s32 $0x80, s0;
	s9 =	sadd.s32 @!p0 $0x800, s9;
	[sflag:s26] =	ssyncadd.s32 $0xFFFFC000  }
0x3c: {  	[spmem:s2] =	stream.indirect.scatter.add.f32 [tilespmem:s24], [sflag:$0x4], $0x80, s0, s22, $0xb8;
	[tilespmem:$0x1E000] =	vst v63  }
0x3d: {  	s21 =	simm.s32 @!p2 $0x0;
	s0 =	sadd.s32 @!p0 s6, s9;
	_ =	swait.ge [sflag:s17], $0x4000  }
0x3e: {  	s28 =	sshrl.u32 @!p0 s0, $0x3;
	s0 =	simm.s32 $0x280;
	[sflag:s17] =	ssyncset.done $0x0  }
0x3f: {  	s29 =	sadd.s32 @!p0 s1, s28;
	s28 =	sadd.s32 @!p0 s5, s28;
	[sflag:s17] =	ssyncadd.s32 $0xFFFFC000  }
0x40: {  	[tilespmem:s3], [sflag:$0x3] =	stream.linear.gather @!p2 [hbm4b:s11+s21], $0x800, $0x38;
	[tilespmem:$0x1E000] =	vst v63  }
0x41: {  	s3 =	sand.u32 @!p0 $0x800, s9;
	s11 =	sand.u32 $0xF80, s10;
	s9 =	sand.u32 $0x800, s31  }
0x42: {  	[tilespmem:s20], [sflag:$0x3] =	stream.linear.gather @!p2 [hbm4b:s7+s21], $0x800, $0x38;
	[tilespmem:$0x1E000] =	vst v63  }
0x43: {  	s10 =	sshll.u32 s12, $0x7;
	s21 =	sor.u32 @!p0 $0x1000, s3;
	s20 =	simm.s32 $0x4  }
.LBB2_2:
0x44: {  	[tilespmem:s24], [sflag:$0x2] =	stream.indirect.gather [hbm4b:s13+s22], $0x80, s11, s22, $0xb8;
	[tilespmem:$0x1E000] =	vst v63  }
0x45: {  	p4 =	sgt.u32 s18, $0x47;
	s18 =	sadd.s32 $0x1, s18  }
0x46: {  	_ =	swait.ge [sflag:s25], $0x4000;
	p2 =	sne.s32 s18, $0x4F  }
0x47: {  	s9 =	sor.u32 s10, s9;
	[sflag:s25] =	ssyncset.done $0x0;
	s8 =	simm.s32 @!p2 $0x0  }
0x48: {  	s9 =	sor.u32 $0x1000, s9;
	[sflag:s25] =	ssyncadd.s32 $0xFFFFC000;
	s8 =	simm.s32 @p2 $0x1  }
0x49: {  	[spmem:s2] =	stream.indirect.scatter.add.f32 [tilespmem:s23], [sflag:$0x4], $0x80, s9, s22, $0xb8;
	[tilespmem:$0x1E000] =	vst v63  }
0x4a: {  	[smem:$0x7FD] =	sst s8  }
0x4b: {  	_ =	swait.ge [sflag:s17], $0x4000  }
0x4c: {  	p2 =	por p3, p1;
	[sflag:s17] =	ssyncset.done $0x0  }
0x4d: {  	s11 =	simm.s32 @!p2 $0x3;
	[sflag:s17] =	ssyncadd.s32 $0xFFFFC000  }
0x4e: {  	s7 =	sand.u32 $0xE, s20;
	s10 =	smov.u32 s29;
	_ =	swait.ge @!p2 [sflag:s11], $0x800  }
0x4f: {  	s12 =	smov.u32 s21;
	s14 =	smov.u32 s28;
	[sflag:s11] =	ssyncset.done @!p2 $0x0  }
0x50: {  	s31 =	sadd.s32 $0x100, s31;
	p5 =	sne.s32 @!p4 s7, $0xE;
	[sflag:s11] =	ssyncadd.s32 @!p2 $0xFFFFF800  }
0x51: {  	p6 =	sne.s32 @!p4 s7, $0x0;
	p1 =	por p4, p4;
	_ =	swait.ge @!p2 [sflag:s11], $0x800  }
0x52: {  	p4 =	por p0, p0;
	p0 =	por p6, p1;
	[sflag:s11] =	ssyncset.done @!p2 $0x0  }
0x53: {  	s8 =	sand.u32 $0xF00, s31;
	s21 =	sand.u32 @!p0 $0x7800, s31;
	[sflag:s11] =	ssyncadd.s32 @!p2 $0xFFFFF800  }
0x54: {  	[tilespmem:s23], [sflag:$0x1] =	stream.indirect.gather [hbm4b:s13+s22], $0x80, s8, s22, $0xb8;
	[tilespmem:$0x1E000] =	vst v63  }
0x55: {  	s15 =	sadd.s32 $0x180, s31;
	s11 =	sadd.s32 @!p0 $0x800, s21;
	_ =	swait.ge [sflag:s26], $0x4000  }
0x56: {  	s9 =	sadd.s32 $0x80, s9;
	s21 =	sadd.s32 @!p0 s6, s11;
	[sflag:s26] =	ssyncset.done $0x0  }
0x57: {  	s8 =	sand.u32 @!p0 $0x800, s11;
	s11 =	sshrl.u32 @!p0 s21, $0x3;
	[sflag:s26] =	ssyncadd.s32 $0xFFFFC000  }
0x58: {  	[spmem:s2] =	stream.indirect.scatter.add.f32 [tilespmem:s24], [sflag:$0x4], $0x80, s9, s22, $0xb8;
	[tilespmem:$0x1E000] =	vst v63  }
0x59: {  	s29 =	sadd.s32 @!p0 s1, s11;
	s28 =	sadd.s32 @!p0 s5, s11;
	_ =	swait.ge [sflag:s17], $0x4000  }
0x5a: {  	s11 =	sand.u32 $0xF80, s0;
	s0 =	smov.u32 s15;
	s15 =	sld [smem:$0x7FD]  }
0x5b: {  	_ =	sdelay $0x1  }
0x5c: {  	[sflag:s17] =	ssyncset.done $0x0;
	p2 =	seq.s32 s15, $0x1  }
.Ltmp0:
0x5d: {  	s9 =	simm.s32 @!p4 $0x0;
	[sflag:s17] =	ssyncadd.s32 $0xFFFFC000;
	(pc) =	sbr.rel @p2 .LBB2_2-.Ltmp0, $4  }
0x5e: {  	[tilespmem:s3], [sflag:$0x3] =	stream.linear.gather @!p4 [hbm4b:s10+s9], $0x800, $0x38;
	[tilespmem:$0x1E000] =	vst v63  }
0x5f: {  	s20 =	sadd.s32 $0x2, s20;
	p3 =	por p5, p5;
	s21 =	sor.u32 @!p0 $0x1000, s8  }
0x60: {  	[tilespmem:s12], [sflag:$0x3] =	stream.linear.gather @!p4 [hbm4b:s14+s9], $0x800, $0x38;
	[tilespmem:$0x1E000] =	vst v63  }
0x61: {  	s3 =	smov.u32 s8;
	s10 =	sshll.u32 s7, $0x7;
	s9 =	sand.u32 $0x800, s31  }
0x62: {  	[tilespmem:s24], [sflag:$0x2] =	stream.indirect.gather [hbm4b:s13+s22], $0x80, s11, s22, $0xb8;
	[tilespmem:$0x1E000] =	vst v63  }
0x63: {  	_ =	swait.ge [sflag:s25], $0x4000  }
0x64: {  	s7 =	sor.u32 s10, s9;
	[sflag:s25] =	ssyncset.done $0x0  }
0x65: {  	s7 =	sor.u32 $0x1000, s7;
	[sflag:s25] =	ssyncadd.s32 $0xFFFFC000  }
0x66: {  	[spmem:s2] =	stream.indirect.scatter.add.f32 [tilespmem:s23], [sflag:$0x4], $0x80, s7, s22, $0xb8;
	[tilespmem:$0x1E000] =	vst v63  }
0x67: {  	_ =	swait.ge [sflag:s17], $0x4000  }
0x68: {  	p1 =	por p3, p1;
	[sflag:s17] =	ssyncset.done $0x0  }
0x69: {  	s8 =	simm.s32 @!p1 $0x3;
	[sflag:s17] =	ssyncadd.s32 $0xFFFFC000  }
0x6a: {  	_ =	swait.ge @!p1 [sflag:s8], $0x800  }
0x6b: {  	[sflag:s8] =	ssyncset.done @!p1 $0x0  }
0x6c: {  	[sflag:s8] =	ssyncadd.s32 @!p1 $0xFFFFF800  }
0x6d: {  	_ =	swait.ge @!p1 [sflag:s8], $0x800  }
0x6e: {  	s18 =	sadd.s32 $0x100, s31;
	[sflag:s8] =	ssyncset.done @!p1 $0x0  }
0x6f: {  	s20 =	sand.u32 $0xF00, s18;
	[sflag:s8] =	ssyncadd.s32 @!p1 $0xFFFFF800  }
0x70: {  	[tilespmem:s23], [sflag:$0x1] =	stream.indirect.gather [hbm4b:s13+s22], $0x80, s20, s22, $0xb8;
	[tilespmem:$0x1E000] =	vst v63  }
0x71: {  	_ =	swait.ge [sflag:s26], $0x4000  }
0x72: {  	[sflag:s26] =	ssyncset.done $0x0  }
0x73: {  	s7 =	sadd.s32 $0x80, s7;
	[sflag:s26] =	ssyncadd.s32 $0xFFFFC000  }
0x74: {  	[spmem:s2] =	stream.indirect.scatter.add.f32 [tilespmem:s24], [sflag:$0x4], $0x80, s7, s22, $0xb8;
	[tilespmem:$0x1E000] =	vst v63  }
0x75: {  	_ =	swait.ge [sflag:s17], $0x4000  }
0x76: {  	p0 =	por p0, p0;
	[sflag:s17] =	ssyncset.done $0x0  }
0x77: {  	s7 =	simm.s32 @!p0 $0x0;
	[sflag:s17] =	ssyncadd.s32 $0xFFFFC000  }
0x78: {  	[tilespmem:s3], [sflag:$0x3] =	stream.linear.gather @!p0 [hbm4b:s29+s7], $0x800, $0x38;
	[tilespmem:$0x1E000] =	vst v63  }
0x79: {  	_ = 	snop  }
0x7a: {  	[tilespmem:s21], [sflag:$0x3] =	stream.linear.gather @!p0 [hbm4b:s28+s7], $0x800, $0x38;
	[tilespmem:$0x1E000] =	vst v63  }
0x7b: {  	s0 =	sand.u32 $0xF80, s0  }
0x7c: {  	[tilespmem:s24], [sflag:$0x2] =	stream.indirect.gather [hbm4b:s13+s22], $0x80, s0, s22, $0xb8;
	[tilespmem:$0x1E000] =	vst v63  }
0x7d: {  	_ =	swait.ge [sflag:s25], $0x4000  }
0x7e: {  	[sflag:s25] =	ssyncset.done $0x0  }
0x7f: {  	s21 =	simm.s32 $0x1F00;
	[sflag:s25] =	ssyncadd.s32 $0xFFFFC000  }
0x80: {  	[spmem:s2] =	stream.indirect.scatter.add.f32 [tilespmem:s23], [sflag:$0x4], $0x80, s21, s22, $0xb8;
	[tilespmem:$0x1E000] =	vst v63  }
0x81: {  	_ =	swait.ge [sflag:s17], $0x4000  }
0x82: {  	[sflag:s17] =	ssyncset.done $0x0  }
0x83: {  	[sflag:s17] =	ssyncadd.s32 $0xFFFFC000  }
0x84: {  	_ =	swait.ge [sflag:s26], $0x4000  }
0x85: {  	[sflag:s26] =	ssyncset.done $0x0  }
0x86: {  	s28 =	simm.s32 $0x1F80;
	[sflag:s26] =	ssyncadd.s32 $0xFFFFC000  }
0x87: {  	[spmem:s2] =	stream.indirect.scatter.add.f32 [tilespmem:s24], [sflag:$0x4], $0x80, s28, s22, $0xb8;
	[tilespmem:$0x1E000] =	vst v63  }
0x88: {  	_ =	swait.ge [sflag:s17], $0x4000  }
0x89: {  	[sflag:s17] =	ssyncset.done $0x0  }
0x8a: {  	[sflag:s17] =	ssyncadd.s32 $0xFFFFC000  }
0x8b: {  	[bflag:$0x0] =	sbarrier.arrive $0xFFFF  }
0x8c: {  	s29 =	rddreg [dreg:$0x9]  }
0x8d: {  	s3 =	rddreg [dreg:$0xb]  }
0x8e: {  	[hbm:s29], [sflag:s16] =	dma.local [spmem:s3], $0x2800  }
0x8f: {  	_ =	swait.ge [sflag:s19], $0x2800  }
0x90: {  	s30 =	sadd.s32 $0x1, s30;
	s31 =	rddreg [dreg:$0xa]  }
0x91: {  	p0 =	sne.s32 s30, s31  }
.Ltmp1:
0x92: {  	_ = 	snop;
	(pc) =	sbr.rel @p0 .LBB2_1-.Ltmp1, $3  }
0x93: {  	_ =	sdelay $0x1  }
0x94: {  	[sflag:s19] =	ssyncset.done $0x0  }
0x95: {  	s8 =	smov.u32 s16;
	[sflag:s19] =	ssyncadd.s32 $0xFFFFD800  }
0x96: {  	_ =	sfence.sel $0x180000  }
0x97: {  	[bflag:$0x0] =	sbarrier.arrive $0xFFFF  }
0x98: {  	_ =	strace $0x9000004A  }
0x99: {  	s0 =	stileid.u32;
	[bflag:$0x2] =	sbarrier.arrive $0xFFFF  }
0x9a: {  	p0 =	sne.s32 s0, $0x0;
	s0 =	rddreg [dreg:$0x3]  }
0x9b: {  	s0 =	sadd.s32 @!p0 $0x100000, s0  }
0x9c: {  	[sflag:s0] =	ssyncadd.tile.s32 @!p0 $0x1;
	_ =	shalt  }
.Lfunc_end2:
_tile_overlayer_lowered:
.L_overlay_start_2:
0x9d: {  	(tag) =	ssettag $0x2  }
0x9e: {  	s0 =	rddreg [dreg:$0x0];
	s2 =	stileid.u32  }
0x9f: {  	s1 =	rddreg [dreg:$0x1];
	p0 =	sne.s32 s2, $0x0  }
0xa0: {  	s3 =	rddreg [dreg:$0x2];
	[bflag:$0x3] =	sbarrier.arrive $0xFFFF;
	s2 =	simm.s32 @!p0 $0x1C04  }
0xa1: {  	[timem:s3], [sflag:s2] =	dma.local @!p0 [hbm:s0], s1  }
0xa2: {  	s0 =	simm.s32 @!p0 $0x4  }
0xa3: {  	_ =	swait.ge @!p0 [sflag:s0], s1  }
0xa4: {  	s1 =	ssub.s32 @!p0 $0x0, s1;
	[sflag:s0] =	ssyncset.done @!p0 $0x0  }
0xa5: {  	[sflag:s0] =	ssyncadd.s32 @!p0 s1  }
0xa6: {  	[bflag:$0x3] =	sbarrier.arrive $0xFFFF  }
0xa7: {  	_ =	shalt  }

// kernel: kernel.15.cloned.1.call-start
scs
__scs_entry_jumppad:
0x0: {  	(pc) =	sbr.rel $0x88, $3  }
0x1: {  	(tag) =	ssettag $0x0;
	lr =	simm.s32 $0x1  }
0x2: {  	[smem:$0x3F9B] =	sst lr;
	_ =	strace $0xD0000000  }
0x3: {  	_ = 	snop  }
0x4: {  	_ = 	snop  }
0x5: {  	_ = 	snop  }
0x6: {  	_ = 	snop  }
0x7: {  	_ = 	snop  }
__scs_overlays_trampoline_lowered:
0x8: {  	[smem:$0x3FAA] =	sst s0  }
0x9: {  	[smem:$0x3FAB] =	sst s1  }
0xa: {  	[smem:$0x3FAC] =	sst s2  }
0xb: {  	[smem:$0x3FAD] =	sst s3  }
0xc: {  	[smem:$0x3FAE] =	sst s4  }
0xd: {  	[smem:$0x3FAF] =	sst s5  }
0xe: {  	[smem:$0x3FB0] =	sst s6  }
0xf: {  	[smem:$0x3FB1] =	sst s7  }
0x10: {  	[smem:$0x3FB2] =	sst s8  }
0x11: {  	[smem:$0x3FB3] =	sst s9;
	s0 =	simm.s32 @!p0 $0x0  }
0x12: {  	s1 =	sld [smem:$0x3F99];
	s0 =	simm.s32 @p0 $0x1  }
0x13: {  	[smem:$0x3FB4] =	sst s0;
	s0 =	simm.s32 @!p1 $0x0  }
0x14: {  	s2 =	sld [smem:$0x3F98];
	s0 =	simm.s32 @p1 $0x1  }
0x15: {  	[smem:$0x3FB5] =	sst s0;
	s0 =	simm.s32 @!p2 $0x0  }
0x16: {  	s3 =	sld [smem:$0x3FDB];
	s0 =	simm.s32 @p2 $0x1  }
0x17: {  	s4 =	simm.s32 $0x1BF5;
	[smem:$0x3FB7] =	sst s0  }
0x18: {  	s0 =	sld [smem:$0x3F9A];
	_ =	swait.ge [sflag:s4], $0x0  }
0x19: {  	s7 =	sld [smem:$0x3F9B]  }
0x1a: {  	s8 =	sadd.s32 $0xFFFFE003, lr  }
0x1b: {  	s9 =	sadd.s32 $0xFFFFFEF7, lr;
	s5 =	simm.s32 $0xFFFFFFFF;
	p2 =	slt.u32 s8, $0xFFFFF086  }
0x1c: {  	p1 =	slt.u32 s9, $0xF7A;
	s5 =	simm.s32 @!p2 $0x0  }
0x1d: {  	s5 =	simm.s32 @p1 $0x1;
	p0 =	seq.s32 s7, s2  }
0x1e: {  	s7 =	smul.u32 @!p0 $0xF7A, s2;
	p2 =	seq.s32 @!p0 s5, $0x0  }
0x1f: {  	s9 =	smul.u32 $0xF7A, s1;
	s8 =	simm.s32 @!p0 $0x1BF5;
	p2 =	por !p2, p0  }
0x20: {  	[sflag:s8] =	ssyncset.s32 @!p0 $0xFFFFF086;
	s6 =	sadd.s32 @!p0 s3, s7;
	s7 =	simm.s32 @!p0 $0x108  }
0x21: {  	s3 =	sadd.s32 s3, s9;
	s6 =	sadd.s32 @!p0 $0x88, s6;
	s7 =	simm.s32 @p2 $0x1082  }
0x22: {  	[simem:s7], [sflag:s8] =	dma.local @!p0 [hbm:s6], $0xF7A  }
0x23: {  	s9 =	sor.u32 $0xD0000000, s2;
	s6 =	simm.s32 $0x108;
	_ =	swait.ge @!p0 [sflag:s8], $0x0  }
0x24: {  	s3 =	sadd.s32 $0x88, s3;
	s6 =	simm.s32 @!p1 $0x1082;
	[sflag:s4] =	ssyncset.s32 $0xFFFFF086  }
0x25: {  	[simem:s6], [sflag:s4] =	dma.local [hbm:s3], $0xF7A  }
0x26: {  	[smem:$0x3F9B] =	sst s1;
	(tag) =	ssettag s2;
	_ =	strace s9  }
0x27: {  	s1 =	sld [smem:$0x3FAB]  }
0x28: {  	s2 =	sld [smem:$0x3FAC]  }
0x29: {  	s4 =	sld [smem:$0x3FAE]  }
0x2a: {  	p0 =	seq.s32 s5, $0x0;
	s5 =	sld [smem:$0x3FAF]  }
0x2b: {  	s6 =	sld [smem:$0x3FB0]  }
0x2c: {  	s7 =	sld [smem:$0x3FB1]  }
0x2d: {  	s3 =	simm.s32 $0x108;
	s8 =	sld [smem:$0x3FB2]  }
0x2e: {  	s3 =	simm.s32 @!p0 $0x1082;
	s9 =	sld [smem:$0x3FB3]  }
0x2f: {  	lr =	sadd.s32 s0, s3;
	s0 =	sld [smem:$0x3FAA]  }
0x30: {  	s3 =	sld [smem:$0x3FAD]  }
0x31: {  	[smem:$0x3FB6] =	sst s10  }
0x32: {  	s10 =	sld [smem:$0x3FB4];
	_ =	sdelay $0x3  }
0x33: {  	p0 =	seq.s32 s10, $0x1;
	s10 =	sld [smem:$0x3FB6];
	_ =	sdelay $0x3  }
0x34: {  	[smem:$0x3FB6] =	sst s10  }
0x35: {  	s10 =	sld [smem:$0x3FB5];
	_ =	sdelay $0x3  }
0x36: {  	p1 =	seq.s32 s10, $0x1;
	s10 =	sld [smem:$0x3FB6];
	_ =	sdelay $0x3  }
0x37: {  	[smem:$0x3FB6] =	sst s10  }
0x38: {  	s10 =	sld [smem:$0x3FB7]  }
0x39: {  	_ = 	snop;
	(pc) =	sbr.ind lr, $3  }
0x3a: {  	_ = 	snop  }
0x3b: {  	_ = 	snop  }
0x3c: {  	p2 =	seq.s32 s10, $0x1;
	s10 =	sld [smem:$0x3FB6]  }
0x3d: {  	_ =	shalt  }
0x3e: {  	_ =	shalt  }
0x3f: {  	_ =	shalt  }
0x40: {  	_ =	shalt  }
0x41: {  	_ =	shalt  }
0x42: {  	_ =	shalt  }
0x43: {  	_ =	shalt  }
0x44: {  	_ =	shalt  }
0x45: {  	_ =	shalt  }
0x46: {  	_ =	shalt  }
0x47: {  	_ =	shalt  }
0x48: {  	_ =	shalt  }
0x49: {  	_ =	shalt  }
0x4a: {  	_ =	shalt  }
0x4b: {  	_ =	shalt  }
0x4c: {  	_ =	shalt  }
0x4d: {  	_ =	shalt  }
0x4e: {  	_ =	shalt  }
0x4f: {  	_ =	shalt  }
0x50: {  	_ =	shalt  }
0x51: {  	_ =	shalt  }
0x52: {  	_ =	shalt  }
0x53: {  	_ =	shalt  }
0x54: {  	_ =	shalt  }
0x55: {  	_ =	shalt  }
0x56: {  	_ =	shalt  }
0x57: {  	_ =	shalt  }
0x58: {  	_ =	shalt  }
0x59: {  	_ =	shalt  }
0x5a: {  	_ =	shalt  }
0x5b: {  	_ =	shalt  }
0x5c: {  	_ =	shalt  }
0x5d: {  	_ =	shalt  }
0x5e: {  	_ =	shalt  }
0x5f: {  	_ =	shalt  }
0x60: {  	_ =	shalt  }
0x61: {  	_ =	shalt  }
0x62: {  	_ =	shalt  }
0x63: {  	_ =	shalt  }
0x64: {  	_ =	shalt  }
0x65: {  	_ =	shalt  }
0x66: {  	_ =	shalt  }
0x67: {  	_ =	shalt  }
0x68: {  	_ =	shalt  }
0x69: {  	_ =	shalt  }
0x6a: {  	_ =	shalt  }
0x6b: {  	_ =	shalt  }
0x6c: {  	_ =	shalt  }
0x6d: {  	_ =	shalt  }
0x6e: {  	_ =	shalt  }
0x6f: {  	_ =	shalt  }
0x70: {  	_ =	shalt  }
0x71: {  	_ =	shalt  }
0x72: {  	_ =	shalt  }
0x73: {  	_ =	shalt  }
0x74: {  	_ =	shalt  }
0x75: {  	_ =	shalt  }
0x76: {  	_ =	shalt  }
0x77: {  	_ =	shalt  }
0x78: {  	_ =	shalt  }
0x79: {  	_ =	shalt  }
0x7a: {  	_ =	shalt  }
0x7b: {  	_ =	shalt  }
0x7c: {  	_ =	shalt  }
0x7d: {  	_ =	shalt  }
0x7e: {  	_ =	shalt  }
0x7f: {  	_ =	shalt  }
0x80: {  	_ =	shalt  }
0x81: {  	_ =	shalt  }
0x82: {  	_ =	shalt  }
0x83: {  	_ =	shalt  }
0x84: {  	_ =	shalt  }
0x85: {  	_ =	shalt  }
0x86: {  	_ =	shalt  }
0x87: {  	_ =	shalt  }
.Lfunc_end0:
.L_simem_size_0:
called_computation.2_lowered:
.L_overlay_start_0:
0x88: {  	s2 =	sld [smem:$0x3FD9]  }
0x89: {  	s3 =	sld [smem:$0x3FFE];
	_ =	sdelay $0x1  }
0x8a: {  	s1 =	srdreg.scid  }
0x8b: {  	s0 =	sand.u32 $0x1, s1  }
0x8c: {  	s17 =	sshll.u32 s0, $0xA;
	s2 =	sadd.s32 s3, s2  }
0x8d: {  	s2 =	sadd.s32 s2, s17  }
0x8e: {  	[smem:$0x3FC2] =	sst s2  }
0x8f: {  	_ = 	snop  }
0x90: {  	s2 =	sld [smem:$0x3FD0];
	(tm) =	ssettm $0x1  }
0x91: {  	s18 =	sld [smem:$0x3FFB];
	_ =	sdelay $0x3  }
0x92: {  	_ =	strace s18  }
0x93: {  	s3 =	sld [smem:$0x3FFC];
	_ =	sdelay $0x3  }
0x94: {  	_ =	strace s3  }
0x95: {  	s3 =	sld [smem:$0x3FFD];
	_ =	sdelay $0x3  }
0x96: {  	_ =	strace s3  }
0x97: {  	_ =	strace $0x8FFFFFFF  }
0x98: {  	s19 =	sld [smem:$0x3FDB];
	_ =	sdelay $0x1  }
0x99: {  	s4 =	simm.s32 $_scs_section_size  }
0x9a: {  	s5 =	simm.s32 $_size__tile_overlayer_lowered;
	s6 =	simm.s32 $_tile_overlayer_lowered  }
0x9b: {  	s22 =	simm.s32 $0x1BFF;
	s21 =	sshll.u32 s6, $0x1;
	s3 =	sadd.s32 s4, s19  }
0x9c: {  	s7 =	simm.s32 $0x0;
	s20 =	sshll.u32 s5, $0x1;
	s5 =	sadd.s32 s21, s3  }
0x9d: {  	[timem:s7], [sflag:s22] =	dma.local [hbm:s5], s20  }
0x9e: {  	_ =	swait.ge [sflag:s22], s20  }
0x9f: {  	s4 =	ssub.s32 $0x0, s20;
	[sflag:s22] =	ssyncset.done $0x0  }
0xa0: {  	[sflag:s22] =	ssyncadd.s32 s4;
	_ =	sdelay $0x1  }
0xa1: {  	s23 =	simm.s32 $0x1B8B  }
0xa2: {  	_ =	swait.ge [sflag:s23], $0x1  }
0xa3: {  	[sflag:s23] =	ssyncset.done $0x0  }
0xa4: {  	s25 =	simm.s32 $0x1B8E;
	s24 =	sld [smem:$0x3FFE];
	[sflag:s23] =	ssyncadd.s32 $0xFFFFFFFF  }
0xa5: {  	s26 =	simm.s32 $execute0_lowered;
	[smem:$0x3FD2] =	sst s25  }
0xa6: {  	s5 =	sshll.u32 s26, $0x1;
	_ =	strace $0x8000004C;
	[dreg:$0x1] =	wrdreg $0xFFFFFFFF  }
0xa7: {  	s28 =	simm.s32 $_size_execute0_lowered;
	s3 =	sadd.s32 s3, s5;
	[dreg:$0x0] =	wrdreg $0x0  }
0xa8: {  	s5 =	sshll.u32 s28, $0x1;
	[dreg:$0x2] =	wrdreg s3  }
0xa9: {  	[dreg:$0x3] =	wrdreg s5  }
0xaa: {  	[dreg:$0x4] =	wrdreg $0xC0  }
0xab: {  	_ =	task [dreg:s7], $0x5FFFF  }
0xac: {  	[dreg:$0x1] =	wrdreg $0xFFFFFFFF  }
0xad: {  	[dreg:$0x0] =	wrdreg $0x60  }
0xae: {  	[dreg:$0x2] =	wrdreg s24  }
0xaf: {  	[dreg:$0x3] =	wrdreg s2  }
0xb0: {  	[dreg:$0x4] =	wrdreg $0xA0000  }
0xb1: {  	[dreg:$0x5] =	wrdreg $0x9  }
0xb2: {  	_ =	task.clear_ibuf [dreg:s7], $0x6FFFF;
	_ =	strace $0x9000004C  }
0xb3: {  	s29 =	simm.s32 $0x9;
	_ =	strace $0x8000004E  }
0xb4: {  	_ =	swait.ge [sflag:s29], $0x1  }
0xb5: {  	[sflag:s29] =	ssyncadd.s32 $0xFFFFFFFF  }
0xb6: {  	_ =	strace $0x9000004E  }
0xb7: {  	_ =	sfence  }
0xb8: {  	s30 =	sld [smem:$0x0];
	_ =	sdelay $0x2  }
0xb9: {  	s31 =	sshll.u32 s1, $0xD;
	s1 =	sshrl.u32 s1, $0x2  }
0xba: {  	s3 =	sand.u32 $0x4000, s31;
	s1 =	sadd.s32 s1, s30  }
0xbb: {  	s0 =	sor.u32 s3, s0;
	s1 =	sshll.u32 s1, $0x11  }
0xbc: {  	s0 =	sor.u32 s1, s0  }
0xbd: {  	s0 =	sadd.s32 $0x8F2B, s0  }
0xbe: {  	[sflag:s0] =	ssyncadd.remote.s32 $0x1  }
0xbf: {  	_ =	sfence.sel $0xFFFF  }
0xc0: {  	[dreg:$0x0] =	wrdreg $0xFFFFFFFF;
	(pc) =	sbr.abs _section_cstart, $3  }
0xc1: {  	[dreg:$0x1] =	wrdreg $0xFFFFFFFF  }
0xc2: {  	_ =	task.clear_ibuf [dreg:s7], $0x2FFFF;
	_ =	strace $0x9FFFFFFF  }
0xc3: {  	(tm) =	ssettm $0x7FFFFFFF  }
tec
execute0_lowered:
.L_overlay_start_1:
0x0: {  	(tag) =	ssettag $0x1  }
0x1: {  	s0 =	rddreg [dreg:$0x0]  }
0x2: {  	s1 =	rddreg [dreg:$0x1]  }
0x3: {  	s2 =	rddreg [dreg:$0x2];
	s3 =	srdreg.scid;
	s4 =	simm.s32 $0x0  }
0x4: {  	s12 =	stileid.u32;
	s17 =	simm.s32 $0x4;
	s19 =	simm.s32 $0x3  }
0x5: {  	s30 =	simm.s32 $0x0;
	s3 =	sand.u32 $0x1, s3;
	s5 =	smul.u32 $0x14000, s12  }
0x6: {  	[smem:$0x7FF] =	sst s4;
	s9 =	sadd.s32 $0x1FC00, s0;
	s8 =	smul.u32 $0x50000, s12  }
0x7: {  	s23 =	sshll.u32 s12, $0x6;
	s7 =	smul.u32 $0x140000, s3;
	s3 =	ssub.s32 $0x2, s3  }
0x8: {  	_ =	strace $0x8000004D;
	s11 =	sshrl.u32 s3, $0x1;
	s8 =	sshrl.u32 s8, $0x2  }
0x9: {  	s6 =	sadd.s32 s5, s7;
	s5 =	sadd.s32 $0x15C00, s0;
	s3 =	ssub.s32 s3, s11  }
0xa: {  	s21 =	sadd.s32 s8, s2;
	s8 =	sor.u32 $0x1C03, s23;
	s7 =	sshrl.u32 s7, $0x3  }
0xb: {  	s23 =	simm.s32 $0x2000;
	s10 =	sshrl.u32 s6, $0x3;
	s31 =	smax.u32 s3, $0x1  }
0xc: {  	s6 =	smul.u32 $0x5000, s12;
	s3 =	sshrl.u32 s21, $0x3;
	[dreg:$0xa] =	wrdreg s31  }
0xd: {  	s0 =	sadd.s32 s10, s0;
	s22 =	sadd.s32 s9, s10;
	[dreg:$0xb] =	wrdreg s3  }
0xe: {  	[dreg:$0x4] =	wrdreg s22;
	s24 =	sshrl.u32 s6, $0x3;
	s0 =	sadd.s32 $0x6FC00, s0  }
0xf: {  	s13 =	sadd.s32 s9, s7;
	s25 =	sadd.s32 s1, s24;
	[dreg:$0x9] =	wrdreg s0  }
0x10: {  	s26 =	sor.u32 $0x100, s24;
	s10 =	sadd.s32 s5, s24;
	[dreg:$0x5] =	wrdreg s25  }
0x11: {  	s22 =	simm.s32 $0x80;
	[dreg:$0x6] =	wrdreg s10;
	s28 =	sadd.s32 s1, s26  }
0x12: {  	s24 =	simm.s32 $0x6000;
	s29 =	sadd.s32 s5, s26;
	[dreg:$0x7] =	wrdreg s28  }
0x13: {  	s25 =	simm.s32 $0x1;
	s26 =	simm.s32 $0x2;
	[dreg:$0x8] =	wrdreg s29  }
.LBB2_1:
0x14: {  	s0 =	rddreg [dreg:$0x4]  }
0x15: {  	[spmem:s3], [sflag:s8] =	dma.local [hbm:s0], $0x2800  }
0x16: {  	s0 =	rddreg [dreg:$0x5]  }
0x17: {  	[tilespmem:s4], [sflag:$0x4] =	stream.linear.gather [hbm4b:s0+s4], $0x800, $0x38;
	[tilespmem:$0x1E000] =	vst v63  }
0x18: {  	_ =	swait.ge [sflag:s17], $0x800  }
0x19: {  	[sflag:s17] =	ssyncset.done $0x0  }
0x1a: {  	s11 =	simm.s32 $0x1000;
	s10 =	rddreg [dreg:$0x6];
	[sflag:s17] =	ssyncadd.s32 $0xFFFFF800  }
0x1b: {  	[tilespmem:s11], [sflag:$0x4] =	stream.linear.gather [hbm4b:s10+s4], $0x800, $0x38;
	[tilespmem:$0x1E000] =	vst v63  }
0x1c: {  	_ =	swait.ge [sflag:s17], $0x800  }
0x1d: {  	[sflag:s17] =	ssyncset.done $0x0  }
0x1e: {  	[sflag:s17] =	ssyncadd.s32 $0xFFFFF800  }
0x1f: {  	_ =	swait.ge [sflag:s19], $0x2800  }
0x20: {  	[sflag:s19] =	ssyncset.done $0x0  }
0x21: {  	[sflag:s19] =	ssyncadd.s32 $0xFFFFD800  }
0x22: {  	[bflag:$0x0] =	sbarrier.arrive $0xFFFF  }
0x23: {  	s16 =	smov.u32 s8;
	s14 =	simm.s32 $0x800;
	s12 =	rddreg [dreg:$0x7]  }
0x24: {  	[tilespmem:s14], [sflag:$0x3] =	stream.linear.gather [hbm4b:s12+s4], $0x800, $0x38;
	[tilespmem:$0x1E000] =	vst v63  }
0x25: {  	s18 =	simm.s32 $0x1800;
	p0 =	por $0x0, $0x0;
	s15 =	rddreg [dreg:$0x8]  }
0x26: {  	[tilespmem:s18], [sflag:$0x3] =	stream.linear.gather [hbm4b:s15+s4], $0x800, $0x38;
	[tilespmem:$0x1E000] =	vst v63  }
0x27: {  	s20 =	sand.u32 $0x800, s4;
	s31 =	simm.s32 $0x100;
	s0 =	sand.u32 $0xE, s4  }
0x28: {  	[tilespmem:s23], [sflag:$0x1] =	stream.indirect.gather [hbm4b:s13+s22], $0x80, s4, s22, $0xb8;
	[tilespmem:$0x1E000] =	vst v63  }
0x29: {  	s21 =	sand.u32 $0xF00, s31;
	p1 =	sne.s32 @!p0 s0, $0xE;
	p2 =	sne.s32 @!p0 s0, $0x0  }
0x2a: {  	[tilespmem:s24], [sflag:$0x2] =	stream.indirect.gather [hbm4b:s13+s22], $0x80, s22, s22, $0xb8;
	[tilespmem:$0x1E000] =	vst v63  }
0x2b: {  	s0 =	sshll.u32 s0, $0x7;
	p0 =	por p0, p0;
	_ =	swait.ge [sflag:s25], $0x4000  }
0x2c: {  	s0 =	sor.u32 s0, s20;
	p2 =	por p2, p0;
	[sflag:s25] =	ssyncset.done $0x0  }
0x2d: {  	p1 =	por p1, p1;
	s0 =	sor.u32 $0x1000, s0;
	[sflag:s25] =	ssyncadd.s32 $0xFFFFC000  }
0x2e: {  	[spmem:s2] =	stream.indirect.scatter.add.f32 [tilespmem:s23], [sflag:$0x4], $0x80, s0, s22, $0xb8;
	[tilespmem:$0x1E000] =	vst v63  }
0x2f: {  	s3 =	sand.u32 @!p2 $0x7800, s4;
	p0 =	por p1, p0;
	_ =	swait.ge [sflag:s17], $0x4000  }
0x30: {  	p1 =	por $0x0, $0x0;
	s3 =	sadd.s32 @!p2 $0x800, s3;
	[sflag:s17] =	ssyncset.done $0x0  }
0x31: {  	s9 =	simm.s32 @!p0 $0x3;
	s10 =	simm.s32 $0x180;
	[sflag:s17] =	ssyncadd.s32 $0xFFFFC000  }
0x32: {  	s7 =	sadd.s32 @!p2 s6, s3;
	s3 =	sand.u32 @!p2 $0x800, s3;
	_ =	swait.ge @!p0 [sflag:s9], $0x800  }
0x33: {  	s7 =	sshrl.u32 @!p2 s7, $0x3;
	s20 =	sor.u32 @!p2 $0x1000, s3;
	[sflag:s9] =	ssyncset.done @!p0 $0x0  }
0x34: {  	s11 =	sadd.s32 @!p2 s1, s7;
	s18 =	simm.s32 $0x2;
	[sflag:s9] =	ssyncadd.s32 @!p0 $0xFFFFF800  }
0x35: {  	s7 =	sadd.s32 @!p2 s5, s7;
	s12 =	sand.u32 $0xE, s18;
	_ =	swait.ge @!p0 [sflag:s9], $0x800  }
0x36: {  	p2 =	por p2, p2;
	p3 =	sne.s32 @!p1 s12, $0xE;
	[sflag:s9] =	ssyncset.done @!p0 $0x0  }
0x37: {  	[sflag:s9] =	ssyncadd.s32 @!p0 $0xFFFFF800;
	p0 =	sne.s32 @!p1 s12, $0x0;
	p1 =	por p1, p1  }
0x38: {  	[tilespmem:s23], [sflag:$0x1] =	stream.indirect.gather [hbm4b:s13+s22], $0x80, s21, s22, $0xb8;
	[tilespmem:$0x1E000] =	vst v63  }
0x39: {  	s18 =	simm.s32 $0x2;
	p0 =	por p0, p1;
	_ =	swait.ge [sflag:s26], $0x4000  }
0x3a: {  	p3 =	por p3, p3;
	s9 =	sand.u32 @!p0 $0x7800, s31;
	[sflag:s26] =	ssyncset.done $0x0  }
0x3b: {  	s0 =	sadd.s32 $0x80, s0;
	s9 =	sadd.s32 @!p0 $0x800, s9;
	[sflag:s26] =	ssyncadd.s32 $0xFFFFC000  }
0x3c: {  	[spmem:s2] =	stream.indirect.scatter.add.f32 [tilespmem:s24], [sflag:$0x4], $0x80, s0, s22, $0xb8;
	[tilespmem:$0x1E000] =	vst v63  }
0x3d: {  	s21 =	simm.s32 @!p2 $0x0;
	s0 =	sadd.s32 @!p0 s6, s9;
	_ =	swait.ge [sflag:s17], $0x4000  }
0x3e: {  	s28 =	sshrl.u32 @!p0 s0, $0x3;
	s0 =	simm.s32 $0x280;
	[sflag:s17] =	ssyncset.done $0x0  }
0x3f: {  	s29 =	sadd.s32 @!p0 s1, s28;
	s28 =	sadd.s32 @!p0 s5, s28;
	[sflag:s17] =	ssyncadd.s32 $0xFFFFC000  }
0x40: {  	[tilespmem:s3], [sflag:$0x3] =	stream.linear.gather @!p2 [hbm4b:s11+s21], $0x800, $0x38;
	[tilespmem:$0x1E000] =	vst v63  }
0x41: {  	s3 =	sand.u32 @!p0 $0x800, s9;
	s11 =	sand.u32 $0xF80, s10;
	s9 =	sand.u32 $0x800, s31  }
0x42: {  	[tilespmem:s20], [sflag:$0x3] =	stream.linear.gather @!p2 [hbm4b:s7+s21], $0x800, $0x38;
	[tilespmem:$0x1E000] =	vst v63  }
0x43: {  	s10 =	sshll.u32 s12, $0x7;
	s21 =	sor.u32 @!p0 $0x1000, s3;
	s20 =	simm.s32 $0x4  }
.LBB2_2:
0x44: {  	[tilespmem:s24], [sflag:$0x2] =	stream.indirect.gather [hbm4b:s13+s22], $0x80, s11, s22, $0xb8;
	[tilespmem:$0x1E000] =	vst v63  }
0x45: {  	p4 =	sgt.u32 s18, $0x47;
	s18 =	sadd.s32 $0x1, s18  }
0x46: {  	_ =	swait.ge [sflag:s25], $0x4000;
	p2 =	sne.s32 s18, $0x4F  }
0x47: {  	s9 =	sor.u32 s10, s9;
	[sflag:s25] =	ssyncset.done $0x0;
	s8 =	simm.s32 @!p2 $0x0  }
0x48: {  	s9 =	sor.u32 $0x1000, s9;
	[sflag:s25] =	ssyncadd.s32 $0xFFFFC000;
	s8 =	simm.s32 @p2 $0x1  }
0x49: {  	[spmem:s2] =	stream.indirect.scatter.add.f32 [tilespmem:s23], [sflag:$0x4], $0x80, s9, s22, $0xb8;
	[tilespmem:$0x1E000] =	vst v63  }
0x4a: {  	[smem:$0x7FD] =	sst s8  }
0x4b: {  	_ =	swait.ge [sflag:s17], $0x4000  }
0x4c: {  	p2 =	por p3, p1;
	[sflag:s17] =	ssyncset.done $0x0  }
0x4d: {  	s11 =	simm.s32 @!p2 $0x3;
	[sflag:s17] =	ssyncadd.s32 $0xFFFFC000  }
0x4e: {  	s7 =	sand.u32 $0xE, s20;
	s10 =	smov.u32 s29;
	_ =	swait.ge @!p2 [sflag:s11], $0x800  }
0x4f: {  	s12 =	smov.u32 s21;
	s14 =	smov.u32 s28;
	[sflag:s11] =	ssyncset.done @!p2 $0x0  }
0x50: {  	s31 =	sadd.s32 $0x100, s31;
	p5 =	sne.s32 @!p4 s7, $0xE;
	[sflag:s11] =	ssyncadd.s32 @!p2 $0xFFFFF800  }
0x51: {  	p6 =	sne.s32 @!p4 s7, $0x0;
	p1 =	por p4, p4;
	_ =	swait.ge @!p2 [sflag:s11], $0x800  }
0x52: {  	p4 =	por p0, p0;
	p0 =	por p6, p1;
	[sflag:s11] =	ssyncset.done @!p2 $0x0  }
0x53: {  	s8 =	sand.u32 $0xF00, s31;
	s21 =	sand.u32 @!p0 $0x7800, s31;
	[sflag:s11] =	ssyncadd.s32 @!p2 $0xFFFFF800  }
0x54: {  	[tilespmem:s23], [sflag:$0x1] =	stream.indirect.gather [hbm4b:s13+s22], $0x80, s8, s22, $0xb8;
	[tilespmem:$0x1E000] =	vst v63  }
0x55: {  	s15 =	sadd.s32 $0x180, s31;
	s11 =	sadd.s32 @!p0 $0x800, s21;
	_ =	swait.ge [sflag:s26], $0x4000  }
0x56: {  	s9 =	sadd.s32 $0x80, s9;
	s21 =	sadd.s32 @!p0 s6, s11;
	[sflag:s26] =	ssyncset.done $0x0  }
0x57: {  	s8 =	sand.u32 @!p0 $0x800, s11;
	s11 =	sshrl.u32 @!p0 s21, $0x3;
	[sflag:s26] =	ssyncadd.s32 $0xFFFFC000  }
0x58: {  	[spmem:s2] =	stream.indirect.scatter.add.f32 [tilespmem:s24], [sflag:$0x4], $0x80, s9, s22, $0xb8;
	[tilespmem:$0x1E000] =	vst v63  }
0x59: {  	s29 =	sadd.s32 @!p0 s1, s11;
	s28 =	sadd.s32 @!p0 s5, s11;
	_ =	swait.ge [sflag:s17], $0x4000  }
0x5a: {  	s11 =	sand.u32 $0xF80, s0;
	s0 =	smov.u32 s15;
	s15 =	sld [smem:$0x7FD]  }
0x5b: {  	_ =	sdelay $0x1  }
0x5c: {  	[sflag:s17] =	ssyncset.done $0x0;
	p2 =	seq.s32 s15, $0x1  }
.Ltmp0:
0x5d: {  	s9 =	simm.s32 @!p4 $0x0;
	[sflag:s17] =	ssyncadd.s32 $0xFFFFC000;
	(pc) =	sbr.rel @p2 .LBB2_2-.Ltmp0, $4  }
0x5e: {  	[tilespmem:s3], [sflag:$0x3] =	stream.linear.gather @!p4 [hbm4b:s10+s9], $0x800, $0x38;
	[tilespmem:$0x1E000] =	vst v63  }
0x5f: {  	s20 =	sadd.s32 $0x2, s20;
	p3 =	por p5, p5;
	s21 =	sor.u32 @!p0 $0x1000, s8  }
0x60: {  	[tilespmem:s12], [sflag:$0x3] =	stream.linear.gather @!p4 [hbm4b:s14+s9], $0x800, $0x38;
	[tilespmem:$0x1E000] =	vst v63  }
0x61: {  	s3 =	smov.u32 s8;
	s10 =	sshll.u32 s7, $0x7;
	s9 =	sand.u32 $0x800, s31  }
0x62: {  	[tilespmem:s24], [sflag:$0x2] =	stream.indirect.gather [hbm4b:s13+s22], $0x80, s11, s22, $0xb8;
	[tilespmem:$0x1E000] =	vst v63  }
0x63: {  	_ =	swait.ge [sflag:s25], $0x4000  }
0x64: {  	s7 =	sor.u32 s10, s9;
	[sflag:s25] =	ssyncset.done $0x0  }
0x65: {  	s7 =	sor.u32 $0x1000, s7;
	[sflag:s25] =	ssyncadd.s32 $0xFFFFC000  }
0x66: {  	[spmem:s2] =	stream.indirect.scatter.add.f32 [tilespmem:s23], [sflag:$0x4], $0x80, s7, s22, $0xb8;
	[tilespmem:$0x1E000] =	vst v63  }
0x67: {  	_ =	swait.ge [sflag:s17], $0x4000  }
0x68: {  	p1 =	por p3, p1;
	[sflag:s17] =	ssyncset.done $0x0  }
0x69: {  	s8 =	simm.s32 @!p1 $0x3;
	[sflag:s17] =	ssyncadd.s32 $0xFFFFC000  }
0x6a: {  	_ =	swait.ge @!p1 [sflag:s8], $0x800  }
0x6b: {  	[sflag:s8] =	ssyncset.done @!p1 $0x0  }
0x6c: {  	[sflag:s8] =	ssyncadd.s32 @!p1 $0xFFFFF800  }
0x6d: {  	_ =	swait.ge @!p1 [sflag:s8], $0x800  }
0x6e: {  	s18 =	sadd.s32 $0x100, s31;
	[sflag:s8] =	ssyncset.done @!p1 $0x0  }
0x6f: {  	s20 =	sand.u32 $0xF00, s18;
	[sflag:s8] =	ssyncadd.s32 @!p1 $0xFFFFF800  }
0x70: {  	[tilespmem:s23], [sflag:$0x1] =	stream.indirect.gather [hbm4b:s13+s22], $0x80, s20, s22, $0xb8;
	[tilespmem:$0x1E000] =	vst v63  }
0x71: {  	_ =	swait.ge [sflag:s26], $0x4000  }
0x72: {  	[sflag:s26] =	ssyncset.done $0x0  }
0x73: {  	s7 =	sadd.s32 $0x80, s7;
	[sflag:s26] =	ssyncadd.s32 $0xFFFFC000  }
0x74: {  	[spmem:s2] =	stream.indirect.scatter.add.f32 [tilespmem:s24], [sflag:$0x4], $0x80, s7, s22, $0xb8;
	[tilespmem:$0x1E000] =	vst v63  }
0x75: {  	_ =	swait.ge [sflag:s17], $0x4000  }
0x76: {  	p0 =	por p0, p0;
	[sflag:s17] =	ssyncset.done $0x0  }
0x77: {  	s7 =	simm.s32 @!p0 $0x0;
	[sflag:s17] =	ssyncadd.s32 $0xFFFFC000  }
0x78: {  	[tilespmem:s3], [sflag:$0x3] =	stream.linear.gather @!p0 [hbm4b:s29+s7], $0x800, $0x38;
	[tilespmem:$0x1E000] =	vst v63  }
0x79: {  	_ = 	snop  }
0x7a: {  	[tilespmem:s21], [sflag:$0x3] =	stream.linear.gather @!p0 [hbm4b:s28+s7], $0x800, $0x38;
	[tilespmem:$0x1E000] =	vst v63  }
0x7b: {  	s0 =	sand.u32 $0xF80, s0  }
0x7c: {  	[tilespmem:s24], [sflag:$0x2] =	stream.indirect.gather [hbm4b:s13+s22], $0x80, s0, s22, $0xb8;
	[tilespmem:$0x1E000] =	vst v63  }
0x7d: {  	_ =	swait.ge [sflag:s25], $0x4000  }
0x7e: {  	[sflag:s25] =	ssyncset.done $0x0  }
0x7f: {  	s21 =	simm.s32 $0x1F00;
	[sflag:s25] =	ssyncadd.s32 $0xFFFFC000  }
0x80: {  	[spmem:s2] =	stream.indirect.scatter.add.f32 [tilespmem:s23], [sflag:$0x4], $0x80, s21, s22, $0xb8;
	[tilespmem:$0x1E000] =	vst v63  }
0x81: {  	_ =	swait.ge [sflag:s17], $0x4000  }
0x82: {  	[sflag:s17] =	ssyncset.done $0x0  }
0x83: {  	[sflag:s17] =	ssyncadd.s32 $0xFFFFC000  }
0x84: {  	_ =	swait.ge [sflag:s26], $0x4000  }
0x85: {  	[sflag:s26] =	ssyncset.done $0x0  }
0x86: {  	s28 =	simm.s32 $0x1F80;
	[sflag:s26] =	ssyncadd.s32 $0xFFFFC000  }
0x87: {  	[spmem:s2] =	stream.indirect.scatter.add.f32 [tilespmem:s24], [sflag:$0x4], $0x80, s28, s22, $0xb8;
	[tilespmem:$0x1E000] =	vst v63  }
0x88: {  	_ =	swait.ge [sflag:s17], $0x4000  }
0x89: {  	[sflag:s17] =	ssyncset.done $0x0  }
0x8a: {  	[sflag:s17] =	ssyncadd.s32 $0xFFFFC000  }
0x8b: {  	[bflag:$0x0] =	sbarrier.arrive $0xFFFF  }
0x8c: {  	s29 =	rddreg [dreg:$0x9]  }
0x8d: {  	s3 =	rddreg [dreg:$0xb]  }
0x8e: {  	[hbm:s29], [sflag:s16] =	dma.local [spmem:s3], $0x2800  }
0x8f: {  	_ =	swait.ge [sflag:s19], $0x2800  }
0x90: {  	s30 =	sadd.s32 $0x1, s30;
	s31 =	rddreg [dreg:$0xa]  }
0x91: {  	p0 =	sne.s32 s30, s31  }
.Ltmp1:
0x92: {  	_ = 	snop;
	(pc) =	sbr.rel @p0 .LBB2_1-.Ltmp1, $3  }
0x93: {  	_ =	sdelay $0x1  }
0x94: {  	[sflag:s19] =	ssyncset.done $0x0  }
0x95: {  	s8 =	smov.u32 s16;
	[sflag:s19] =	ssyncadd.s32 $0xFFFFD800  }
0x96: {  	_ =	sfence.sel $0x180000  }
0x97: {  	[bflag:$0x0] =	sbarrier.arrive $0xFFFF  }
0x98: {  	_ =	strace $0x9000004D  }
0x99: {  	s0 =	stileid.u32;
	[bflag:$0x2] =	sbarrier.arrive $0xFFFF  }
0x9a: {  	p0 =	sne.s32 s0, $0x0;
	s0 =	rddreg [dreg:$0x3]  }
0x9b: {  	s0 =	sadd.s32 @!p0 $0x100000, s0  }
0x9c: {  	[sflag:s0] =	ssyncadd.tile.s32 @!p0 $0x1;
	_ =	shalt  }
.Lfunc_end2:
_tile_overlayer_lowered:
.L_overlay_start_2:
0x9d: {  	(tag) =	ssettag $0x2  }
0x9e: {  	s0 =	rddreg [dreg:$0x0];
	s2 =	stileid.u32  }
0x9f: {  	s1 =	rddreg [dreg:$0x1];
	p0 =	sne.s32 s2, $0x0  }
0xa0: {  	s3 =	rddreg [dreg:$0x2];
	[bflag:$0x3] =	sbarrier.arrive $0xFFFF;
	s2 =	simm.s32 @!p0 $0x1C04  }
0xa1: {  	[timem:s3], [sflag:s2] =	dma.local @!p0 [hbm:s0], s1  }
0xa2: {  	s0 =	simm.s32 @!p0 $0x4  }
0xa3: {  	_ =	swait.ge @!p0 [sflag:s0], s1  }
0xa4: {  	s1 =	ssub.s32 @!p0 $0x0, s1;
	[sflag:s0] =	ssyncset.done @!p0 $0x0  }
0xa5: {  	[sflag:s0] =	ssyncadd.s32 @!p0 s1  }
0xa6: {  	[bflag:$0x3] =	sbarrier.arrive $0xFFFF  }
0xa7: {  	_ =	shalt  }

// kernel: kernel.9.cloned.1.call-start
scs
__scs_entry_jumppad:
0x0: {  	(pc) =	sbr.rel $0x88, $3  }
0x1: {  	(tag) =	ssettag $0x0;
	lr =	simm.s32 $0x1  }
0x2: {  	[smem:$0x3F9B] =	sst lr;
	_ =	strace $0xD0000000  }
0x3: {  	_ = 	snop  }
0x4: {  	_ = 	snop  }
0x5: {  	_ = 	snop  }
0x6: {  	_ = 	snop  }
0x7: {  	_ = 	snop  }
__scs_overlays_trampoline_lowered:
0x8: {  	[smem:$0x3FAA] =	sst s0  }
0x9: {  	[smem:$0x3FAB] =	sst s1  }
0xa: {  	[smem:$0x3FAC] =	sst s2  }
0xb: {  	[smem:$0x3FAD] =	sst s3  }
0xc: {  	[smem:$0x3FAE] =	sst s4  }
0xd: {  	[smem:$0x3FAF] =	sst s5  }
0xe: {  	[smem:$0x3FB0] =	sst s6  }
0xf: {  	[smem:$0x3FB1] =	sst s7  }
0x10: {  	[smem:$0x3FB2] =	sst s8  }
0x11: {  	[smem:$0x3FB3] =	sst s9;
	s0 =	simm.s32 @!p0 $0x0  }
0x12: {  	s1 =	sld [smem:$0x3F99];
	s0 =	simm.s32 @p0 $0x1  }
0x13: {  	[smem:$0x3FB4] =	sst s0;
	s0 =	simm.s32 @!p1 $0x0  }
0x14: {  	s2 =	sld [smem:$0x3F98];
	s0 =	simm.s32 @p1 $0x1  }
0x15: {  	[smem:$0x3FB5] =	sst s0;
	s0 =	simm.s32 @!p2 $0x0  }
0x16: {  	s3 =	sld [smem:$0x3FDB];
	s0 =	simm.s32 @p2 $0x1  }
0x17: {  	s4 =	simm.s32 $0x1BF5;
	[smem:$0x3FB7] =	sst s0  }
0x18: {  	s0 =	sld [smem:$0x3F9A];
	_ =	swait.ge [sflag:s4], $0x0  }
0x19: {  	s7 =	sld [smem:$0x3F9B]  }
0x1a: {  	s8 =	sadd.s32 $0xFFFFE003, lr  }
0x1b: {  	s9 =	sadd.s32 $0xFFFFFEF7, lr;
	s5 =	simm.s32 $0xFFFFFFFF;
	p2 =	slt.u32 s8, $0xFFFFF086  }
0x1c: {  	p1 =	slt.u32 s9, $0xF7A;
	s5 =	simm.s32 @!p2 $0x0  }
0x1d: {  	s5 =	simm.s32 @p1 $0x1;
	p0 =	seq.s32 s7, s2  }
0x1e: {  	s7 =	smul.u32 @!p0 $0xF7A, s2;
	p2 =	seq.s32 @!p0 s5, $0x0  }
0x1f: {  	s9 =	smul.u32 $0xF7A, s1;
	s8 =	simm.s32 @!p0 $0x1BF5;
	p2 =	por !p2, p0  }
0x20: {  	[sflag:s8] =	ssyncset.s32 @!p0 $0xFFFFF086;
	s6 =	sadd.s32 @!p0 s3, s7;
	s7 =	simm.s32 @!p0 $0x108  }
0x21: {  	s3 =	sadd.s32 s3, s9;
	s6 =	sadd.s32 @!p0 $0x88, s6;
	s7 =	simm.s32 @p2 $0x1082  }
0x22: {  	[simem:s7], [sflag:s8] =	dma.local @!p0 [hbm:s6], $0xF7A  }
0x23: {  	s9 =	sor.u32 $0xD0000000, s2;
	s6 =	simm.s32 $0x108;
	_ =	swait.ge @!p0 [sflag:s8], $0x0  }
0x24: {  	s3 =	sadd.s32 $0x88, s3;
	s6 =	simm.s32 @!p1 $0x1082;
	[sflag:s4] =	ssyncset.s32 $0xFFFFF086  }
0x25: {  	[simem:s6], [sflag:s4] =	dma.local [hbm:s3], $0xF7A  }
0x26: {  	[smem:$0x3F9B] =	sst s1;
	(tag) =	ssettag s2;
	_ =	strace s9  }
0x27: {  	s1 =	sld [smem:$0x3FAB]  }
0x28: {  	s2 =	sld [smem:$0x3FAC]  }
0x29: {  	s4 =	sld [smem:$0x3FAE]  }
0x2a: {  	p0 =	seq.s32 s5, $0x0;
	s5 =	sld [smem:$0x3FAF]  }
0x2b: {  	s6 =	sld [smem:$0x3FB0]  }
0x2c: {  	s7 =	sld [smem:$0x3FB1]  }
0x2d: {  	s3 =	simm.s32 $0x108;
	s8 =	sld [smem:$0x3FB2]  }
0x2e: {  	s3 =	simm.s32 @!p0 $0x1082;
	s9 =	sld [smem:$0x3FB3]  }
0x2f: {  	lr =	sadd.s32 s0, s3;
	s0 =	sld [smem:$0x3FAA]  }
0x30: {  	s3 =	sld [smem:$0x3FAD]  }
0x31: {  	[smem:$0x3FB6] =	sst s10  }
0x32: {  	s10 =	sld [smem:$0x3FB4];
	_ =	sdelay $0x3  }
0x33: {  	p0 =	seq.s32 s10, $0x1;
	s10 =	sld [smem:$0x3FB6];
	_ =	sdelay $0x3  }
0x34: {  	[smem:$0x3FB6] =	sst s10  }
0x35: {  	s10 =	sld [smem:$0x3FB5];
	_ =	sdelay $0x3  }
0x36: {  	p1 =	seq.s32 s10, $0x1;
	s10 =	sld [smem:$0x3FB6];
	_ =	sdelay $0x3  }
0x37: {  	[smem:$0x3FB6] =	sst s10  }
0x38: {  	s10 =	sld [smem:$0x3FB7]  }
0x39: {  	_ = 	snop;
	(pc) =	sbr.ind lr, $3  }
0x3a: {  	_ = 	snop  }
0x3b: {  	_ = 	snop  }
0x3c: {  	p2 =	seq.s32 s10, $0x1;
	s10 =	sld [smem:$0x3FB6]  }
0x3d: {  	_ =	shalt  }
0x3e: {  	_ =	shalt  }
0x3f: {  	_ =	shalt  }
0x40: {  	_ =	shalt  }
0x41: {  	_ =	shalt  }
0x42: {  	_ =	shalt  }
0x43: {  	_ =	shalt  }
0x44: {  	_ =	shalt  }
0x45: {  	_ =	shalt  }
0x46: {  	_ =	shalt  }
0x47: {  	_ =	shalt  }
0x48: {  	_ =	shalt  }
0x49: {  	_ =	shalt  }
0x4a: {  	_ =	shalt  }
0x4b: {  	_ =	shalt  }
0x4c: {  	_ =	shalt  }
0x4d: {  	_ =	shalt  }
0x4e: {  	_ =	shalt  }
0x4f: {  	_ =	shalt  }
0x50: {  	_ =	shalt  }
0x51: {  	_ =	shalt  }
0x52: {  	_ =	shalt  }
0x53: {  	_ =	shalt  }
0x54: {  	_ =	shalt  }
0x55: {  	_ =	shalt  }
0x56: {  	_ =	shalt  }
0x57: {  	_ =	shalt  }
0x58: {  	_ =	shalt  }
0x59: {  	_ =	shalt  }
0x5a: {  	_ =	shalt  }
0x5b: {  	_ =	shalt  }
0x5c: {  	_ =	shalt  }
0x5d: {  	_ =	shalt  }
0x5e: {  	_ =	shalt  }
0x5f: {  	_ =	shalt  }
0x60: {  	_ =	shalt  }
0x61: {  	_ =	shalt  }
0x62: {  	_ =	shalt  }
0x63: {  	_ =	shalt  }
0x64: {  	_ =	shalt  }
0x65: {  	_ =	shalt  }
0x66: {  	_ =	shalt  }
0x67: {  	_ =	shalt  }
0x68: {  	_ =	shalt  }
0x69: {  	_ =	shalt  }
0x6a: {  	_ =	shalt  }
0x6b: {  	_ =	shalt  }
0x6c: {  	_ =	shalt  }
0x6d: {  	_ =	shalt  }
0x6e: {  	_ =	shalt  }
0x6f: {  	_ =	shalt  }
0x70: {  	_ =	shalt  }
0x71: {  	_ =	shalt  }
0x72: {  	_ =	shalt  }
0x73: {  	_ =	shalt  }
0x74: {  	_ =	shalt  }
0x75: {  	_ =	shalt  }
0x76: {  	_ =	shalt  }
0x77: {  	_ =	shalt  }
0x78: {  	_ =	shalt  }
0x79: {  	_ =	shalt  }
0x7a: {  	_ =	shalt  }
0x7b: {  	_ =	shalt  }
0x7c: {  	_ =	shalt  }
0x7d: {  	_ =	shalt  }
0x7e: {  	_ =	shalt  }
0x7f: {  	_ =	shalt  }
0x80: {  	_ =	shalt  }
0x81: {  	_ =	shalt  }
0x82: {  	_ =	shalt  }
0x83: {  	_ =	shalt  }
0x84: {  	_ =	shalt  }
0x85: {  	_ =	shalt  }
0x86: {  	_ =	shalt  }
0x87: {  	_ =	shalt  }
.Lfunc_end0:
.L_simem_size_0:
called_computation_lowered:
.L_overlay_start_0:
0x88: {  	s2 =	sld [smem:$0x3FD9]  }
0x89: {  	s3 =	sld [smem:$0x3FFE];
	_ =	sdelay $0x1  }
0x8a: {  	s1 =	srdreg.scid  }
0x8b: {  	s0 =	sand.u32 $0x1, s1  }
0x8c: {  	s16 =	sshll.u32 s0, $0xA;
	s2 =	sadd.s32 s3, s2  }
0x8d: {  	s2 =	sadd.s32 s2, s16  }
0x8e: {  	[smem:$0x3FC2] =	sst s2  }
0x8f: {  	_ = 	snop  }
0x90: {  	(tm) =	ssettm $0x1  }
0x91: {  	s17 =	sld [smem:$0x3FFB];
	_ =	sdelay $0x3  }
0x92: {  	_ =	strace s17  }
0x93: {  	s2 =	sld [smem:$0x3FFC];
	_ =	sdelay $0x3  }
0x94: {  	_ =	strace s2  }
0x95: {  	s2 =	sld [smem:$0x3FFD];
	_ =	sdelay $0x3  }
0x96: {  	_ =	strace s2  }
0x97: {  	_ =	strace $0x8FFFFFFF  }
0x98: {  	s18 =	sld [smem:$0x3FDB];
	_ =	sdelay $0x1  }
0x99: {  	s19 =	simm.s32 $_scs_section_size  }
0x9a: {  	s4 =	simm.s32 $_size__tile_overlayer_lowered;
	s5 =	simm.s32 $_tile_overlayer_lowered  }
0x9b: {  	s22 =	simm.s32 $0x1BFF;
	s21 =	sshll.u32 s5, $0x1;
	s2 =	sadd.s32 s19, s18  }
0x9c: {  	s6 =	simm.s32 $0x0;
	s20 =	sshll.u32 s4, $0x1;
	s4 =	sadd.s32 s21, s2  }
0x9d: {  	[timem:s6], [sflag:s22] =	dma.local [hbm:s4], s20  }
0x9e: {  	_ =	swait.ge [sflag:s22], s20  }
0x9f: {  	s3 =	ssub.s32 $0x0, s20;
	[sflag:s22] =	ssyncset.done $0x0  }
0xa0: {  	[sflag:s22] =	ssyncadd.s32 s3;
	_ =	sdelay $0x1  }
0xa1: {  	s23 =	simm.s32 $0x1B8B  }
0xa2: {  	_ =	swait.ge [sflag:s23], $0x1  }
0xa3: {  	[sflag:s23] =	ssyncset.done $0x0  }
0xa4: {  	s25 =	simm.s32 $0x1B8E;
	s24 =	sld [smem:$0x3FFE];
	[sflag:s23] =	ssyncadd.s32 $0xFFFFFFFF  }
0xa5: {  	s26 =	simm.s32 $execute0_lowered;
	[smem:$0x3FD2] =	sst s25  }
0xa6: {  	s4 =	sshll.u32 s26, $0x1;
	_ =	strace $0x80000046;
	[dreg:$0x1] =	wrdreg $0xFFFFFFFF  }
0xa7: {  	s28 =	simm.s32 $_size_execute0_lowered;
	s2 =	sadd.s32 s2, s4;
	[dreg:$0x0] =	wrdreg $0x0  }
0xa8: {  	s4 =	sshll.u32 s28, $0x1;
	[dreg:$0x2] =	wrdreg s2  }
0xa9: {  	[dreg:$0x3] =	wrdreg s4  }
0xaa: {  	[dreg:$0x4] =	wrdreg $0xC0  }
0xab: {  	_ =	task [dreg:s6], $0x5FFFF  }
0xac: {  	[dreg:$0x1] =	wrdreg $0xFFFFFFFF  }
0xad: {  	[dreg:$0x0] =	wrdreg $0x60  }
0xae: {  	[dreg:$0x2] =	wrdreg s24  }
0xaf: {  	[dreg:$0x3] =	wrdreg $0x9  }
0xb0: {  	_ =	task.clear_ibuf [dreg:s6], $0x4FFFF;
	_ =	strace $0x90000046  }
0xb1: {  	s29 =	simm.s32 $0x9;
	_ =	strace $0x80000048  }
0xb2: {  	_ =	swait.ge [sflag:s29], $0x1  }
0xb3: {  	[sflag:s29] =	ssyncadd.s32 $0xFFFFFFFF  }
0xb4: {  	_ =	strace $0x90000048  }
0xb5: {  	_ =	sfence  }
0xb6: {  	s30 =	sld [smem:$0x0];
	_ =	sdelay $0x2  }
0xb7: {  	s31 =	sshll.u32 s1, $0xD;
	s1 =	sshrl.u32 s1, $0x2  }
0xb8: {  	s3 =	sand.u32 $0x4000, s31;
	s1 =	sadd.s32 s1, s30  }
0xb9: {  	s0 =	sor.u32 s3, s0;
	s1 =	sshll.u32 s1, $0x11  }
0xba: {  	s0 =	sor.u32 s1, s0  }
0xbb: {  	s0 =	sadd.s32 $0x8F2B, s0  }
0xbc: {  	[sflag:s0] =	ssyncadd.remote.s32 $0x1  }
0xbd: {  	_ =	sfence.sel $0xFFFF  }
0xbe: {  	[dreg:$0x0] =	wrdreg $0xFFFFFFFF;
	(pc) =	sbr.abs _section_cstart, $3  }
0xbf: {  	[dreg:$0x1] =	wrdreg $0xFFFFFFFF  }
0xc0: {  	_ =	task.clear_ibuf [dreg:s6], $0x2FFFF;
	_ =	strace $0x9FFFFFFF  }
0xc1: {  	(tm) =	ssettm $0x7FFFFFFF  }
tec
execute0_lowered:
.L_overlay_start_1:
0x0: {  	(tag) =	ssettag $0x1  }
0x1: {  	s1 =	srdreg.scid  }
0x2: {  	s0 =	stileid.u32;
	s5 =	rddreg [dreg:$0x0]  }
0x3: {  	s2 =	simm.s32 $0x0;
	s8 =	simm.s32 $0x80;
	s9 =	simm.s32 $0x400  }
0x4: {  	s10 =	simm.s32 $0x0;
	s3 =	sand.u32 $0x1, s1;
	s29 =	sshll.u32 s0, $0x1  }
0x5: {  	s30 =	sshrl.u32 s0, $0x2;
	s1 =	rddreg [dreg:$0x1];
	s4 =	sor.u32 s3, s29  }
0x6: {  	[smem:$0x7FF] =	sst s2;
	s6 =	smul.u32 $0x14000, s30;
	s7 =	sshll.u32 s4, $0x7  }
0x7: {  	s3 =	ssub.s32 $0x2, s3;
	s4 =	smul.u32 $0x4E2, s4;
	s7 =	sand.u32 $0x380, s7  }
0x8: {  	_ =	strace $0x80000047;
	s31 =	sshrl.u32 s3, $0x1;
	s6 =	sor.u32 s6, s7  }
0x9: {  	s4 =	sadd.s32 s4, s5;
	s7 =	simm.s32 $0x2780;
	s6 =	sshrl.u32 s6, $0x3  }
0xa: {  	s5 =	sadd.s32 s6, s5;
	s6 =	ssub.s32 s3, s31;
	s3 =	sadd.s32 $0x1E00, s4  }
0xb: {  	v0 =	vimm.f32 $0.0e+00;
	v1 =	vimm.f32 $1.000000000e+00;
	s4 =	sadd.s32 $0xBC00, s5;
	s5 =	smax.u32 s6, $0x1;
	s6 =	simm.s32 $0x1  }
.LBB2_1:
0xc: {  	[tilespmem:s2], [sflag:$0x1] =	stream.linear.gather [hbm4b:s3+s2], $0x2710, $0x38;
	[tilespmem:$0x4F80] =	vst v63  }
0xd: {  	_ =	swait.ge [sflag:s6], $0x2710  }
0xe: {  	[sflag:s6] =	ssyncset.done $0x0  }
0xf: {  	s11 =	simm.s32 $0x0;
	[sflag:s6] =	ssyncadd.s32 $0xFFFFD8F0  }
.LBB2_2:
0x10: {  	p0 =	sne.s32 s11, $0x9FC0  }
.Ltmp0:
0x11: {  	_ = 	snop;
	(pc) =	sbr.rel @p0 .LBB2_2-.Ltmp0, $3  }
0x12: {  	_ =	sdelay $0x1  }
0x13: {  	s12 =	sshra.s32 s11, $0x2  }
0x14: {  	s11 =	sadd.s32 $0x40, s11;
	[tilespmem:s12+$0x2780] =	vst v0  }
0x15: {  	s12 =	simm.s32 $0x0;
	s11 =	simm.s32 $0x40  }
.LBB2_4:
0x16: {  	p0 =	sne.s32 s11, $0x9C00;
	v2 =	vld [tilespmem:s12+$0x0];
	_ =	sdelay $0x3  }
.Ltmp1:
0x17: {  	(pc) =	sbr.rel @p0 .LBB2_4-.Ltmp1, $2  }
0x18: {  	_ =	sdelay $0x2  }
0x19: {  	s12 =	sshra.s32 s11, $0x2;
	s11 =	sadd.s32 $0x40, s11;
	[tilespmem:v2+s7+$0x0] =	vst.idx.add.f32.msk $0xffff, v1  }
0x1a: {  	v2 =	vld [tilespmem:s12+$0x0];
	_ =	sdelay $0x5  }
0x1b: {  	s10 =	sadd.s32 $0x1, s10  }
0x1c: {  	p0 =	sne.s32 s10, s5  }
.Ltmp2:
0x1d: {  	[tilespmem:v2+s7+$0x0] =	vst.idx.add.f32.msk $0xffff, v1;
	(pc) =	sbr.rel @p0 .LBB2_1-.Ltmp2, $4  }
0x1e: {  	[hbm4b:s4+s8] =	stream.strided.scatter [tilespmem:s7], [sflag:$0x1], $0x2800, s9, s8, $0x38;
	[tilespmem:$0x4F80] =	vst v63  }
0x1f: {  	_ =	swait.ge [sflag:s6], $0x2800  }
0x20: {  	[sflag:s6] =	ssyncset.done $0x0  }
0x21: {  	[sflag:s6] =	ssyncadd.s32 $0xFFFFD800  }
0x22: {  	_ =	sfence.sel $0x180000  }
0x23: {  	[bflag:$0x0] =	sbarrier.arrive $0xFFFF  }
0x24: {  	p0 =	sne.s32 s0, $0x0;
	_ =	strace $0x90000047  }
0x25: {  	s0 =	sadd.s32 @!p0 $0x100000, s1;
	[bflag:$0x2] =	sbarrier.arrive $0xFFFF  }
0x26: {  	[sflag:s0] =	ssyncadd.tile.s32 @!p0 $0x1;
	_ =	shalt  }
.Lfunc_end2:
_tile_overlayer_lowered:
.L_overlay_start_2:
0x27: {  	(tag) =	ssettag $0x2  }
0x28: {  	s0 =	rddreg [dreg:$0x0];
	s2 =	stileid.u32  }
0x29: {  	s1 =	rddreg [dreg:$0x1];
	p0 =	sne.s32 s2, $0x0  }
0x2a: {  	s3 =	rddreg [dreg:$0x2];
	[bflag:$0x3] =	sbarrier.arrive $0xFFFF;
	s2 =	simm.s32 @!p0 $0x1C02  }
0x2b: {  	[timem:s3], [sflag:s2] =	dma.local @!p0 [hbm:s0], s1  }
0x2c: {  	s0 =	simm.s32 @!p0 $0x2  }
0x2d: {  	_ =	swait.ge @!p0 [sflag:s0], s1  }
0x2e: {  	s1 =	ssub.s32 @!p0 $0x0, s1;
	[sflag:s0] =	ssyncset.done @!p0 $0x0  }
0x2f: {  	[sflag:s0] =	ssyncadd.s32 @!p0 s1  }
0x30: {  	[bflag:$0x3] =	sbarrier.arrive $0xFFFF  }
0x31: {  	_ =	shalt  }

</sc_bundles>
